<compile_context>
chip_gen: v7x
topology: tpu7x:2x2x1
jax: 0.10.2.dev20260603
libtpu: 0.0.44.dev20260713+nightly
codegen_flags: <defaults>
</compile_context>

<pallas_src>
import functools

import jax
import jax.numpy as jnp
from jax import lax
from jax.experimental import pallas as pl
from jax.experimental.pallas import tpu as pltpu
from jax.experimental.pallas import tpu_sc as plsc

_NUM_AA = 20
_L = 200
_D = 128
_NC, _NS = 2, 16
_NW = _NC * _NS
_LANES = 16
_CHUNK = 128
_NBUF = 4


def _prep_body(aa_ref, pos_ref, len_ref, c_ref, mask_ref):
    c_ref[...] = pos_ref[...][:, None, :] + aa_ref[...][None, :, :]
    pos_iota = lax.broadcasted_iota(jnp.int32, mask_ref.shape, 1)
    mask_ref[...] = (pos_iota >= len_ref[...][:, None]).astype(jnp.int8)


def kernel(aa_indices, seq_lengths, aa_table, pos_table):
    B, Lc = aa_indices.shape
    seq_lengths = seq_lengths.astype(jnp.int32)

    c, mask = pl.pallas_call(
        _prep_body,
        out_shape=(
            jax.ShapeDtypeStruct((_L, _NUM_AA, _D), jnp.float32),
            jax.ShapeDtypeStruct((B, Lc), jnp.int8),
        ),
    )(aa_table, pos_table, seq_lengths)
    mask = mask.astype(jnp.bool_)
    c2 = c.reshape(_L * _NUM_AA, _D)

    R = B * Lc
    rows_per_w = R // _NW
    n_chunks = rows_per_w // _CHUNK
    idx3 = aa_indices.astype(jnp.int32).reshape(_NW, n_chunks, _CHUNK)

    mesh = plsc.VectorSubcoreMesh(core_axis_name="c", subcore_axis_name="s")

    @functools.partial(
        pl.kernel,
        out_type=jax.ShapeDtypeStruct((R, _D), jnp.float32),
        mesh=mesh,
        scratch_types=[
            pltpu.VMEM((n_chunks, _CHUNK), jnp.int32),
            pltpu.VMEM((_NBUF, _CHUNK, _D), jnp.float32),
            pltpu.VMEM_SHARED((_L * _NUM_AA, _D), jnp.float32),
            [pltpu.SemaphoreType.DMA] * _NBUF,
            [pltpu.SemaphoreType.DMA] * _NBUF,
            pltpu.SemaphoreType.DMA,
        ],
    )
    def sc_gather(idx_hbm, c_hbm, out_hbm, flat_v, bufs, c_sh, gsems, wsems,
                  isem):
        sid = lax.axis_index("s")
        wid = sid * _NC + lax.axis_index("c")
        base = wid * rows_per_w

        idx_cp = pltpu.async_copy(idx_hbm.at[wid], flat_v, isem)

        @pl.when(sid < _NS - 1)
        def _load_slice():
            pltpu.sync_copy(c_hbm.at[pl.ds(sid * 256, 256)],
                            c_sh.at[pl.ds(sid * 256, 256)])

        @pl.when(sid == _NS - 1)
        def _load_last():
            pltpu.sync_copy(c_hbm.at[pl.ds(sid * 256, 160)],
                            c_sh.at[pl.ds(sid * 256, 160)])

        plsc.subcore_barrier()
        idx_cp.wait()

        def compute_flat(k):
            m = lax.rem(k * _CHUNK, _L)
            for g in range(_CHUNK // _LANES):
                p = m + g * _LANES + lax.iota(jnp.int32, _LANES)
                p = jnp.where(p >= _L, p - _L, p)
                sl = pl.ds(g * _LANES, _LANES)
                flat_v[k, sl] = flat_v[k, sl] + p * _NUM_AA

        def start_gather(k, b):
            pltpu.async_copy(c_sh.at[flat_v.at[k]], bufs.at[b], gsems[b])

        def wait_gather(b):
            pltpu.make_async_copy(
                c_sh.at[flat_v.at[0]], bufs.at[b], gsems[b]).wait()

        def start_write(k, b):
            pltpu.async_copy(
                bufs.at[b], out_hbm.at[pl.ds(base + k * _CHUNK, _CHUNK)],
                wsems[b])

        def wait_write(b):
            pltpu.make_async_copy(
                bufs.at[b], out_hbm.at[pl.ds(base, _CHUNK)], wsems[b]).wait()

        compute_flat(0)
        compute_flat(1)
        start_gather(0, 0)
        start_gather(1, 1)
        for c in (0, 1):
            compute_flat(c + 2)
            start_gather(c + 2, (c + 2) % _NBUF)
            wait_gather(c % _NBUF)
            start_write(c, c % _NBUF)

        def main_body(j, carry):
            for b in range(_NBUF):
                c = 2 + j * _NBUF + b
                bc = (2 + b) % _NBUF
                bn = (bc + 2) % _NBUF
                compute_flat(c + 2)
                wait_write(bn)
                start_gather(c + 2, bn)
                wait_gather(bc)
                start_write(c, bc)
            return carry

        lax.fori_loop(0, (n_chunks - 4) // _NBUF, main_body, 0)

        for c in (n_chunks - 2, n_chunks - 1):
            bc = c % _NBUF
            wait_gather(bc)
            start_write(c, bc)
            wait_write((bc + 2) % _NBUF)
        for c in (n_chunks - 2, n_chunks - 1):
            wait_write(c % _NBUF)

    out = sc_gather(idx3, c2)
    return out.reshape(B, Lc, _D), mask

# --- scband reference (transcript-rebuilt; emitter-appended) ---
"""Pipeline reference for scband-sequence-embedding-5231270166802 (READ-ONLY COPY).

The authoritative reference and input builder live on the scoring server;
editing this copy changes nothing except your own understanding.
"""

import jax, jax.numpy as jnp
import numpy as np

NUM_AA = 20
SEQ_MAX_LENGTH = 200
EMBED_DIM = 128
BATCH = 4096
SEQ_LEN = 200


def setup_inputs(seed: int = 0) -> dict:
    key = jax.random.key(seed)
    k1, k2, k3, k4 = jax.random.split(key, 4)
    aa_indices = jax.random.randint(k1, (BATCH, SEQ_LEN), 0, NUM_AA, dtype=jnp.int64 if jax.config.jax_enable_x64 else jnp.int32)
    seq_lengths = jax.random.randint(k2, (BATCH,), 0, SEQ_LEN, dtype=jnp.int64 if jax.config.jax_enable_x64 else jnp.int32)
    aa_table = jax.random.normal(k3, (NUM_AA, EMBED_DIM), dtype=jnp.float32)
    pos_table = jax.random.normal(k4, (SEQ_MAX_LENGTH, EMBED_DIM), dtype=jnp.float32)
    return {"aa_indices": aa_indices, "seq_lengths": seq_lengths, "aa_table": aa_table, "pos_table": pos_table}


def reference(aa_indices, seq_lengths, aa_table, pos_table):
    B, L = aa_indices.shape
    # amino-acid embedding lookup (gather)
    aa_embeddings = jnp.take(aa_table, aa_indices, axis=0)
    # positional embedding lookup, broadcast over batch
    position_indices = jnp.arange(L)
    position_embeddings = jnp.take(pos_table, position_indices, axis=0)[None, :, :]
    embeddings = aa_embeddings + position_embeddings
    # padding mask: True where position index >= sequence length
    mask = jnp.arange(L)[None, :] >= seq_lengths[:, None]
    return embeddings, mask

if __name__ == "__main__":
    import jax
    _d = setup_inputs()
    print(jax.jit(kernel)(*tuple(_d.values())))

</pallas_src>

<mosaic_0001>
#map = affine_map<(d0, d1) -> (0, 0, 0)>
#map1 = affine_map<(d0, d1) -> (0, 0)>
module attributes {stable_mosaic.version = 14 : i64} {
  func.func @sc_gather(%arg0: i32, %arg1: i32, %arg2: memref<32x200x128xi32, #tpu.memory_space<hbm>>, %arg3: memref<4000x128xf32, #tpu.memory_space<hbm>>, %arg4: memref<819200x128xf32, #tpu.memory_space<hbm>>, %arg5: memref<200x128xi32, #tpu.memory_space<vmem>>, %arg6: memref<4x128x128xf32, #tpu.memory_space<vmem>>, %arg7: memref<4000x128xf32, #tpu.memory_space<vmem_shared>>, %arg8: memref<!tpu.dma_semaphore, #tpu.memory_space<semaphore_mem>>, %arg9: memref<!tpu.dma_semaphore, #tpu.memory_space<semaphore_mem>>, %arg10: memref<!tpu.dma_semaphore, #tpu.memory_space<semaphore_mem>>, %arg11: memref<!tpu.dma_semaphore, #tpu.memory_space<semaphore_mem>>, %arg12: memref<!tpu.dma_semaphore, #tpu.memory_space<semaphore_mem>>, %arg13: memref<!tpu.dma_semaphore, #tpu.memory_space<semaphore_mem>>, %arg14: memref<!tpu.dma_semaphore, #tpu.memory_space<semaphore_mem>>, %arg15: memref<!tpu.dma_semaphore, #tpu.memory_space<semaphore_mem>>, %arg16: memref<!tpu.dma_semaphore, #tpu.memory_space<semaphore_mem>>) attributes {dimension_semantics = [#tpu.dimension_semantics<core_parallel>, #tpu.dimension_semantics<subcore_parallel>], iteration_bounds = array<i64: 2, 16>, scalar_prefetch = 0 : i64, scratch_operands = 12 : i64, tpu.core_type = #tpu.core_type<sc_vector_subcore>, window_params = [{transform_indices = #map}, {transform_indices = #map1}, {transform_indices = #map1}]} {
    %mul3A = arith.constant 2 : i32
    %mul3A_0 = arith.muli %arg1, %mul3A : i32
    %add3A = arith.addi %mul3A_0, %arg0 : i32
    %mul3A_1 = arith.constant 25600 : i32
    %mul3A_2 = arith.muli %add3A, %mul3A_1 : i32
    %dma_start3A = arith.constant 0 : i32
    %dma_start3A_3 = arith.constant 0 : i32
    %dma_start3A_4 = tpu.memref_slice %arg2[%add3A, %dma_start3A, %dma_start3A_3] : memref<32x200x128xi32, #tpu.memory_space<hbm>> -> memref<1x200x128xi32, #tpu.memory_space<hbm>>
    %dma_start3A_5 = tpu.memref_squeeze %dma_start3A_4 : memref<1x200x128xi32, #tpu.memory_space<hbm>> -> memref<200x128xi32, #tpu.memory_space<hbm>>
    %dma_start3A_6 = arith.constant 0 : i32
    %dma_start3A_7 = arith.constant 0 : i32
    %dma_start3A_8 = tpu.memref_slice %arg2[%add3A, %dma_start3A_6, %dma_start3A_7] : memref<32x200x128xi32, #tpu.memory_space<hbm>> -> memref<1x200x128xi32, #tpu.memory_space<hbm>>
    %dma_start3A_9 = tpu.memref_squeeze %dma_start3A_8 : memref<1x200x128xi32, #tpu.memory_space<hbm>> -> memref<200x128xi32, #tpu.memory_space<hbm>>
    tpu.enqueue_dma source(%dma_start3A_9 : memref<200x128xi32, #tpu.memory_space<hbm>>) target(%arg5 : memref<200x128xi32, #tpu.memory_space<vmem>>) target_semaphore(%arg16 : memref<!tpu.dma_semaphore, #tpu.memory_space<semaphore_mem>>)
    %lt3A = arith.constant 15 : i32
    %lt3A_10 = arith.cmpi slt, %arg1, %lt3A : i32
    %convert_element_type3A = arith.extui %lt3A_10 : i1 to i32
    %cond3A = arith.constant 0 : i32
    %cond3A_11 = arith.cmpi ne, %convert_element_type3A, %cond3A : i32
    scf.if %cond3A_11 {
      %mul3A_1105 = arith.constant 256 : i32
      %mul3A_1106 = arith.muli %arg1, %mul3A_1105 : i32
      %mul3A_1107 = arith.constant 256 : i32
      %mul3A_1108 = arith.muli %arg1, %mul3A_1107 : i32
      "tpu.region"() ({
        %run_scoped3A = tpu.sem_alloc : memref<!tpu.dma_semaphore, #tpu.memory_space<semaphore_mem>>
        %dma_start3A_1109 = arith.constant 0 : i32
        %dma_start3A_1110 = tpu.memref_slice %arg7[%mul3A_1108, %dma_start3A_1109] : memref<4000x128xf32, #tpu.memory_space<vmem_shared>> -> memref<256x128xf32, #tpu.memory_space<vmem_shared>>
        %dma_start3A_1111 = arith.constant 0 : i32
        %dma_start3A_1112 = tpu.memref_slice %arg3[%mul3A_1106, %dma_start3A_1111] : memref<4000x128xf32, #tpu.memory_space<hbm>> -> memref<256x128xf32, #tpu.memory_space<hbm>>
        tpu.enqueue_dma source(%dma_start3A_1112 : memref<256x128xf32, #tpu.memory_space<hbm>>) target(%dma_start3A_1110 : memref<256x128xf32, #tpu.memory_space<vmem_shared>>) target_semaphore(%run_scoped3A : memref<!tpu.dma_semaphore, #tpu.memory_space<semaphore_mem>>)
        %dma_wait3A_1113 = arith.constant 0 : i32
        %dma_wait3A_1114 = tpu.memref_slice %arg7[%mul3A_1108, %dma_wait3A_1113] : memref<4000x128xf32, #tpu.memory_space<vmem_shared>> -> memref<256x128xf32, #tpu.memory_space<vmem_shared>>
        %dma_wait3A_1115 = arith.constant 0 : i32
        %dma_wait3A_1116 = tpu.memref_slice %arg3[%mul3A_1106, %dma_wait3A_1115] : memref<4000x128xf32, #tpu.memory_space<hbm>> -> memref<256x128xf32, #tpu.memory_space<hbm>>
        tpu.wait_dma2 semaphore(%run_scoped3A : memref<!tpu.dma_semaphore, #tpu.memory_space<semaphore_mem>>) src(%dma_wait3A_1116 : memref<256x128xf32, #tpu.memory_space<hbm>>) dst(%dma_wait3A_1114 : memref<256x128xf32, #tpu.memory_space<vmem_shared>>)
        tpu.yield
      }) : () -> ()
    } else {
    }
    %eq3A = arith.constant 15 : i32
    %eq3A_12 = arith.cmpi eq, %arg1, %eq3A : i32
    %convert_element_type3A_13 = arith.extui %eq3A_12 : i1 to i32
    %cond3A_14 = arith.constant 0 : i32
    %cond3A_15 = arith.cmpi ne, %convert_element_type3A_13, %cond3A_14 : i32
    scf.if %cond3A_15 {
      %mul3A_1105 = arith.constant 256 : i32
      %mul3A_1106 = arith.muli %arg1, %mul3A_1105 : i32
      %mul3A_1107 = arith.constant 256 : i32
      %mul3A_1108 = arith.muli %arg1, %mul3A_1107 : i32
      "tpu.region"() ({
        %run_scoped3A = tpu.sem_alloc : memref<!tpu.dma_semaphore, #tpu.memory_space<semaphore_mem>>
        %dma_start3A_1109 = arith.constant 0 : i32
        %dma_start3A_1110 = tpu.memref_slice %arg7[%mul3A_1108, %dma_start3A_1109] : memref<4000x128xf32, #tpu.memory_space<vmem_shared>> -> memref<160x128xf32, #tpu.memory_space<vmem_shared>>
        %dma_start3A_1111 = arith.constant 0 : i32
        %dma_start3A_1112 = tpu.memref_slice %arg3[%mul3A_1106, %dma_start3A_1111] : memref<4000x128xf32, #tpu.memory_space<hbm>> -> memref<160x128xf32, #tpu.memory_space<hbm>>
        tpu.enqueue_dma source(%dma_start3A_1112 : memref<160x128xf32, #tpu.memory_space<hbm>>) target(%dma_start3A_1110 : memref<160x128xf32, #tpu.memory_space<vmem_shared>>) target_semaphore(%run_scoped3A : memref<!tpu.dma_semaphore, #tpu.memory_space<semaphore_mem>>)
        %dma_wait3A_1113 = arith.constant 0 : i32
        %dma_wait3A_1114 = tpu.memref_slice %arg7[%mul3A_1108, %dma_wait3A_1113] : memref<4000x128xf32, #tpu.memory_space<vmem_shared>> -> memref<160x128xf32, #tpu.memory_space<vmem_shared>>
        %dma_wait3A_1115 = arith.constant 0 : i32
        %dma_wait3A_1116 = tpu.memref_slice %arg3[%mul3A_1106, %dma_wait3A_1115] : memref<4000x128xf32, #tpu.memory_space<hbm>> -> memref<160x128xf32, #tpu.memory_space<hbm>>
        tpu.wait_dma2 semaphore(%run_scoped3A : memref<!tpu.dma_semaphore, #tpu.memory_space<semaphore_mem>>) src(%dma_wait3A_1116 : memref<160x128xf32, #tpu.memory_space<hbm>>) dst(%dma_wait3A_1114 : memref<160x128xf32, #tpu.memory_space<vmem_shared>>)
        tpu.yield
      }) : () -> ()
    } else {
    }
    %barrier3A = arith.constant 0 : index
    tpu.barrier barrier_id(%barrier3A)
    %dma_wait3A = arith.constant 0 : i32
    %dma_wait3A_16 = arith.constant 0 : i32
    %dma_wait3A_17 = tpu.memref_slice %arg2[%add3A, %dma_wait3A, %dma_wait3A_16] : memref<32x200x128xi32, #tpu.memory_space<hbm>> -> memref<1x200x128xi32, #tpu.memory_space<hbm>>
    %dma_wait3A_18 = tpu.memref_squeeze %dma_wait3A_17 : memref<1x200x128xi32, #tpu.memory_space<hbm>> -> memref<200x128xi32, #tpu.memory_space<hbm>>
    %dma_wait3A_19 = arith.constant 0 : i32
    %dma_wait3A_20 = arith.constant 0 : i32
    %dma_wait3A_21 = tpu.memref_slice %arg2[%add3A, %dma_wait3A_19, %dma_wait3A_20] : memref<32x200x128xi32, #tpu.memory_space<hbm>> -> memref<1x200x128xi32, #tpu.memory_space<hbm>>
    %dma_wait3A_22 = tpu.memref_squeeze %dma_wait3A_21 : memref<1x200x128xi32, #tpu.memory_space<hbm>> -> memref<200x128xi32, #tpu.memory_space<hbm>>
    tpu.wait_dma2 semaphore(%arg16 : memref<!tpu.dma_semaphore, #tpu.memory_space<semaphore_mem>>) src(%dma_wait3A_22 : memref<200x128xi32, #tpu.memory_space<hbm>>) dst(%arg5 : memref<200x128xi32, #tpu.memory_space<vmem>>)
    %rem3A = arith.constant 0 : i32
    %rem3A_23 = arith.constant 200 : i32
    %rem3A_24 = arith.remsi %rem3A, %rem3A_23 : i32
    %add3A_25 = arith.constant 0 : i32
    %add3A_26 = arith.addi %rem3A_24, %add3A_25 : i32
    %iota3A = tpu.iota {dimensions = array<i32: 0>} : vector<16xi32>
    %add3A_27 = vector.broadcast %add3A_26 : i32 to vector<16xi32>
    %add3A_28 = arith.addi %add3A_27, %iota3A : vector<16xi32>
    %ge3A = arith.constant 200 : i32
    %ge3A_29 = vector.broadcast %ge3A : i32 to vector<16xi32>
    %ge3A_30 = arith.cmpi sge, %add3A_28, %ge3A_29 : vector<16xi32>
    %sub3A = arith.constant 200 : i32
    %sub3A_31 = vector.broadcast %sub3A : i32 to vector<16xi32>
    %sub3A_32 = arith.subi %add3A_28, %sub3A_31 : vector<16xi32>
    %select_n3A = arith.select %ge3A_30, %sub3A_32, %add3A_28 : vector<16xi1>, vector<16xi32>
    %get3A = arith.constant 0 : i32
    %get3A_33 = arith.index_cast %get3A : i32 to index
    %get3A_34 = arith.constant 0 : index
    %get3A_35 = tpu.vector_load %arg5[%get3A_33, %get3A_34] {strides = array<i32>} : memref<200x128xi32, #tpu.memory_space<vmem>>, vector<1x16xi32>,
    %get3A_36 = vector.shape_cast %get3A_35 : vector<1x16xi32> to vector<16xi32>
    %mul3A_37 = arith.constant 20 : i32
    %mul3A_38 = vector.broadcast %mul3A_37 : i32 to vector<16xi32>
    %mul3A_39 = arith.muli %select_n3A, %mul3A_38 : vector<16xi32>
    %add3A_40 = arith.addi %get3A_36, %mul3A_39 : vector<16xi32>
    %swap3A = arith.constant 0 : i32
    %swap3A_41 = arith.index_cast %swap3A : i32 to index
    %swap3A_42 = arith.constant 0 : index
    %swap3A_43 = tpu.vector_load %arg5[%swap3A_41, %swap3A_42] {strides = array<i32>} : memref<200x128xi32, #tpu.memory_space<vmem>>, vector<1x16xi32>,
    %swap3A_44 = vector.shape_cast %swap3A_43 : vector<1x16xi32> to vector<16xi32>
    %swap3A_45 = vector.shape_cast %add3A_40 : vector<16xi32> to vector<1x16xi32>
    tpu.vector_store %arg5[%swap3A_41, %swap3A_42], %swap3A_45 {strides = array<i32>} : memref<200x128xi32, #tpu.memory_space<vmem>>, vector<1x16xi32>,
    %add3A_46 = arith.constant 16 : i32
    %add3A_47 = arith.addi %rem3A_24, %add3A_46 : i32
    %iota3A_48 = tpu.iota {dimensions = array<i32: 0>} : vector<16xi32>
    %add3A_49 = vector.broadcast %add3A_47 : i32 to vector<16xi32>
    %add3A_50 = arith.addi %add3A_49, %iota3A_48 : vector<16xi32>
    %ge3A_51 = arith.constant 200 : i32
    %ge3A_52 = vector.broadcast %ge3A_51 : i32 to vector<16xi32>
    %ge3A_53 = arith.cmpi sge, %add3A_50, %ge3A_52 : vector<16xi32>
    %sub3A_54 = arith.constant 200 : i32
    %sub3A_55 = vector.broadcast %sub3A_54 : i32 to vector<16xi32>
    %sub3A_56 = arith.subi %add3A_50, %sub3A_55 : vector<16xi32>
    %select_n3A_57 = arith.select %ge3A_53, %sub3A_56, %add3A_50 : vector<16xi1>, vector<16xi32>
    %get3A_58 = arith.constant 0 : i32
    %get3A_59 = arith.index_cast %get3A_58 : i32 to index
    %get3A_60 = arith.constant 16 : index
    %get3A_61 = tpu.vector_load %arg5[%get3A_59, %get3A_60] {strides = array<i32>} : memref<200x128xi32, #tpu.memory_space<vmem>>, vector<1x16xi32>,
    %get3A_62 = vector.shape_cast %get3A_61 : vector<1x16xi32> to vector<16xi32>
    %mul3A_63 = arith.constant 20 : i32
    %mul3A_64 = vector.broadcast %mul3A_63 : i32 to vector<16xi32>
    %mul3A_65 = arith.muli %select_n3A_57, %mul3A_64 : vector<16xi32>
    %add3A_66 = arith.addi %get3A_62, %mul3A_65 : vector<16xi32>
    %swap3A_67 = arith.constant 0 : i32
    %swap3A_68 = arith.index_cast %swap3A_67 : i32 to index
    %swap3A_69 = arith.constant 16 : index
    %swap3A_70 = tpu.vector_load %arg5[%swap3A_68, %swap3A_69] {strides = array<i32>} : memref<200x128xi32, #tpu.memory_space<vmem>>, vector<1x16xi32>,
    %swap3A_71 = vector.shape_cast %swap3A_70 : vector<1x16xi32> to vector<16xi32>
    %swap3A_72 = vector.shape_cast %add3A_66 : vector<16xi32> to vector<1x16xi32>
    tpu.vector_store %arg5[%swap3A_68, %swap3A_69], %swap3A_72 {strides = array<i32>} : memref<200x128xi32, #tpu.memory_space<vmem>>, vector<1x16xi32>,
    %add3A_73 = arith.constant 32 : i32
    %add3A_74 = arith.addi %rem3A_24, %add3A_73 : i32
    %iota3A_75 = tpu.iota {dimensions = array<i32: 0>} : vector<16xi32>
    %add3A_76 = vector.broadcast %add3A_74 : i32 to vector<16xi32>
    %add3A_77 = arith.addi %add3A_76, %iota3A_75 : vector<16xi32>
    %ge3A_78 = arith.constant 200 : i32
    %ge3A_79 = vector.broadcast %ge3A_78 : i32 to vector<16xi32>
    %ge3A_80 = arith.cmpi sge, %add3A_77, %ge3A_79 : vector<16xi32>
    %sub3A_81 = arith.constant 200 : i32
    %sub3A_82 = vector.broadcast %sub3A_81 : i32 to vector<16xi32>
    %sub3A_83 = arith.subi %add3A_77, %sub3A_82 : vector<16xi32>
    %select_n3A_84 = arith.select %ge3A_80, %sub3A_83, %add3A_77 : vector<16xi1>, vector<16xi32>
    %get3A_85 = arith.constant 0 : i32
    %get3A_86 = arith.index_cast %get3A_85 : i32 to index
    %get3A_87 = arith.constant 32 : index
    %get3A_88 = tpu.vector_load %arg5[%get3A_86, %get3A_87] {strides = array<i32>} : memref<200x128xi32, #tpu.memory_space<vmem>>, vector<1x16xi32>,
    %get3A_89 = vector.shape_cast %get3A_88 : vector<1x16xi32> to vector<16xi32>
    %mul3A_90 = arith.constant 20 : i32
    %mul3A_91 = vector.broadcast %mul3A_90 : i32 to vector<16xi32>
    %mul3A_92 = arith.muli %select_n3A_84, %mul3A_91 : vector<16xi32>
    %add3A_93 = arith.addi %get3A_89, %mul3A_92 : vector<16xi32>
    %swap3A_94 = arith.constant 0 : i32
    %swap3A_95 = arith.index_cast %swap3A_94 : i32 to index
    %swap3A_96 = arith.constant 32 : index
    %swap3A_97 = tpu.vector_load %arg5[%swap3A_95, %swap3A_96] {strides = array<i32>} : memref<200x128xi32, #tpu.memory_space<vmem>>, vector<1x16xi32>,
    %swap3A_98 = vector.shape_cast %swap3A_97 : vector<1x16xi32> to vector<16xi32>
    %swap3A_99 = vector.shape_cast %add3A_93 : vector<16xi32> to vector<1x16xi32>
    tpu.vector_store %arg5[%swap3A_95, %swap3A_96], %swap3A_99 {strides = array<i32>} : memref<200x128xi32, #tpu.memory_space<vmem>>, vector<1x16xi32>,
    %add3A_100 = arith.constant 48 : i32
    %add3A_101 = arith.addi %rem3A_24, %add3A_100 : i32
    %iota3A_102 = tpu.iota {dimensions = array<i32: 0>} : vector<16xi32>
    %add3A_103 = vector.broadcast %add3A_101 : i32 to vector<16xi32>
    %add3A_104 = arith.addi %add3A_103, %iota3A_102 : vector<16xi32>
    %ge3A_105 = arith.constant 200 : i32
    %ge3A_106 = vector.broadcast %ge3A_105 : i32 to vector<16xi32>
    %ge3A_107 = arith.cmpi sge, %add3A_104, %ge3A_106 : vector<16xi32>
    %sub3A_108 = arith.constant 200 : i32
    %sub3A_109 = vector.broadcast %sub3A_108 : i32 to vector<16xi32>
    %sub3A_110 = arith.subi %add3A_104, %sub3A_109 : vector<16xi32>
    %select_n3A_111 = arith.select %ge3A_107, %sub3A_110, %add3A_104 : vector<16xi1>, vector<16xi32>
    %get3A_112 = arith.constant 0 : i32
    %get3A_113 = arith.index_cast %get3A_112 : i32 to index
    %get3A_114 = arith.constant 48 : index
    %get3A_115 = tpu.vector_load %arg5[%get3A_113, %get3A_114] {strides = array<i32>} : memref<200x128xi32, #tpu.memory_space<vmem>>, vector<1x16xi32>,
    %get3A_116 = vector.shape_cast %get3A_115 : vector<1x16xi32> to vector<16xi32>
    %mul3A_117 = arith.constant 20 : i32
    %mul3A_118 = vector.broadcast %mul3A_117 : i32 to vector<16xi32>
    %mul3A_119 = arith.muli %select_n3A_111, %mul3A_118 : vector<16xi32>
    %add3A_120 = arith.addi %get3A_116, %mul3A_119 : vector<16xi32>
    %swap3A_121 = arith.constant 0 : i32
    %swap3A_122 = arith.index_cast %swap3A_121 : i32 to index
    %swap3A_123 = arith.constant 48 : index
    %swap3A_124 = tpu.vector_load %arg5[%swap3A_122, %swap3A_123] {strides = array<i32>} : memref<200x128xi32, #tpu.memory_space<vmem>>, vector<1x16xi32>,
    %swap3A_125 = vector.shape_cast %swap3A_124 : vector<1x16xi32> to vector<16xi32>
    %swap3A_126 = vector.shape_cast %add3A_120 : vector<16xi32> to vector<1x16xi32>
    tpu.vector_store %arg5[%swap3A_122, %swap3A_123], %swap3A_126 {strides = array<i32>} : memref<200x128xi32, #tpu.memory_space<vmem>>, vector<1x16xi32>,
    %add3A_127 = arith.constant 64 : i32
    %add3A_128 = arith.addi %rem3A_24, %add3A_127 : i32
    %iota3A_129 = tpu.iota {dimensions = array<i32: 0>} : vector<16xi32>
    %add3A_130 = vector.broadcast %add3A_128 : i32 to vector<16xi32>
    %add3A_131 = arith.addi %add3A_130, %iota3A_129 : vector<16xi32>
    %ge3A_132 = arith.constant 200 : i32
    %ge3A_133 = vector.broadcast %ge3A_132 : i32 to vector<16xi32>
    %ge3A_134 = arith.cmpi sge, %add3A_131, %ge3A_133 : vector<16xi32>
    %sub3A_135 = arith.constant 200 : i32
    %sub3A_136 = vector.broadcast %sub3A_135 : i32 to vector<16xi32>
    %sub3A_137 = arith.subi %add3A_131, %sub3A_136 : vector<16xi32>
    %select_n3A_138 = arith.select %ge3A_134, %sub3A_137, %add3A_131 : vector<16xi1>, vector<16xi32>
    %get3A_139 = arith.constant 0 : i32
    %get3A_140 = arith.index_cast %get3A_139 : i32 to index
    %get3A_141 = arith.constant 64 : index
    %get3A_142 = tpu.vector_load %arg5[%get3A_140, %get3A_141] {strides = array<i32>} : memref<200x128xi32, #tpu.memory_space<vmem>>, vector<1x16xi32>,
    %get3A_143 = vector.shape_cast %get3A_142 : vector<1x16xi32> to vector<16xi32>
    %mul3A_144 = arith.constant 20 : i32
    %mul3A_145 = vector.broadcast %mul3A_144 : i32 to vector<16xi32>
    %mul3A_146 = arith.muli %select_n3A_138, %mul3A_145 : vector<16xi32>
    %add3A_147 = arith.addi %get3A_143, %mul3A_146 : vector<16xi32>
    %swap3A_148 = arith.constant 0 : i32
    %swap3A_149 = arith.index_cast %swap3A_148 : i32 to index
    %swap3A_150 = arith.constant 64 : index
    %swap3A_151 = tpu.vector_load %arg5[%swap3A_149, %swap3A_150] {strides = array<i32>} : memref<200x128xi32, #tpu.memory_space<vmem>>, vector<1x16xi32>,
    %swap3A_152 = vector.shape_cast %swap3A_151 : vector<1x16xi32> to vector<16xi32>
    %swap3A_153 = vector.shape_cast %add3A_147 : vector<16xi32> to vector<1x16xi32>
    tpu.vector_store %arg5[%swap3A_149, %swap3A_150], %swap3A_153 {strides = array<i32>} : memref<200x128xi32, #tpu.memory_space<vmem>>, vector<1x16xi32>,
    %add3A_154 = arith.constant 80 : i32
    %add3A_155 = arith.addi %rem3A_24, %add3A_154 : i32
    %iota3A_156 = tpu.iota {dimensions = array<i32: 0>} : vector<16xi32>
    %add3A_157 = vector.broadcast %add3A_155 : i32 to vector<16xi32>
    %add3A_158 = arith.addi %add3A_157, %iota3A_156 : vector<16xi32>
    %ge3A_159 = arith.constant 200 : i32
    %ge3A_160 = vector.broadcast %ge3A_159 : i32 to vector<16xi32>
    %ge3A_161 = arith.cmpi sge, %add3A_158, %ge3A_160 : vector<16xi32>
    %sub3A_162 = arith.constant 200 : i32
    %sub3A_163 = vector.broadcast %sub3A_162 : i32 to vector<16xi32>
    %sub3A_164 = arith.subi %add3A_158, %sub3A_163 : vector<16xi32>
    %select_n3A_165 = arith.select %ge3A_161, %sub3A_164, %add3A_158 : vector<16xi1>, vector<16xi32>
    %get3A_166 = arith.constant 0 : i32
    %get3A_167 = arith.index_cast %get3A_166 : i32 to index
    %get3A_168 = arith.constant 80 : index
    %get3A_169 = tpu.vector_load %arg5[%get3A_167, %get3A_168] {strides = array<i32>} : memref<200x128xi32, #tpu.memory_space<vmem>>, vector<1x16xi32>,
    %get3A_170 = vector.shape_cast %get3A_169 : vector<1x16xi32> to vector<16xi32>
    %mul3A_171 = arith.constant 20 : i32
    %mul3A_172 = vector.broadcast %mul3A_171 : i32 to vector<16xi32>
    %mul3A_173 = arith.muli %select_n3A_165, %mul3A_172 : vector<16xi32>
    %add3A_174 = arith.addi %get3A_170, %mul3A_173 : vector<16xi32>
    %swap3A_175 = arith.constant 0 : i32
    %swap3A_176 = arith.index_cast %swap3A_175 : i32 to index
    %swap3A_177 = arith.constant 80 : index
    %swap3A_178 = tpu.vector_load %arg5[%swap3A_176, %swap3A_177] {strides = array<i32>} : memref<200x128xi32, #tpu.memory_space<vmem>>, vector<1x16xi32>,
    %swap3A_179 = vector.shape_cast %swap3A_178 : vector<1x16xi32> to vector<16xi32>
    %swap3A_180 = vector.shape_cast %add3A_174 : vector<16xi32> to vector<1x16xi32>
    tpu.vector_store %arg5[%swap3A_176, %swap3A_177], %swap3A_180 {strides = array<i32>} : memref<200x128xi32, #tpu.memory_space<vmem>>, vector<1x16xi32>,
    %add3A_181 = arith.constant 96 : i32
    %add3A_182 = arith.addi %rem3A_24, %add3A_181 : i32
    %iota3A_183 = tpu.iota {dimensions = array<i32: 0>} : vector<16xi32>
    %add3A_184 = vector.broadcast %add3A_182 : i32 to vector<16xi32>
    %add3A_185 = arith.addi %add3A_184, %iota3A_183 : vector<16xi32>
    %ge3A_186 = arith.constant 200 : i32
    %ge3A_187 = vector.broadcast %ge3A_186 : i32 to vector<16xi32>
    %ge3A_188 = arith.cmpi sge, %add3A_185, %ge3A_187 : vector<16xi32>
    %sub3A_189 = arith.constant 200 : i32
    %sub3A_190 = vector.broadcast %sub3A_189 : i32 to vector<16xi32>
    %sub3A_191 = arith.subi %add3A_185, %sub3A_190 : vector<16xi32>
    %select_n3A_192 = arith.select %ge3A_188, %sub3A_191, %add3A_185 : vector<16xi1>, vector<16xi32>
    %get3A_193 = arith.constant 0 : i32
    %get3A_194 = arith.index_cast %get3A_193 : i32 to index
    %get3A_195 = arith.constant 96 : index
    %get3A_196 = tpu.vector_load %arg5[%get3A_194, %get3A_195] {strides = array<i32>} : memref<200x128xi32, #tpu.memory_space<vmem>>, vector<1x16xi32>,
    %get3A_197 = vector.shape_cast %get3A_196 : vector<1x16xi32> to vector<16xi32>
    %mul3A_198 = arith.constant 20 : i32
    %mul3A_199 = vector.broadcast %mul3A_198 : i32 to vector<16xi32>
    %mul3A_200 = arith.muli %select_n3A_192, %mul3A_199 : vector<16xi32>
    %add3A_201 = arith.addi %get3A_197, %mul3A_200 : vector<16xi32>
    %swap3A_202 = arith.constant 0 : i32
    %swap3A_203 = arith.index_cast %swap3A_202 : i32 to index
    %swap3A_204 = arith.constant 96 : index
    %swap3A_205 = tpu.vector_load %arg5[%swap3A_203, %swap3A_204] {strides = array<i32>} : memref<200x128xi32, #tpu.memory_space<vmem>>, vector<1x16xi32>,
    %swap3A_206 = vector.shape_cast %swap3A_205 : vector<1x16xi32> to vector<16xi32>
    %swap3A_207 = vector.shape_cast %add3A_201 : vector<16xi32> to vector<1x16xi32>
    tpu.vector_store %arg5[%swap3A_203, %swap3A_204], %swap3A_207 {strides = array<i32>} : memref<200x128xi32, #tpu.memory_space<vmem>>, vector<1x16xi32>,
    %add3A_208 = arith.constant 112 : i32
    %add3A_209 = arith.addi %rem3A_24, %add3A_208 : i32
    %iota3A_210 = tpu.iota {dimensions = array<i32: 0>} : vector<16xi32>
    %add3A_211 = vector.broadcast %add3A_209 : i32 to vector<16xi32>
    %add3A_212 = arith.addi %add3A_211, %iota3A_210 : vector<16xi32>
    %ge3A_213 = arith.constant 200 : i32
    %ge3A_214 = vector.broadcast %ge3A_213 : i32 to vector<16xi32>
    %ge3A_215 = arith.cmpi sge, %add3A_212, %ge3A_214 : vector<16xi32>
    %sub3A_216 = arith.constant 200 : i32
    %sub3A_217 = vector.broadcast %sub3A_216 : i32 to vector<16xi32>
    %sub3A_218 = arith.subi %add3A_212, %sub3A_217 : vector<16xi32>
    %select_n3A_219 = arith.select %ge3A_215, %sub3A_218, %add3A_212 : vector<16xi1>, vector<16xi32>
    %get3A_220 = arith.constant 0 : i32
    %get3A_221 = arith.index_cast %get3A_220 : i32 to index
    %get3A_222 = arith.constant 112 : index
    %get3A_223 = tpu.vector_load %arg5[%get3A_221, %get3A_222] {strides = array<i32>} : memref<200x128xi32, #tpu.memory_space<vmem>>, vector<1x16xi32>,
    %get3A_224 = vector.shape_cast %get3A_223 : vector<1x16xi32> to vector<16xi32>
    %mul3A_225 = arith.constant 20 : i32
    %mul3A_226 = vector.broadcast %mul3A_225 : i32 to vector<16xi32>
    %mul3A_227 = arith.muli %select_n3A_219, %mul3A_226 : vector<16xi32>
    %add3A_228 = arith.addi %get3A_224, %mul3A_227 : vector<16xi32>
    %swap3A_229 = arith.constant 0 : i32
    %swap3A_230 = arith.index_cast %swap3A_229 : i32 to index
    %swap3A_231 = arith.constant 112 : index
    %swap3A_232 = tpu.vector_load %arg5[%swap3A_230, %swap3A_231] {strides = array<i32>} : memref<200x128xi32, #tpu.memory_space<vmem>>, vector<1x16xi32>,
    %swap3A_233 = vector.shape_cast %swap3A_232 : vector<1x16xi32> to vector<16xi32>
    %swap3A_234 = vector.shape_cast %add3A_228 : vector<16xi32> to vector<1x16xi32>
    tpu.vector_store %arg5[%swap3A_230, %swap3A_231], %swap3A_234 {strides = array<i32>} : memref<200x128xi32, #tpu.memory_space<vmem>>, vector<1x16xi32>,
    %rem3A_235 = arith.constant 128 : i32
    %rem3A_236 = arith.constant 200 : i32
    %rem3A_237 = arith.remsi %rem3A_235, %rem3A_236 : i32
    %add3A_238 = arith.constant 0 : i32
    %add3A_239 = arith.addi %rem3A_237, %add3A_238 : i32
    %iota3A_240 = tpu.iota {dimensions = array<i32: 0>} : vector<16xi32>
    %add3A_241 = vector.broadcast %add3A_239 : i32 to vector<16xi32>
    %add3A_242 = arith.addi %add3A_241, %iota3A_240 : vector<16xi32>
    %ge3A_243 = arith.constant 200 : i32
    %ge3A_244 = vector.broadcast %ge3A_243 : i32 to vector<16xi32>
    %ge3A_245 = arith.cmpi sge, %add3A_242, %ge3A_244 : vector<16xi32>
    %sub3A_246 = arith.constant 200 : i32
    %sub3A_247 = vector.broadcast %sub3A_246 : i32 to vector<16xi32>
    %sub3A_248 = arith.subi %add3A_242, %sub3A_247 : vector<16xi32>
    %select_n3A_249 = arith.select %ge3A_245, %sub3A_248, %add3A_242 : vector<16xi1>, vector<16xi32>
    %get3A_250 = arith.constant 1 : i32
    %get3A_251 = arith.index_cast %get3A_250 : i32 to index
    %get3A_252 = arith.constant 0 : index
    %get3A_253 = tpu.vector_load %arg5[%get3A_251, %get3A_252] {strides = array<i32>} : memref<200x128xi32, #tpu.memory_space<vmem>>, vector<1x16xi32>,
    %get3A_254 = vector.shape_cast %get3A_253 : vector<1x16xi32> to vector<16xi32>
    %mul3A_255 = arith.constant 20 : i32
    %mul3A_256 = vector.broadcast %mul3A_255 : i32 to vector<16xi32>
    %mul3A_257 = arith.muli %select_n3A_249, %mul3A_256 : vector<16xi32>
    %add3A_258 = arith.addi %get3A_254, %mul3A_257 : vector<16xi32>
    %swap3A_259 = arith.constant 1 : i32
    %swap3A_260 = arith.index_cast %swap3A_259 : i32 to index
    %swap3A_261 = arith.constant 0 : index
    %swap3A_262 = tpu.vector_load %arg5[%swap3A_260, %swap3A_261] {strides = array<i32>} : memref<200x128xi32, #tpu.memory_space<vmem>>, vector<1x16xi32>,
    %swap3A_263 = vector.shape_cast %swap3A_262 : vector<1x16xi32> to vector<16xi32>
    %swap3A_264 = vector.shape_cast %add3A_258 : vector<16xi32> to vector<1x16xi32>
    tpu.vector_store %arg5[%swap3A_260, %swap3A_261], %swap3A_264 {strides = array<i32>} : memref<200x128xi32, #tpu.memory_space<vmem>>, vector<1x16xi32>,
    %add3A_265 = arith.constant 16 : i32
    %add3A_266 = arith.addi %rem3A_237, %add3A_265 : i32
    %iota3A_267 = tpu.iota {dimensions = array<i32: 0>} : vector<16xi32>
    %add3A_268 = vector.broadcast %add3A_266 : i32 to vector<16xi32>
    %add3A_269 = arith.addi %add3A_268, %iota3A_267 : vector<16xi32>
    %ge3A_270 = arith.constant 200 : i32
    %ge3A_271 = vector.broadcast %ge3A_270 : i32 to vector<16xi32>
    %ge3A_272 = arith.cmpi sge, %add3A_269, %ge3A_271 : vector<16xi32>
    %sub3A_273 = arith.constant 200 : i32
    %sub3A_274 = vector.broadcast %sub3A_273 : i32 to vector<16xi32>
    %sub3A_275 = arith.subi %add3A_269, %sub3A_274 : vector<16xi32>
    %select_n3A_276 = arith.select %ge3A_272, %sub3A_275, %add3A_269 : vector<16xi1>, vector<16xi32>
    %get3A_277 = arith.constant 1 : i32
    %get3A_278 = arith.index_cast %get3A_277 : i32 to index
    %get3A_279 = arith.constant 16 : index
    %get3A_280 = tpu.vector_load %arg5[%get3A_278, %get3A_279] {strides = array<i32>} : memref<200x128xi32, #tpu.memory_space<vmem>>, vector<1x16xi32>,
    %get3A_281 = vector.shape_cast %get3A_280 : vector<1x16xi32> to vector<16xi32>
    %mul3A_282 = arith.constant 20 : i32
    %mul3A_283 = vector.broadcast %mul3A_282 : i32 to vector<16xi32>
    %mul3A_284 = arith.muli %select_n3A_276, %mul3A_283 : vector<16xi32>
    %add3A_285 = arith.addi %get3A_281, %mul3A_284 : vector<16xi32>
    %swap3A_286 = arith.constant 1 : i32
    %swap3A_287 = arith.index_cast %swap3A_286 : i32 to index
    %swap3A_288 = arith.constant 16 : index
    %swap3A_289 = tpu.vector_load %arg5[%swap3A_287, %swap3A_288] {strides = array<i32>} : memref<200x128xi32, #tpu.memory_space<vmem>>, vector<1x16xi32>,
    %swap3A_290 = vector.shape_cast %swap3A_289 : vector<1x16xi32> to vector<16xi32>
    %swap3A_291 = vector.shape_cast %add3A_285 : vector<16xi32> to vector<1x16xi32>
    tpu.vector_store %arg5[%swap3A_287, %swap3A_288], %swap3A_291 {strides = array<i32>} : memref<200x128xi32, #tpu.memory_space<vmem>>, vector<1x16xi32>,
    %add3A_292 = arith.constant 32 : i32
    %add3A_293 = arith.addi %rem3A_237, %add3A_292 : i32
    %iota3A_294 = tpu.iota {dimensions = array<i32: 0>} : vector<16xi32>
    %add3A_295 = vector.broadcast %add3A_293 : i32 to vector<16xi32>
    %add3A_296 = arith.addi %add3A_295, %iota3A_294 : vector<16xi32>
    %ge3A_297 = arith.constant 200 : i32
    %ge3A_298 = vector.broadcast %ge3A_297 : i32 to vector<16xi32>
    %ge3A_299 = arith.cmpi sge, %add3A_296, %ge3A_298 : vector<16xi32>
    %sub3A_300 = arith.constant 200 : i32
    %sub3A_301 = vector.broadcast %sub3A_300 : i32 to vector<16xi32>
    %sub3A_302 = arith.subi %add3A_296, %sub3A_301 : vector<16xi32>
    %select_n3A_303 = arith.select %ge3A_299, %sub3A_302, %add3A_296 : vector<16xi1>, vector<16xi32>
    %get3A_304 = arith.constant 1 : i32
    %get3A_305 = arith.index_cast %get3A_304 : i32 to index
    %get3A_306 = arith.constant 32 : index
    %get3A_307 = tpu.vector_load %arg5[%get3A_305, %get3A_306] {strides = array<i32>} : memref<200x128xi32, #tpu.memory_space<vmem>>, vector<1x16xi32>,
    %get3A_308 = vector.shape_cast %get3A_307 : vector<1x16xi32> to vector<16xi32>
    %mul3A_309 = arith.constant 20 : i32
    %mul3A_310 = vector.broadcast %mul3A_309 : i32 to vector<16xi32>
    %mul3A_311 = arith.muli %select_n3A_303, %mul3A_310 : vector<16xi32>
    %add3A_312 = arith.addi %get3A_308, %mul3A_311 : vector<16xi32>
    %swap3A_313 = arith.constant 1 : i32
    %swap3A_314 = arith.index_cast %swap3A_313 : i32 to index
    %swap3A_315 = arith.constant 32 : index
    %swap3A_316 = tpu.vector_load %arg5[%swap3A_314, %swap3A_315] {strides = array<i32>} : memref<200x128xi32, #tpu.memory_space<vmem>>, vector<1x16xi32>,
    %swap3A_317 = vector.shape_cast %swap3A_316 : vector<1x16xi32> to vector<16xi32>
    %swap3A_318 = vector.shape_cast %add3A_312 : vector<16xi32> to vector<1x16xi32>
    tpu.vector_store %arg5[%swap3A_314, %swap3A_315], %swap3A_318 {strides = array<i32>} : memref<200x128xi32, #tpu.memory_space<vmem>>, vector<1x16xi32>,
    %add3A_319 = arith.constant 48 : i32
    %add3A_320 = arith.addi %rem3A_237, %add3A_319 : i32
    %iota3A_321 = tpu.iota {dimensions = array<i32: 0>} : vector<16xi32>
    %add3A_322 = vector.broadcast %add3A_320 : i32 to vector<16xi32>
    %add3A_323 = arith.addi %add3A_322, %iota3A_321 : vector<16xi32>
    %ge3A_324 = arith.constant 200 : i32
    %ge3A_325 = vector.broadcast %ge3A_324 : i32 to vector<16xi32>
    %ge3A_326 = arith.cmpi sge, %add3A_323, %ge3A_325 : vector<16xi32>
    %sub3A_327 = arith.constant 200 : i32
    %sub3A_328 = vector.broadcast %sub3A_327 : i32 to vector<16xi32>
    %sub3A_329 = arith.subi %add3A_323, %sub3A_328 : vector<16xi32>
    %select_n3A_330 = arith.select %ge3A_326, %sub3A_329, %add3A_323 : vector<16xi1>, vector<16xi32>
    %get3A_331 = arith.constant 1 : i32
    %get3A_332 = arith.index_cast %get3A_331 : i32 to index
    %get3A_333 = arith.constant 48 : index
    %get3A_334 = tpu.vector_load %arg5[%get3A_332, %get3A_333] {strides = array<i32>} : memref<200x128xi32, #tpu.memory_space<vmem>>, vector<1x16xi32>,
    %get3A_335 = vector.shape_cast %get3A_334 : vector<1x16xi32> to vector<16xi32>
    %mul3A_336 = arith.constant 20 : i32
    %mul3A_337 = vector.broadcast %mul3A_336 : i32 to vector<16xi32>
    %mul3A_338 = arith.muli %select_n3A_330, %mul3A_337 : vector<16xi32>
    %add3A_339 = arith.addi %get3A_335, %mul3A_338 : vector<16xi32>
    %swap3A_340 = arith.constant 1 : i32
    %swap3A_341 = arith.index_cast %swap3A_340 : i32 to index
    %swap3A_342 = arith.constant 48 : index
    %swap3A_343 = tpu.vector_load %arg5[%swap3A_341, %swap3A_342] {strides = array<i32>} : memref<200x128xi32, #tpu.memory_space<vmem>>, vector<1x16xi32>,
    %swap3A_344 = vector.shape_cast %swap3A_343 : vector<1x16xi32> to vector<16xi32>
    %swap3A_345 = vector.shape_cast %add3A_339 : vector<16xi32> to vector<1x16xi32>
    tpu.vector_store %arg5[%swap3A_341, %swap3A_342], %swap3A_345 {strides = array<i32>} : memref<200x128xi32, #tpu.memory_space<vmem>>, vector<1x16xi32>,
    %add3A_346 = arith.constant 64 : i32
    %add3A_347 = arith.addi %rem3A_237, %add3A_346 : i32
    %iota3A_348 = tpu.iota {dimensions = array<i32: 0>} : vector<16xi32>
    %add3A_349 = vector.broadcast %add3A_347 : i32 to vector<16xi32>
    %add3A_350 = arith.addi %add3A_349, %iota3A_348 : vector<16xi32>
    %ge3A_351 = arith.constant 200 : i32
    %ge3A_352 = vector.broadcast %ge3A_351 : i32 to vector<16xi32>
    %ge3A_353 = arith.cmpi sge, %add3A_350, %ge3A_352 : vector<16xi32>
    %sub3A_354 = arith.constant 200 : i32
    %sub3A_355 = vector.broadcast %sub3A_354 : i32 to vector<16xi32>
    %sub3A_356 = arith.subi %add3A_350, %sub3A_355 : vector<16xi32>
    %select_n3A_357 = arith.select %ge3A_353, %sub3A_356, %add3A_350 : vector<16xi1>, vector<16xi32>
    %get3A_358 = arith.constant 1 : i32
    %get3A_359 = arith.index_cast %get3A_358 : i32 to index
    %get3A_360 = arith.constant 64 : index
    %get3A_361 = tpu.vector_load %arg5[%get3A_359, %get3A_360] {strides = array<i32>} : memref<200x128xi32, #tpu.memory_space<vmem>>, vector<1x16xi32>,
    %get3A_362 = vector.shape_cast %get3A_361 : vector<1x16xi32> to vector<16xi32>
    %mul3A_363 = arith.constant 20 : i32
    %mul3A_364 = vector.broadcast %mul3A_363 : i32 to vector<16xi32>
    %mul3A_365 = arith.muli %select_n3A_357, %mul3A_364 : vector<16xi32>
    %add3A_366 = arith.addi %get3A_362, %mul3A_365 : vector<16xi32>
    %swap3A_367 = arith.constant 1 : i32
    %swap3A_368 = arith.index_cast %swap3A_367 : i32 to index
    %swap3A_369 = arith.constant 64 : index
    %swap3A_370 = tpu.vector_load %arg5[%swap3A_368, %swap3A_369] {strides = array<i32>} : memref<200x128xi32, #tpu.memory_space<vmem>>, vector<1x16xi32>,
    %swap3A_371 = vector.shape_cast %swap3A_370 : vector<1x16xi32> to vector<16xi32>
    %swap3A_372 = vector.shape_cast %add3A_366 : vector<16xi32> to vector<1x16xi32>
    tpu.vector_store %arg5[%swap3A_368, %swap3A_369], %swap3A_372 {strides = array<i32>} : memref<200x128xi32, #tpu.memory_space<vmem>>, vector<1x16xi32>,
    %add3A_373 = arith.constant 80 : i32
    %add3A_374 = arith.addi %rem3A_237, %add3A_373 : i32
    %iota3A_375 = tpu.iota {dimensions = array<i32: 0>} : vector<16xi32>
    %add3A_376 = vector.broadcast %add3A_374 : i32 to vector<16xi32>
    %add3A_377 = arith.addi %add3A_376, %iota3A_375 : vector<16xi32>
    %ge3A_378 = arith.constant 200 : i32
    %ge3A_379 = vector.broadcast %ge3A_378 : i32 to vector<16xi32>
    %ge3A_380 = arith.cmpi sge, %add3A_377, %ge3A_379 : vector<16xi32>
    %sub3A_381 = arith.constant 200 : i32
    %sub3A_382 = vector.broadcast %sub3A_381 : i32 to vector<16xi32>
    %sub3A_383 = arith.subi %add3A_377, %sub3A_382 : vector<16xi32>
    %select_n3A_384 = arith.select %ge3A_380, %sub3A_383, %add3A_377 : vector<16xi1>, vector<16xi32>
    %get3A_385 = arith.constant 1 : i32
    %get3A_386 = arith.index_cast %get3A_385 : i32 to index
    %get3A_387 = arith.constant 80 : index
    %get3A_388 = tpu.vector_load %arg5[%get3A_386, %get3A_387] {strides = array<i32>} : memref<200x128xi32, #tpu.memory_space<vmem>>, vector<1x16xi32>,
    %get3A_389 = vector.shape_cast %get3A_388 : vector<1x16xi32> to vector<16xi32>
    %mul3A_390 = arith.constant 20 : i32
    %mul3A_391 = vector.broadcast %mul3A_390 : i32 to vector<16xi32>
    %mul3A_392 = arith.muli %select_n3A_384, %mul3A_391 : vector<16xi32>
    %add3A_393 = arith.addi %get3A_389, %mul3A_392 : vector<16xi32>
    %swap3A_394 = arith.constant 1 : i32
    %swap3A_395 = arith.index_cast %swap3A_394 : i32 to index
    %swap3A_396 = arith.constant 80 : index
    %swap3A_397 = tpu.vector_load %arg5[%swap3A_395, %swap3A_396] {strides = array<i32>} : memref<200x128xi32, #tpu.memory_space<vmem>>, vector<1x16xi32>,
    %swap3A_398 = vector.shape_cast %swap3A_397 : vector<1x16xi32> to vector<16xi32>
    %swap3A_399 = vector.shape_cast %add3A_393 : vector<16xi32> to vector<1x16xi32>
    tpu.vector_store %arg5[%swap3A_395, %swap3A_396], %swap3A_399 {strides = array<i32>} : memref<200x128xi32, #tpu.memory_space<vmem>>, vector<1x16xi32>,
    %add3A_400 = arith.constant 96 : i32
    %add3A_401 = arith.addi %rem3A_237, %add3A_400 : i32
    %iota3A_402 = tpu.iota {dimensions = array<i32: 0>} : vector<16xi32>
    %add3A_403 = vector.broadcast %add3A_401 : i32 to vector<16xi32>
    %add3A_404 = arith.addi %add3A_403, %iota3A_402 : vector<16xi32>
    %ge3A_405 = arith.constant 200 : i32
    %ge3A_406 = vector.broadcast %ge3A_405 : i32 to vector<16xi32>
    %ge3A_407 = arith.cmpi sge, %add3A_404, %ge3A_406 : vector<16xi32>
    %sub3A_408 = arith.constant 200 : i32
    %sub3A_409 = vector.broadcast %sub3A_408 : i32 to vector<16xi32>
    %sub3A_410 = arith.subi %add3A_404, %sub3A_409 : vector<16xi32>
    %select_n3A_411 = arith.select %ge3A_407, %sub3A_410, %add3A_404 : vector<16xi1>, vector<16xi32>
    %get3A_412 = arith.constant 1 : i32
    %get3A_413 = arith.index_cast %get3A_412 : i32 to index
    %get3A_414 = arith.constant 96 : index
    %get3A_415 = tpu.vector_load %arg5[%get3A_413, %get3A_414] {strides = array<i32>} : memref<200x128xi32, #tpu.memory_space<vmem>>, vector<1x16xi32>,
    %get3A_416 = vector.shape_cast %get3A_415 : vector<1x16xi32> to vector<16xi32>
    %mul3A_417 = arith.constant 20 : i32
    %mul3A_418 = vector.broadcast %mul3A_417 : i32 to vector<16xi32>
    %mul3A_419 = arith.muli %select_n3A_411, %mul3A_418 : vector<16xi32>
    %add3A_420 = arith.addi %get3A_416, %mul3A_419 : vector<16xi32>
    %swap3A_421 = arith.constant 1 : i32
    %swap3A_422 = arith.index_cast %swap3A_421 : i32 to index
    %swap3A_423 = arith.constant 96 : index
    %swap3A_424 = tpu.vector_load %arg5[%swap3A_422, %swap3A_423] {strides = array<i32>} : memref<200x128xi32, #tpu.memory_space<vmem>>, vector<1x16xi32>,
    %swap3A_425 = vector.shape_cast %swap3A_424 : vector<1x16xi32> to vector<16xi32>
    %swap3A_426 = vector.shape_cast %add3A_420 : vector<16xi32> to vector<1x16xi32>
    tpu.vector_store %arg5[%swap3A_422, %swap3A_423], %swap3A_426 {strides = array<i32>} : memref<200x128xi32, #tpu.memory_space<vmem>>, vector<1x16xi32>,
    %add3A_427 = arith.constant 112 : i32
    %add3A_428 = arith.addi %rem3A_237, %add3A_427 : i32
    %iota3A_429 = tpu.iota {dimensions = array<i32: 0>} : vector<16xi32>
    %add3A_430 = vector.broadcast %add3A_428 : i32 to vector<16xi32>
    %add3A_431 = arith.addi %add3A_430, %iota3A_429 : vector<16xi32>
    %ge3A_432 = arith.constant 200 : i32
    %ge3A_433 = vector.broadcast %ge3A_432 : i32 to vector<16xi32>
    %ge3A_434 = arith.cmpi sge, %add3A_431, %ge3A_433 : vector<16xi32>
    %sub3A_435 = arith.constant 200 : i32
    %sub3A_436 = vector.broadcast %sub3A_435 : i32 to vector<16xi32>
    %sub3A_437 = arith.subi %add3A_431, %sub3A_436 : vector<16xi32>
    %select_n3A_438 = arith.select %ge3A_434, %sub3A_437, %add3A_431 : vector<16xi1>, vector<16xi32>
    %get3A_439 = arith.constant 1 : i32
    %get3A_440 = arith.index_cast %get3A_439 : i32 to index
    %get3A_441 = arith.constant 112 : index
    %get3A_442 = tpu.vector_load %arg5[%get3A_440, %get3A_441] {strides = array<i32>} : memref<200x128xi32, #tpu.memory_space<vmem>>, vector<1x16xi32>,
    %get3A_443 = vector.shape_cast %get3A_442 : vector<1x16xi32> to vector<16xi32>
    %mul3A_444 = arith.constant 20 : i32
    %mul3A_445 = vector.broadcast %mul3A_444 : i32 to vector<16xi32>
    %mul3A_446 = arith.muli %select_n3A_438, %mul3A_445 : vector<16xi32>
    %add3A_447 = arith.addi %get3A_443, %mul3A_446 : vector<16xi32>
    %swap3A_448 = arith.constant 1 : i32
    %swap3A_449 = arith.index_cast %swap3A_448 : i32 to index
    %swap3A_450 = arith.constant 112 : index
    %swap3A_451 = tpu.vector_load %arg5[%swap3A_449, %swap3A_450] {strides = array<i32>} : memref<200x128xi32, #tpu.memory_space<vmem>>, vector<1x16xi32>,
    %swap3A_452 = vector.shape_cast %swap3A_451 : vector<1x16xi32> to vector<16xi32>
    %swap3A_453 = vector.shape_cast %add3A_447 : vector<16xi32> to vector<1x16xi32>
    tpu.vector_store %arg5[%swap3A_449, %swap3A_450], %swap3A_453 {strides = array<i32>} : memref<200x128xi32, #tpu.memory_space<vmem>>, vector<1x16xi32>,
    %dma_start3A_454 = arith.constant 0 : i32
    %dma_start3A_455 = arith.constant 0 : i32
    %dma_start3A_456 = arith.constant 0 : i32
    %dma_start3A_457 = arith.constant 0 : i32
    %dma_start3A_458 = tpu.memref_slice %arg6[%dma_start3A_455, %dma_start3A_456, %dma_start3A_457] : memref<4x128x128xf32, #tpu.memory_space<vmem>> -> memref<1x128x128xf32, #tpu.memory_space<vmem>>
    %dma_start3A_459 = tpu.memref_squeeze %dma_start3A_458 : memref<1x128x128xf32, #tpu.memory_space<vmem>> -> memref<128x128xf32, #tpu.memory_space<vmem>>
    %dma_start3A_460 = arith.constant 0 : i32
    %dma_start3A_461 = tpu.memref_slice %arg5[%dma_start3A_454, %dma_start3A_460] : memref<200x128xi32, #tpu.memory_space<vmem>> -> memref<1x128xi32, #tpu.memory_space<vmem>>
    %dma_start3A_462 = tpu.memref_squeeze %dma_start3A_461 : memref<1x128xi32, #tpu.memory_space<vmem>> -> memref<128xi32, #tpu.memory_space<vmem>>
    %dma_start3A_463 = arith.constant 0 : i32
    %dma_start3A_464 = arith.constant 0 : i32
    %dma_start3A_465 = tpu.memref_slice %arg7[%dma_start3A_463, %dma_start3A_464] : memref<4000x128xf32, #tpu.memory_space<vmem_shared>> -> memref<4000x128xf32, #tpu.memory_space<vmem_shared>>
    tpu.enqueue_indirect_dma source(%dma_start3A_465 : memref<4000x128xf32, #tpu.memory_space<vmem_shared>>) target(%dma_start3A_459 : memref<128x128xf32, #tpu.memory_space<vmem>>) offsets(%dma_start3A_462 : memref<128xi32, #tpu.memory_space<vmem>>) semaphore(%arg8 : memref<!tpu.dma_semaphore, #tpu.memory_space<semaphore_mem>>)
    %dma_start3A_466 = arith.constant 1 : i32
    %dma_start3A_467 = arith.constant 1 : i32
    %dma_start3A_468 = arith.constant 0 : i32
    %dma_start3A_469 = arith.constant 0 : i32
    %dma_start3A_470 = tpu.memref_slice %arg6[%dma_start3A_467, %dma_start3A_468, %dma_start3A_469] : memref<4x128x128xf32, #tpu.memory_space<vmem>> -> memref<1x128x128xf32, #tpu.memory_space<vmem>>
    %dma_start3A_471 = tpu.memref_squeeze %dma_start3A_470 : memref<1x128x128xf32, #tpu.memory_space<vmem>> -> memref<128x128xf32, #tpu.memory_space<vmem>>
    %dma_start3A_472 = arith.constant 0 : i32
    %dma_start3A_473 = tpu.memref_slice %arg5[%dma_start3A_466, %dma_start3A_472] : memref<200x128xi32, #tpu.memory_space<vmem>> -> memref<1x128xi32, #tpu.memory_space<vmem>>
    %dma_start3A_474 = tpu.memref_squeeze %dma_start3A_473 : memref<1x128xi32, #tpu.memory_space<vmem>> -> memref<128xi32, #tpu.memory_space<vmem>>
    %dma_start3A_475 = arith.constant 0 : i32
    %dma_start3A_476 = arith.constant 0 : i32
    %dma_start3A_477 = tpu.memref_slice %arg7[%dma_start3A_475, %dma_start3A_476] : memref<4000x128xf32, #tpu.memory_space<vmem_shared>> -> memref<4000x128xf32, #tpu.memory_space<vmem_shared>>
    tpu.enqueue_indirect_dma source(%dma_start3A_477 : memref<4000x128xf32, #tpu.memory_space<vmem_shared>>) target(%dma_start3A_471 : memref<128x128xf32, #tpu.memory_space<vmem>>) offsets(%dma_start3A_474 : memref<128xi32, #tpu.memory_space<vmem>>) semaphore(%arg9 : memref<!tpu.dma_semaphore, #tpu.memory_space<semaphore_mem>>)
    %rem3A_478 = arith.constant 256 : i32
    %rem3A_479 = arith.constant 200 : i32
    %rem3A_480 = arith.remsi %rem3A_478, %rem3A_479 : i32
    %add3A_481 = arith.constant 0 : i32
    %add3A_482 = arith.addi %rem3A_480, %add3A_481 : i32
    %iota3A_483 = tpu.iota {dimensions = array<i32: 0>} : vector<16xi32>
    %add3A_484 = vector.broadcast %add3A_482 : i32 to vector<16xi32>
    %add3A_485 = arith.addi %add3A_484, %iota3A_483 : vector<16xi32>
    %ge3A_486 = arith.constant 200 : i32
    %ge3A_487 = vector.broadcast %ge3A_486 : i32 to vector<16xi32>
    %ge3A_488 = arith.cmpi sge, %add3A_485, %ge3A_487 : vector<16xi32>
    %sub3A_489 = arith.constant 200 : i32
    %sub3A_490 = vector.broadcast %sub3A_489 : i32 to vector<16xi32>
    %sub3A_491 = arith.subi %add3A_485, %sub3A_490 : vector<16xi32>
    %select_n3A_492 = arith.select %ge3A_488, %sub3A_491, %add3A_485 : vector<16xi1>, vector<16xi32>
    %get3A_493 = arith.constant 2 : i32
    %get3A_494 = arith.index_cast %get3A_493 : i32 to index
    %get3A_495 = arith.constant 0 : index
    %get3A_496 = tpu.vector_load %arg5[%get3A_494, %get3A_495] {strides = array<i32>} : memref<200x128xi32, #tpu.memory_space<vmem>>, vector<1x16xi32>,
    %get3A_497 = vector.shape_cast %get3A_496 : vector<1x16xi32> to vector<16xi32>
    %mul3A_498 = arith.constant 20 : i32
    %mul3A_499 = vector.broadcast %mul3A_498 : i32 to vector<16xi32>
    %mul3A_500 = arith.muli %select_n3A_492, %mul3A_499 : vector<16xi32>
    %add3A_501 = arith.addi %get3A_497, %mul3A_500 : vector<16xi32>
    %swap3A_502 = arith.constant 2 : i32
    %swap3A_503 = arith.index_cast %swap3A_502 : i32 to index
    %swap3A_504 = arith.constant 0 : index
    %swap3A_505 = tpu.vector_load %arg5[%swap3A_503, %swap3A_504] {strides = array<i32>} : memref<200x128xi32, #tpu.memory_space<vmem>>, vector<1x16xi32>,
    %swap3A_506 = vector.shape_cast %swap3A_505 : vector<1x16xi32> to vector<16xi32>
    %swap3A_507 = vector.shape_cast %add3A_501 : vector<16xi32> to vector<1x16xi32>
    tpu.vector_store %arg5[%swap3A_503, %swap3A_504], %swap3A_507 {strides = array<i32>} : memref<200x128xi32, #tpu.memory_space<vmem>>, vector<1x16xi32>,
    %add3A_508 = arith.constant 16 : i32
    %add3A_509 = arith.addi %rem3A_480, %add3A_508 : i32
    %iota3A_510 = tpu.iota {dimensions = array<i32: 0>} : vector<16xi32>
    %add3A_511 = vector.broadcast %add3A_509 : i32 to vector<16xi32>
    %add3A_512 = arith.addi %add3A_511, %iota3A_510 : vector<16xi32>
    %ge3A_513 = arith.constant 200 : i32
    %ge3A_514 = vector.broadcast %ge3A_513 : i32 to vector<16xi32>
    %ge3A_515 = arith.cmpi sge, %add3A_512, %ge3A_514 : vector<16xi32>
    %sub3A_516 = arith.constant 200 : i32
    %sub3A_517 = vector.broadcast %sub3A_516 : i32 to vector<16xi32>
    %sub3A_518 = arith.subi %add3A_512, %sub3A_517 : vector<16xi32>
    %select_n3A_519 = arith.select %ge3A_515, %sub3A_518, %add3A_512 : vector<16xi1>, vector<16xi32>
    %get3A_520 = arith.constant 2 : i32
    %get3A_521 = arith.index_cast %get3A_520 : i32 to index
    %get3A_522 = arith.constant 16 : index
    %get3A_523 = tpu.vector_load %arg5[%get3A_521, %get3A_522] {strides = array<i32>} : memref<200x128xi32, #tpu.memory_space<vmem>>, vector<1x16xi32>,
    %get3A_524 = vector.shape_cast %get3A_523 : vector<1x16xi32> to vector<16xi32>
    %mul3A_525 = arith.constant 20 : i32
    %mul3A_526 = vector.broadcast %mul3A_525 : i32 to vector<16xi32>
    %mul3A_527 = arith.muli %select_n3A_519, %mul3A_526 : vector<16xi32>
    %add3A_528 = arith.addi %get3A_524, %mul3A_527 : vector<16xi32>
    %swap3A_529 = arith.constant 2 : i32
    %swap3A_530 = arith.index_cast %swap3A_529 : i32 to index
    %swap3A_531 = arith.constant 16 : index
    %swap3A_532 = tpu.vector_load %arg5[%swap3A_530, %swap3A_531] {strides = array<i32>} : memref<200x128xi32, #tpu.memory_space<vmem>>, vector<1x16xi32>,
    %swap3A_533 = vector.shape_cast %swap3A_532 : vector<1x16xi32> to vector<16xi32>
    %swap3A_534 = vector.shape_cast %add3A_528 : vector<16xi32> to vector<1x16xi32>
    tpu.vector_store %arg5[%swap3A_530, %swap3A_531], %swap3A_534 {strides = array<i32>} : memref<200x128xi32, #tpu.memory_space<vmem>>, vector<1x16xi32>,
    %add3A_535 = arith.constant 32 : i32
    %add3A_536 = arith.addi %rem3A_480, %add3A_535 : i32
    %iota3A_537 = tpu.iota {dimensions = array<i32: 0>} : vector<16xi32>
    %add3A_538 = vector.broadcast %add3A_536 : i32 to vector<16xi32>
    %add3A_539 = arith.addi %add3A_538, %iota3A_537 : vector<16xi32>
    %ge3A_540 = arith.constant 200 : i32
    %ge3A_541 = vector.broadcast %ge3A_540 : i32 to vector<16xi32>
    %ge3A_542 = arith.cmpi sge, %add3A_539, %ge3A_541 : vector<16xi32>
    %sub3A_543 = arith.constant 200 : i32
    %sub3A_544 = vector.broadcast %sub3A_543 : i32 to vector<16xi32>
    %sub3A_545 = arith.subi %add3A_539, %sub3A_544 : vector<16xi32>
    %select_n3A_546 = arith.select %ge3A_542, %sub3A_545, %add3A_539 : vector<16xi1>, vector<16xi32>
    %get3A_547 = arith.constant 2 : i32
    %get3A_548 = arith.index_cast %get3A_547 : i32 to index
    %get3A_549 = arith.constant 32 : index
    %get3A_550 = tpu.vector_load %arg5[%get3A_548, %get3A_549] {strides = array<i32>} : memref<200x128xi32, #tpu.memory_space<vmem>>, vector<1x16xi32>,
    %get3A_551 = vector.shape_cast %get3A_550 : vector<1x16xi32> to vector<16xi32>
    %mul3A_552 = arith.constant 20 : i32
    %mul3A_553 = vector.broadcast %mul3A_552 : i32 to vector<16xi32>
    %mul3A_554 = arith.muli %select_n3A_546, %mul3A_553 : vector<16xi32>
    %add3A_555 = arith.addi %get3A_551, %mul3A_554 : vector<16xi32>
    %swap3A_556 = arith.constant 2 : i32
    %swap3A_557 = arith.index_cast %swap3A_556 : i32 to index
    %swap3A_558 = arith.constant 32 : index
    %swap3A_559 = tpu.vector_load %arg5[%swap3A_557, %swap3A_558] {strides = array<i32>} : memref<200x128xi32, #tpu.memory_space<vmem>>, vector<1x16xi32>,
    %swap3A_560 = vector.shape_cast %swap3A_559 : vector<1x16xi32> to vector<16xi32>
    %swap3A_561 = vector.shape_cast %add3A_555 : vector<16xi32> to vector<1x16xi32>
    tpu.vector_store %arg5[%swap3A_557, %swap3A_558], %swap3A_561 {strides = array<i32>} : memref<200x128xi32, #tpu.memory_space<vmem>>, vector<1x16xi32>,
    %add3A_562 = arith.constant 48 : i32
    %add3A_563 = arith.addi %rem3A_480, %add3A_562 : i32
    %iota3A_564 = tpu.iota {dimensions = array<i32: 0>} : vector<16xi32>
    %add3A_565 = vector.broadcast %add3A_563 : i32 to vector<16xi32>
    %add3A_566 = arith.addi %add3A_565, %iota3A_564 : vector<16xi32>
    %ge3A_567 = arith.constant 200 : i32
    %ge3A_568 = vector.broadcast %ge3A_567 : i32 to vector<16xi32>
    %ge3A_569 = arith.cmpi sge, %add3A_566, %ge3A_568 : vector<16xi32>
    %sub3A_570 = arith.constant 200 : i32
    %sub3A_571 = vector.broadcast %sub3A_570 : i32 to vector<16xi32>
    %sub3A_572 = arith.subi %add3A_566, %sub3A_571 : vector<16xi32>
    %select_n3A_573 = arith.select %ge3A_569, %sub3A_572, %add3A_566 : vector<16xi1>, vector<16xi32>
    %get3A_574 = arith.constant 2 : i32
    %get3A_575 = arith.index_cast %get3A_574 : i32 to index
    %get3A_576 = arith.constant 48 : index
    %get3A_577 = tpu.vector_load %arg5[%get3A_575, %get3A_576] {strides = array<i32>} : memref<200x128xi32, #tpu.memory_space<vmem>>, vector<1x16xi32>,
    %get3A_578 = vector.shape_cast %get3A_577 : vector<1x16xi32> to vector<16xi32>
    %mul3A_579 = arith.constant 20 : i32
    %mul3A_580 = vector.broadcast %mul3A_579 : i32 to vector<16xi32>
    %mul3A_581 = arith.muli %select_n3A_573, %mul3A_580 : vector<16xi32>
    %add3A_582 = arith.addi %get3A_578, %mul3A_581 : vector<16xi32>
    %swap3A_583 = arith.constant 2 : i32
    %swap3A_584 = arith.index_cast %swap3A_583 : i32 to index
    %swap3A_585 = arith.constant 48 : index
    %swap3A_586 = tpu.vector_load %arg5[%swap3A_584, %swap3A_585] {strides = array<i32>} : memref<200x128xi32, #tpu.memory_space<vmem>>, vector<1x16xi32>,
    %swap3A_587 = vector.shape_cast %swap3A_586 : vector<1x16xi32> to vector<16xi32>
    %swap3A_588 = vector.shape_cast %add3A_582 : vector<16xi32> to vector<1x16xi32>
    tpu.vector_store %arg5[%swap3A_584, %swap3A_585], %swap3A_588 {strides = array<i32>} : memref<200x128xi32, #tpu.memory_space<vmem>>, vector<1x16xi32>,
    %add3A_589 = arith.constant 64 : i32
    %add3A_590 = arith.addi %rem3A_480, %add3A_589 : i32
    %iota3A_591 = tpu.iota {dimensions = array<i32: 0>} : vector<16xi32>
    %add3A_592 = vector.broadcast %add3A_590 : i32 to vector<16xi32>
    %add3A_593 = arith.addi %add3A_592, %iota3A_591 : vector<16xi32>
    %ge3A_594 = arith.constant 200 : i32
    %ge3A_595 = vector.broadcast %ge3A_594 : i32 to vector<16xi32>
    %ge3A_596 = arith.cmpi sge, %add3A_593, %ge3A_595 : vector<16xi32>
    %sub3A_597 = arith.constant 200 : i32
    %sub3A_598 = vector.broadcast %sub3A_597 : i32 to vector<16xi32>
    %sub3A_599 = arith.subi %add3A_593, %sub3A_598 : vector<16xi32>
    %select_n3A_600 = arith.select %ge3A_596, %sub3A_599, %add3A_593 : vector<16xi1>, vector<16xi32>
    %get3A_601 = arith.constant 2 : i32
    %get3A_602 = arith.index_cast %get3A_601 : i32 to index
    %get3A_603 = arith.constant 64 : index
    %get3A_604 = tpu.vector_load %arg5[%get3A_602, %get3A_603] {strides = array<i32>} : memref<200x128xi32, #tpu.memory_space<vmem>>, vector<1x16xi32>,
    %get3A_605 = vector.shape_cast %get3A_604 : vector<1x16xi32> to vector<16xi32>
    %mul3A_606 = arith.constant 20 : i32
    %mul3A_607 = vector.broadcast %mul3A_606 : i32 to vector<16xi32>
    %mul3A_608 = arith.muli %select_n3A_600, %mul3A_607 : vector<16xi32>
    %add3A_609 = arith.addi %get3A_605, %mul3A_608 : vector<16xi32>
    %swap3A_610 = arith.constant 2 : i32
    %swap3A_611 = arith.index_cast %swap3A_610 : i32 to index
    %swap3A_612 = arith.constant 64 : index
    %swap3A_613 = tpu.vector_load %arg5[%swap3A_611, %swap3A_612] {strides = array<i32>} : memref<200x128xi32, #tpu.memory_space<vmem>>, vector<1x16xi32>,
    %swap3A_614 = vector.shape_cast %swap3A_613 : vector<1x16xi32> to vector<16xi32>
    %swap3A_615 = vector.shape_cast %add3A_609 : vector<16xi32> to vector<1x16xi32>
    tpu.vector_store %arg5[%swap3A_611, %swap3A_612], %swap3A_615 {strides = array<i32>} : memref<200x128xi32, #tpu.memory_space<vmem>>, vector<1x16xi32>,
    %add3A_616 = arith.constant 80 : i32
    %add3A_617 = arith.addi %rem3A_480, %add3A_616 : i32
    %iota3A_618 = tpu.iota {dimensions = array<i32: 0>} : vector<16xi32>
    %add3A_619 = vector.broadcast %add3A_617 : i32 to vector<16xi32>
    %add3A_620 = arith.addi %add3A_619, %iota3A_618 : vector<16xi32>
    %ge3A_621 = arith.constant 200 : i32
    %ge3A_622 = vector.broadcast %ge3A_621 : i32 to vector<16xi32>
    %ge3A_623 = arith.cmpi sge, %add3A_620, %ge3A_622 : vector<16xi32>
    %sub3A_624 = arith.constant 200 : i32
    %sub3A_625 = vector.broadcast %sub3A_624 : i32 to vector<16xi32>
    %sub3A_626 = arith.subi %add3A_620, %sub3A_625 : vector<16xi32>
    %select_n3A_627 = arith.select %ge3A_623, %sub3A_626, %add3A_620 : vector<16xi1>, vector<16xi32>
    %get3A_628 = arith.constant 2 : i32
    %get3A_629 = arith.index_cast %get3A_628 : i32 to index
    %get3A_630 = arith.constant 80 : index
    %get3A_631 = tpu.vector_load %arg5[%get3A_629, %get3A_630] {strides = array<i32>} : memref<200x128xi32, #tpu.memory_space<vmem>>, vector<1x16xi32>,
    %get3A_632 = vector.shape_cast %get3A_631 : vector<1x16xi32> to vector<16xi32>
    %mul3A_633 = arith.constant 20 : i32
    %mul3A_634 = vector.broadcast %mul3A_633 : i32 to vector<16xi32>
    %mul3A_635 = arith.muli %select_n3A_627, %mul3A_634 : vector<16xi32>
    %add3A_636 = arith.addi %get3A_632, %mul3A_635 : vector<16xi32>
    %swap3A_637 = arith.constant 2 : i32
    %swap3A_638 = arith.index_cast %swap3A_637 : i32 to index
    %swap3A_639 = arith.constant 80 : index
    %swap3A_640 = tpu.vector_load %arg5[%swap3A_638, %swap3A_639] {strides = array<i32>} : memref<200x128xi32, #tpu.memory_space<vmem>>, vector<1x16xi32>,
    %swap3A_641 = vector.shape_cast %swap3A_640 : vector<1x16xi32> to vector<16xi32>
    %swap3A_642 = vector.shape_cast %add3A_636 : vector<16xi32> to vector<1x16xi32>
    tpu.vector_store %arg5[%swap3A_638, %swap3A_639], %swap3A_642 {strides = array<i32>} : memref<200x128xi32, #tpu.memory_space<vmem>>, vector<1x16xi32>,
    %add3A_643 = arith.constant 96 : i32
    %add3A_644 = arith.addi %rem3A_480, %add3A_643 : i32
    %iota3A_645 = tpu.iota {dimensions = array<i32: 0>} : vector<16xi32>
    %add3A_646 = vector.broadcast %add3A_644 : i32 to vector<16xi32>
    %add3A_647 = arith.addi %add3A_646, %iota3A_645 : vector<16xi32>
    %ge3A_648 = arith.constant 200 : i32
    %ge3A_649 = vector.broadcast %ge3A_648 : i32 to vector<16xi32>
    %ge3A_650 = arith.cmpi sge, %add3A_647, %ge3A_649 : vector<16xi32>
    %sub3A_651 = arith.constant 200 : i32
    %sub3A_652 = vector.broadcast %sub3A_651 : i32 to vector<16xi32>
    %sub3A_653 = arith.subi %add3A_647, %sub3A_652 : vector<16xi32>
    %select_n3A_654 = arith.select %ge3A_650, %sub3A_653, %add3A_647 : vector<16xi1>, vector<16xi32>
    %get3A_655 = arith.constant 2 : i32
    %get3A_656 = arith.index_cast %get3A_655 : i32 to index
    %get3A_657 = arith.constant 96 : index
    %get3A_658 = tpu.vector_load %arg5[%get3A_656, %get3A_657] {strides = array<i32>} : memref<200x128xi32, #tpu.memory_space<vmem>>, vector<1x16xi32>,
    %get3A_659 = vector.shape_cast %get3A_658 : vector<1x16xi32> to vector<16xi32>
    %mul3A_660 = arith.constant 20 : i32
    %mul3A_661 = vector.broadcast %mul3A_660 : i32 to vector<16xi32>
    %mul3A_662 = arith.muli %select_n3A_654, %mul3A_661 : vector<16xi32>
    %add3A_663 = arith.addi %get3A_659, %mul3A_662 : vector<16xi32>
    %swap3A_664 = arith.constant 2 : i32
    %swap3A_665 = arith.index_cast %swap3A_664 : i32 to index
    %swap3A_666 = arith.constant 96 : index
    %swap3A_667 = tpu.vector_load %arg5[%swap3A_665, %swap3A_666] {strides = array<i32>} : memref<200x128xi32, #tpu.memory_space<vmem>>, vector<1x16xi32>,
    %swap3A_668 = vector.shape_cast %swap3A_667 : vector<1x16xi32> to vector<16xi32>
    %swap3A_669 = vector.shape_cast %add3A_663 : vector<16xi32> to vector<1x16xi32>
    tpu.vector_store %arg5[%swap3A_665, %swap3A_666], %swap3A_669 {strides = array<i32>} : memref<200x128xi32, #tpu.memory_space<vmem>>, vector<1x16xi32>,
    %add3A_670 = arith.constant 112 : i32
    %add3A_671 = arith.addi %rem3A_480, %add3A_670 : i32
    %iota3A_672 = tpu.iota {dimensions = array<i32: 0>} : vector<16xi32>
    %add3A_673 = vector.broadcast %add3A_671 : i32 to vector<16xi32>
    %add3A_674 = arith.addi %add3A_673, %iota3A_672 : vector<16xi32>
    %ge3A_675 = arith.constant 200 : i32
    %ge3A_676 = vector.broadcast %ge3A_675 : i32 to vector<16xi32>
    %ge3A_677 = arith.cmpi sge, %add3A_674, %ge3A_676 : vector<16xi32>
    %sub3A_678 = arith.constant 200 : i32
    %sub3A_679 = vector.broadcast %sub3A_678 : i32 to vector<16xi32>
    %sub3A_680 = arith.subi %add3A_674, %sub3A_679 : vector<16xi32>
    %select_n3A_681 = arith.select %ge3A_677, %sub3A_680, %add3A_674 : vector<16xi1>, vector<16xi32>
    %get3A_682 = arith.constant 2 : i32
    %get3A_683 = arith.index_cast %get3A_682 : i32 to index
    %get3A_684 = arith.constant 112 : index
    %get3A_685 = tpu.vector_load %arg5[%get3A_683, %get3A_684] {strides = array<i32>} : memref<200x128xi32, #tpu.memory_space<vmem>>, vector<1x16xi32>,
    %get3A_686 = vector.shape_cast %get3A_685 : vector<1x16xi32> to vector<16xi32>
    %mul3A_687 = arith.constant 20 : i32
    %mul3A_688 = vector.broadcast %mul3A_687 : i32 to vector<16xi32>
    %mul3A_689 = arith.muli %select_n3A_681, %mul3A_688 : vector<16xi32>
    %add3A_690 = arith.addi %get3A_686, %mul3A_689 : vector<16xi32>
    %swap3A_691 = arith.constant 2 : i32
    %swap3A_692 = arith.index_cast %swap3A_691 : i32 to index
    %swap3A_693 = arith.constant 112 : index
    %swap3A_694 = tpu.vector_load %arg5[%swap3A_692, %swap3A_693] {strides = array<i32>} : memref<200x128xi32, #tpu.memory_space<vmem>>, vector<1x16xi32>,
    %swap3A_695 = vector.shape_cast %swap3A_694 : vector<1x16xi32> to vector<16xi32>
    %swap3A_696 = vector.shape_cast %add3A_690 : vector<16xi32> to vector<1x16xi32>
    tpu.vector_store %arg5[%swap3A_692, %swap3A_693], %swap3A_696 {strides = array<i32>} : memref<200x128xi32, #tpu.memory_space<vmem>>, vector<1x16xi32>,
    %dma_start3A_697 = arith.constant 2 : i32
    %dma_start3A_698 = arith.constant 2 : i32
    %dma_start3A_699 = arith.constant 0 : i32
    %dma_start3A_700 = arith.constant 0 : i32
    %dma_start3A_701 = tpu.memref_slice %arg6[%dma_start3A_698, %dma_start3A_699, %dma_start3A_700] : memref<4x128x128xf32, #tpu.memory_space<vmem>> -> memref<1x128x128xf32, #tpu.memory_space<vmem>>
    %dma_start3A_702 = tpu.memref_squeeze %dma_start3A_701 : memref<1x128x128xf32, #tpu.memory_space<vmem>> -> memref<128x128xf32, #tpu.memory_space<vmem>>
    %dma_start3A_703 = arith.constant 0 : i32
    %dma_start3A_704 = tpu.memref_slice %arg5[%dma_start3A_697, %dma_start3A_703] : memref<200x128xi32, #tpu.memory_space<vmem>> -> memref<1x128xi32, #tpu.memory_space<vmem>>
    %dma_start3A_705 = tpu.memref_squeeze %dma_start3A_704 : memref<1x128xi32, #tpu.memory_space<vmem>> -> memref<128xi32, #tpu.memory_space<vmem>>
    %dma_start3A_706 = arith.constant 0 : i32
    %dma_start3A_707 = arith.constant 0 : i32
    %dma_start3A_708 = tpu.memref_slice %arg7[%dma_start3A_706, %dma_start3A_707] : memref<4000x128xf32, #tpu.memory_space<vmem_shared>> -> memref<4000x128xf32, #tpu.memory_space<vmem_shared>>
    tpu.enqueue_indirect_dma source(%dma_start3A_708 : memref<4000x128xf32, #tpu.memory_space<vmem_shared>>) target(%dma_start3A_702 : memref<128x128xf32, #tpu.memory_space<vmem>>) offsets(%dma_start3A_705 : memref<128xi32, #tpu.memory_space<vmem>>) semaphore(%arg10 : memref<!tpu.dma_semaphore, #tpu.memory_space<semaphore_mem>>)
    %dma_wait3A_709 = arith.constant 0 : i32
    %dma_wait3A_710 = arith.constant 0 : i32
    %dma_wait3A_711 = arith.constant 0 : i32
    %dma_wait3A_712 = arith.constant 0 : i32
    %dma_wait3A_713 = tpu.memref_slice %arg6[%dma_wait3A_710, %dma_wait3A_711, %dma_wait3A_712] : memref<4x128x128xf32, #tpu.memory_space<vmem>> -> memref<1x128x128xf32, #tpu.memory_space<vmem>>
    %dma_wait3A_714 = tpu.memref_squeeze %dma_wait3A_713 : memref<1x128x128xf32, #tpu.memory_space<vmem>> -> memref<128x128xf32, #tpu.memory_space<vmem>>
    %dma_wait3A_715 = arith.constant 0 : i32
    %dma_wait3A_716 = tpu.memref_slice %arg5[%dma_wait3A_709, %dma_wait3A_715] : memref<200x128xi32, #tpu.memory_space<vmem>> -> memref<1x128xi32, #tpu.memory_space<vmem>>
    %dma_wait3A_717 = tpu.memref_squeeze %dma_wait3A_716 : memref<1x128xi32, #tpu.memory_space<vmem>> -> memref<128xi32, #tpu.memory_space<vmem>>
    %dma_wait3A_718 = arith.constant 0 : i32
    %dma_wait3A_719 = arith.constant 0 : i32
    %dma_wait3A_720 = tpu.memref_slice %arg7[%dma_wait3A_718, %dma_wait3A_719] : memref<4000x128xf32, #tpu.memory_space<vmem_shared>> -> memref<4000x128xf32, #tpu.memory_space<vmem_shared>>
    tpu.wait_indirect_dma semaphore(%arg8 : memref<!tpu.dma_semaphore, #tpu.memory_space<semaphore_mem>>) src(%dma_wait3A_720 : memref<4000x128xf32, #tpu.memory_space<vmem_shared>>) dst(%dma_wait3A_714 : memref<128x128xf32, #tpu.memory_space<vmem>>)
    %add3A_721 = arith.constant 0 : i32
    %add3A_722 = arith.addi %mul3A_2, %add3A_721 : i32
    %dma_start3A_723 = arith.constant 0 : i32
    %dma_start3A_724 = arith.constant 0 : i32
    %dma_start3A_725 = arith.constant 0 : i32
    %dma_start3A_726 = tpu.memref_slice %arg6[%dma_start3A_723, %dma_start3A_724, %dma_start3A_725] : memref<4x128x128xf32, #tpu.memory_space<vmem>> -> memref<1x128x128xf32, #tpu.memory_space<vmem>>
    %dma_start3A_727 = tpu.memref_squeeze %dma_start3A_726 : memref<1x128x128xf32, #tpu.memory_space<vmem>> -> memref<128x128xf32, #tpu.memory_space<vmem>>
    %dma_start3A_728 = arith.constant 0 : i32
    %dma_start3A_729 = tpu.memref_slice %arg4[%add3A_722, %dma_start3A_728] : memref<819200x128xf32, #tpu.memory_space<hbm>> -> memref<128x128xf32, #tpu.memory_space<hbm>>
    %dma_start3A_730 = arith.constant 0 : i32
    %dma_start3A_731 = tpu.memref_slice %arg4[%add3A_722, %dma_start3A_730] : memref<819200x128xf32, #tpu.memory_space<hbm>> -> memref<128x128xf32, #tpu.memory_space<hbm>>
    %dma_start3A_732 = arith.constant 0 : i32
    %dma_start3A_733 = arith.constant 0 : i32
    %dma_start3A_734 = tpu.memref_slice %arg6[%dma_start3A_723, %dma_start3A_732, %dma_start3A_733] : memref<4x128x128xf32, #tpu.memory_space<vmem>> -> memref<1x128x128xf32, #tpu.memory_space<vmem>>
    %dma_start3A_735 = tpu.memref_squeeze %dma_start3A_734 : memref<1x128x128xf32, #tpu.memory_space<vmem>> -> memref<128x128xf32, #tpu.memory_space<vmem>>
    tpu.enqueue_dma source(%dma_start3A_735 : memref<128x128xf32, #tpu.memory_space<vmem>>) target(%dma_start3A_731 : memref<128x128xf32, #tpu.memory_space<hbm>>) target_semaphore(%arg12 : memref<!tpu.dma_semaphore, #tpu.memory_space<semaphore_mem>>)
    %rem3A_736 = arith.constant 384 : i32
    %rem3A_737 = arith.constant 200 : i32
    %rem3A_738 = arith.remsi %rem3A_736, %rem3A_737 : i32
    %add3A_739 = arith.constant 0 : i32
    %add3A_740 = arith.addi %rem3A_738, %add3A_739 : i32
    %iota3A_741 = tpu.iota {dimensions = array<i32: 0>} : vector<16xi32>
    %add3A_742 = vector.broadcast %add3A_740 : i32 to vector<16xi32>
    %add3A_743 = arith.addi %add3A_742, %iota3A_741 : vector<16xi32>
    %ge3A_744 = arith.constant 200 : i32
    %ge3A_745 = vector.broadcast %ge3A_744 : i32 to vector<16xi32>
    %ge3A_746 = arith.cmpi sge, %add3A_743, %ge3A_745 : vector<16xi32>
    %sub3A_747 = arith.constant 200 : i32
    %sub3A_748 = vector.broadcast %sub3A_747 : i32 to vector<16xi32>
    %sub3A_749 = arith.subi %add3A_743, %sub3A_748 : vector<16xi32>
    %select_n3A_750 = arith.select %ge3A_746, %sub3A_749, %add3A_743 : vector<16xi1>, vector<16xi32>
    %get3A_751 = arith.constant 3 : i32
    %get3A_752 = arith.index_cast %get3A_751 : i32 to index
    %get3A_753 = arith.constant 0 : index
    %get3A_754 = tpu.vector_load %arg5[%get3A_752, %get3A_753] {strides = array<i32>} : memref<200x128xi32, #tpu.memory_space<vmem>>, vector<1x16xi32>,
    %get3A_755 = vector.shape_cast %get3A_754 : vector<1x16xi32> to vector<16xi32>
    %mul3A_756 = arith.constant 20 : i32
    %mul3A_757 = vector.broadcast %mul3A_756 : i32 to vector<16xi32>
    %mul3A_758 = arith.muli %select_n3A_750, %mul3A_757 : vector<16xi32>
    %add3A_759 = arith.addi %get3A_755, %mul3A_758 : vector<16xi32>
    %swap3A_760 = arith.constant 3 : i32
    %swap3A_761 = arith.index_cast %swap3A_760 : i32 to index
    %swap3A_762 = arith.constant 0 : index
    %swap3A_763 = tpu.vector_load %arg5[%swap3A_761, %swap3A_762] {strides = array<i32>} : memref<200x128xi32, #tpu.memory_space<vmem>>, vector<1x16xi32>,
    %swap3A_764 = vector.shape_cast %swap3A_763 : vector<1x16xi32> to vector<16xi32>
    %swap3A_765 = vector.shape_cast %add3A_759 : vector<16xi32> to vector<1x16xi32>
    tpu.vector_store %arg5[%swap3A_761, %swap3A_762], %swap3A_765 {strides = array<i32>} : memref<200x128xi32, #tpu.memory_space<vmem>>, vector<1x16xi32>,
    %add3A_766 = arith.constant 16 : i32
    %add3A_767 = arith.addi %rem3A_738, %add3A_766 : i32
    %iota3A_768 = tpu.iota {dimensions = array<i32: 0>} : vector<16xi32>
    %add3A_769 = vector.broadcast %add3A_767 : i32 to vector<16xi32>
    %add3A_770 = arith.addi %add3A_769, %iota3A_768 : vector<16xi32>
    %ge3A_771 = arith.constant 200 : i32
    %ge3A_772 = vector.broadcast %ge3A_771 : i32 to vector<16xi32>
    %ge3A_773 = arith.cmpi sge, %add3A_770, %ge3A_772 : vector<16xi32>
    %sub3A_774 = arith.constant 200 : i32
    %sub3A_775 = vector.broadcast %sub3A_774 : i32 to vector<16xi32>
    %sub3A_776 = arith.subi %add3A_770, %sub3A_775 : vector<16xi32>
    %select_n3A_777 = arith.select %ge3A_773, %sub3A_776, %add3A_770 : vector<16xi1>, vector<16xi32>
    %get3A_778 = arith.constant 3 : i32
    %get3A_779 = arith.index_cast %get3A_778 : i32 to index
    %get3A_780 = arith.constant 16 : index
    %get3A_781 = tpu.vector_load %arg5[%get3A_779, %get3A_780] {strides = array<i32>} : memref<200x128xi32, #tpu.memory_space<vmem>>, vector<1x16xi32>,
    %get3A_782 = vector.shape_cast %get3A_781 : vector<1x16xi32> to vector<16xi32>
    %mul3A_783 = arith.constant 20 : i32
    %mul3A_784 = vector.broadcast %mul3A_783 : i32 to vector<16xi32>
    %mul3A_785 = arith.muli %select_n3A_777, %mul3A_784 : vector<16xi32>
    %add3A_786 = arith.addi %get3A_782, %mul3A_785 : vector<16xi32>
    %swap3A_787 = arith.constant 3 : i32
    %swap3A_788 = arith.index_cast %swap3A_787 : i32 to index
    %swap3A_789 = arith.constant 16 : index
    %swap3A_790 = tpu.vector_load %arg5[%swap3A_788, %swap3A_789] {strides = array<i32>} : memref<200x128xi32, #tpu.memory_space<vmem>>, vector<1x16xi32>,
    %swap3A_791 = vector.shape_cast %swap3A_790 : vector<1x16xi32> to vector<16xi32>
    %swap3A_792 = vector.shape_cast %add3A_786 : vector<16xi32> to vector<1x16xi32>
    tpu.vector_store %arg5[%swap3A_788, %swap3A_789], %swap3A_792 {strides = array<i32>} : memref<200x128xi32, #tpu.memory_space<vmem>>, vector<1x16xi32>,
    %add3A_793 = arith.constant 32 : i32
    %add3A_794 = arith.addi %rem3A_738, %add3A_793 : i32
    %iota3A_795 = tpu.iota {dimensions = array<i32: 0>} : vector<16xi32>
    %add3A_796 = vector.broadcast %add3A_794 : i32 to vector<16xi32>
    %add3A_797 = arith.addi %add3A_796, %iota3A_795 : vector<16xi32>
    %ge3A_798 = arith.constant 200 : i32
    %ge3A_799 = vector.broadcast %ge3A_798 : i32 to vector<16xi32>
    %ge3A_800 = arith.cmpi sge, %add3A_797, %ge3A_799 : vector<16xi32>
    %sub3A_801 = arith.constant 200 : i32
    %sub3A_802 = vector.broadcast %sub3A_801 : i32 to vector<16xi32>
    %sub3A_803 = arith.subi %add3A_797, %sub3A_802 : vector<16xi32>
    %select_n3A_804 = arith.select %ge3A_800, %sub3A_803, %add3A_797 : vector<16xi1>, vector<16xi32>
    %get3A_805 = arith.constant 3 : i32
    %get3A_806 = arith.index_cast %get3A_805 : i32 to index
    %get3A_807 = arith.constant 32 : index
    %get3A_808 = tpu.vector_load %arg5[%get3A_806, %get3A_807] {strides = array<i32>} : memref<200x128xi32, #tpu.memory_space<vmem>>, vector<1x16xi32>,
    %get3A_809 = vector.shape_cast %get3A_808 : vector<1x16xi32> to vector<16xi32>
    %mul3A_810 = arith.constant 20 : i32
    %mul3A_811 = vector.broadcast %mul3A_810 : i32 to vector<16xi32>
    %mul3A_812 = arith.muli %select_n3A_804, %mul3A_811 : vector<16xi32>
    %add3A_813 = arith.addi %get3A_809, %mul3A_812 : vector<16xi32>
    %swap3A_814 = arith.constant 3 : i32
    %swap3A_815 = arith.index_cast %swap3A_814 : i32 to index
    %swap3A_816 = arith.constant 32 : index
    %swap3A_817 = tpu.vector_load %arg5[%swap3A_815, %swap3A_816] {strides = array<i32>} : memref<200x128xi32, #tpu.memory_space<vmem>>, vector<1x16xi32>,
    %swap3A_818 = vector.shape_cast %swap3A_817 : vector<1x16xi32> to vector<16xi32>
    %swap3A_819 = vector.shape_cast %add3A_813 : vector<16xi32> to vector<1x16xi32>
    tpu.vector_store %arg5[%swap3A_815, %swap3A_816], %swap3A_819 {strides = array<i32>} : memref<200x128xi32, #tpu.memory_space<vmem>>, vector<1x16xi32>,
    %add3A_820 = arith.constant 48 : i32
    %add3A_821 = arith.addi %rem3A_738, %add3A_820 : i32
    %iota3A_822 = tpu.iota {dimensions = array<i32: 0>} : vector<16xi32>
    %add3A_823 = vector.broadcast %add3A_821 : i32 to vector<16xi32>
    %add3A_824 = arith.addi %add3A_823, %iota3A_822 : vector<16xi32>
    %ge3A_825 = arith.constant 200 : i32
    %ge3A_826 = vector.broadcast %ge3A_825 : i32 to vector<16xi32>
    %ge3A_827 = arith.cmpi sge, %add3A_824, %ge3A_826 : vector<16xi32>
    %sub3A_828 = arith.constant 200 : i32
    %sub3A_829 = vector.broadcast %sub3A_828 : i32 to vector<16xi32>
    %sub3A_830 = arith.subi %add3A_824, %sub3A_829 : vector<16xi32>
    %select_n3A_831 = arith.select %ge3A_827, %sub3A_830, %add3A_824 : vector<16xi1>, vector<16xi32>
    %get3A_832 = arith.constant 3 : i32
    %get3A_833 = arith.index_cast %get3A_832 : i32 to index
    %get3A_834 = arith.constant 48 : index
    %get3A_835 = tpu.vector_load %arg5[%get3A_833, %get3A_834] {strides = array<i32>} : memref<200x128xi32, #tpu.memory_space<vmem>>, vector<1x16xi32>,
    %get3A_836 = vector.shape_cast %get3A_835 : vector<1x16xi32> to vector<16xi32>
    %mul3A_837 = arith.constant 20 : i32
    %mul3A_838 = vector.broadcast %mul3A_837 : i32 to vector<16xi32>
    %mul3A_839 = arith.muli %select_n3A_831, %mul3A_838 : vector<16xi32>
    %add3A_840 = arith.addi %get3A_836, %mul3A_839 : vector<16xi32>
    %swap3A_841 = arith.constant 3 : i32
    %swap3A_842 = arith.index_cast %swap3A_841 : i32 to index
    %swap3A_843 = arith.constant 48 : index
    %swap3A_844 = tpu.vector_load %arg5[%swap3A_842, %swap3A_843] {strides = array<i32>} : memref<200x128xi32, #tpu.memory_space<vmem>>, vector<1x16xi32>,
    %swap3A_845 = vector.shape_cast %swap3A_844 : vector<1x16xi32> to vector<16xi32>
    %swap3A_846 = vector.shape_cast %add3A_840 : vector<16xi32> to vector<1x16xi32>
    tpu.vector_store %arg5[%swap3A_842, %swap3A_843], %swap3A_846 {strides = array<i32>} : memref<200x128xi32, #tpu.memory_space<vmem>>, vector<1x16xi32>,
    %add3A_847 = arith.constant 64 : i32
    %add3A_848 = arith.addi %rem3A_738, %add3A_847 : i32
    %iota3A_849 = tpu.iota {dimensions = array<i32: 0>} : vector<16xi32>
    %add3A_850 = vector.broadcast %add3A_848 : i32 to vector<16xi32>
    %add3A_851 = arith.addi %add3A_850, %iota3A_849 : vector<16xi32>
    %ge3A_852 = arith.constant 200 : i32
    %ge3A_853 = vector.broadcast %ge3A_852 : i32 to vector<16xi32>
    %ge3A_854 = arith.cmpi sge, %add3A_851, %ge3A_853 : vector<16xi32>
    %sub3A_855 = arith.constant 200 : i32
    %sub3A_856 = vector.broadcast %sub3A_855 : i32 to vector<16xi32>
    %sub3A_857 = arith.subi %add3A_851, %sub3A_856 : vector<16xi32>
    %select_n3A_858 = arith.select %ge3A_854, %sub3A_857, %add3A_851 : vector<16xi1>, vector<16xi32>
    %get3A_859 = arith.constant 3 : i32
    %get3A_860 = arith.index_cast %get3A_859 : i32 to index
    %get3A_861 = arith.constant 64 : index
    %get3A_862 = tpu.vector_load %arg5[%get3A_860, %get3A_861] {strides = array<i32>} : memref<200x128xi32, #tpu.memory_space<vmem>>, vector<1x16xi32>,
    %get3A_863 = vector.shape_cast %get3A_862 : vector<1x16xi32> to vector<16xi32>
    %mul3A_864 = arith.constant 20 : i32
    %mul3A_865 = vector.broadcast %mul3A_864 : i32 to vector<16xi32>
    %mul3A_866 = arith.muli %select_n3A_858, %mul3A_865 : vector<16xi32>
    %add3A_867 = arith.addi %get3A_863, %mul3A_866 : vector<16xi32>
    %swap3A_868 = arith.constant 3 : i32
    %swap3A_869 = arith.index_cast %swap3A_868 : i32 to index
    %swap3A_870 = arith.constant 64 : index
    %swap3A_871 = tpu.vector_load %arg5[%swap3A_869, %swap3A_870] {strides = array<i32>} : memref<200x128xi32, #tpu.memory_space<vmem>>, vector<1x16xi32>,
    %swap3A_872 = vector.shape_cast %swap3A_871 : vector<1x16xi32> to vector<16xi32>
    %swap3A_873 = vector.shape_cast %add3A_867 : vector<16xi32> to vector<1x16xi32>
    tpu.vector_store %arg5[%swap3A_869, %swap3A_870], %swap3A_873 {strides = array<i32>} : memref<200x128xi32, #tpu.memory_space<vmem>>, vector<1x16xi32>,
    %add3A_874 = arith.constant 80 : i32
    %add3A_875 = arith.addi %rem3A_738, %add3A_874 : i32
    %iota3A_876 = tpu.iota {dimensions = array<i32: 0>} : vector<16xi32>
    %add3A_877 = vector.broadcast %add3A_875 : i32 to vector<16xi32>
    %add3A_878 = arith.addi %add3A_877, %iota3A_876 : vector<16xi32>
    %ge3A_879 = arith.constant 200 : i32
    %ge3A_880 = vector.broadcast %ge3A_879 : i32 to vector<16xi32>
    %ge3A_881 = arith.cmpi sge, %add3A_878, %ge3A_880 : vector<16xi32>
    %sub3A_882 = arith.constant 200 : i32
    %sub3A_883 = vector.broadcast %sub3A_882 : i32 to vector<16xi32>
    %sub3A_884 = arith.subi %add3A_878, %sub3A_883 : vector<16xi32>
    %select_n3A_885 = arith.select %ge3A_881, %sub3A_884, %add3A_878 : vector<16xi1>, vector<16xi32>
    %get3A_886 = arith.constant 3 : i32
    %get3A_887 = arith.index_cast %get3A_886 : i32 to index
    %get3A_888 = arith.constant 80 : index
    %get3A_889 = tpu.vector_load %arg5[%get3A_887, %get3A_888] {strides = array<i32>} : memref<200x128xi32, #tpu.memory_space<vmem>>, vector<1x16xi32>,
    %get3A_890 = vector.shape_cast %get3A_889 : vector<1x16xi32> to vector<16xi32>
    %mul3A_891 = arith.constant 20 : i32
    %mul3A_892 = vector.broadcast %mul3A_891 : i32 to vector<16xi32>
    %mul3A_893 = arith.muli %select_n3A_885, %mul3A_892 : vector<16xi32>
    %add3A_894 = arith.addi %get3A_890, %mul3A_893 : vector<16xi32>
    %swap3A_895 = arith.constant 3 : i32
    %swap3A_896 = arith.index_cast %swap3A_895 : i32 to index
    %swap3A_897 = arith.constant 80 : index
    %swap3A_898 = tpu.vector_load %arg5[%swap3A_896, %swap3A_897] {strides = array<i32>} : memref<200x128xi32, #tpu.memory_space<vmem>>, vector<1x16xi32>,
    %swap3A_899 = vector.shape_cast %swap3A_898 : vector<1x16xi32> to vector<16xi32>
    %swap3A_900 = vector.shape_cast %add3A_894 : vector<16xi32> to vector<1x16xi32>
    tpu.vector_store %arg5[%swap3A_896, %swap3A_897], %swap3A_900 {strides = array<i32>} : memref<200x128xi32, #tpu.memory_space<vmem>>, vector<1x16xi32>,
    %add3A_901 = arith.constant 96 : i32
    %add3A_902 = arith.addi %rem3A_738, %add3A_901 : i32
    %iota3A_903 = tpu.iota {dimensions = array<i32: 0>} : vector<16xi32>
    %add3A_904 = vector.broadcast %add3A_902 : i32 to vector<16xi32>
    %add3A_905 = arith.addi %add3A_904, %iota3A_903 : vector<16xi32>
    %ge3A_906 = arith.constant 200 : i32
    %ge3A_907 = vector.broadcast %ge3A_906 : i32 to vector<16xi32>
    %ge3A_908 = arith.cmpi sge, %add3A_905, %ge3A_907 : vector<16xi32>
    %sub3A_909 = arith.constant 200 : i32
    %sub3A_910 = vector.broadcast %sub3A_909 : i32 to vector<16xi32>
    %sub3A_911 = arith.subi %add3A_905, %sub3A_910 : vector<16xi32>
    %select_n3A_912 = arith.select %ge3A_908, %sub3A_911, %add3A_905 : vector<16xi1>, vector<16xi32>
    %get3A_913 = arith.constant 3 : i32
    %get3A_914 = arith.index_cast %get3A_913 : i32 to index
    %get3A_915 = arith.constant 96 : index
    %get3A_916 = tpu.vector_load %arg5[%get3A_914, %get3A_915] {strides = array<i32>} : memref<200x128xi32, #tpu.memory_space<vmem>>, vector<1x16xi32>,
    %get3A_917 = vector.shape_cast %get3A_916 : vector<1x16xi32> to vector<16xi32>
    %mul3A_918 = arith.constant 20 : i32
    %mul3A_919 = vector.broadcast %mul3A_918 : i32 to vector<16xi32>
    %mul3A_920 = arith.muli %select_n3A_912, %mul3A_919 : vector<16xi32>
    %add3A_921 = arith.addi %get3A_917, %mul3A_920 : vector<16xi32>
    %swap3A_922 = arith.constant 3 : i32
    %swap3A_923 = arith.index_cast %swap3A_922 : i32 to index
    %swap3A_924 = arith.constant 96 : index
    %swap3A_925 = tpu.vector_load %arg5[%swap3A_923, %swap3A_924] {strides = array<i32>} : memref<200x128xi32, #tpu.memory_space<vmem>>, vector<1x16xi32>,
    %swap3A_926 = vector.shape_cast %swap3A_925 : vector<1x16xi32> to vector<16xi32>
    %swap3A_927 = vector.shape_cast %add3A_921 : vector<16xi32> to vector<1x16xi32>
    tpu.vector_store %arg5[%swap3A_923, %swap3A_924], %swap3A_927 {strides = array<i32>} : memref<200x128xi32, #tpu.memory_space<vmem>>, vector<1x16xi32>,
    %add3A_928 = arith.constant 112 : i32
    %add3A_929 = arith.addi %rem3A_738, %add3A_928 : i32
    %iota3A_930 = tpu.iota {dimensions = array<i32: 0>} : vector<16xi32>
    %add3A_931 = vector.broadcast %add3A_929 : i32 to vector<16xi32>
    %add3A_932 = arith.addi %add3A_931, %iota3A_930 : vector<16xi32>
    %ge3A_933 = arith.constant 200 : i32
    %ge3A_934 = vector.broadcast %ge3A_933 : i32 to vector<16xi32>
    %ge3A_935 = arith.cmpi sge, %add3A_932, %ge3A_934 : vector<16xi32>
    %sub3A_936 = arith.constant 200 : i32
    %sub3A_937 = vector.broadcast %sub3A_936 : i32 to vector<16xi32>
    %sub3A_938 = arith.subi %add3A_932, %sub3A_937 : vector<16xi32>
    %select_n3A_939 = arith.select %ge3A_935, %sub3A_938, %add3A_932 : vector<16xi1>, vector<16xi32>
    %get3A_940 = arith.constant 3 : i32
    %get3A_941 = arith.index_cast %get3A_940 : i32 to index
    %get3A_942 = arith.constant 112 : index
    %get3A_943 = tpu.vector_load %arg5[%get3A_941, %get3A_942] {strides = array<i32>} : memref<200x128xi32, #tpu.memory_space<vmem>>, vector<1x16xi32>,
    %get3A_944 = vector.shape_cast %get3A_943 : vector<1x16xi32> to vector<16xi32>
    %mul3A_945 = arith.constant 20 : i32
    %mul3A_946 = vector.broadcast %mul3A_945 : i32 to vector<16xi32>
    %mul3A_947 = arith.muli %select_n3A_939, %mul3A_946 : vector<16xi32>
    %add3A_948 = arith.addi %get3A_944, %mul3A_947 : vector<16xi32>
    %swap3A_949 = arith.constant 3 : i32
    %swap3A_950 = arith.index_cast %swap3A_949 : i32 to index
    %swap3A_951 = arith.constant 112 : index
    %swap3A_952 = tpu.vector_load %arg5[%swap3A_950, %swap3A_951] {strides = array<i32>} : memref<200x128xi32, #tpu.memory_space<vmem>>, vector<1x16xi32>,
    %swap3A_953 = vector.shape_cast %swap3A_952 : vector<1x16xi32> to vector<16xi32>
    %swap3A_954 = vector.shape_cast %add3A_948 : vector<16xi32> to vector<1x16xi32>
    tpu.vector_store %arg5[%swap3A_950, %swap3A_951], %swap3A_954 {strides = array<i32>} : memref<200x128xi32, #tpu.memory_space<vmem>>, vector<1x16xi32>,
    %dma_start3A_955 = arith.constant 3 : i32
    %dma_start3A_956 = arith.constant 3 : i32
    %dma_start3A_957 = arith.constant 0 : i32
    %dma_start3A_958 = arith.constant 0 : i32
    %dma_start3A_959 = tpu.memref_slice %arg6[%dma_start3A_956, %dma_start3A_957, %dma_start3A_958] : memref<4x128x128xf32, #tpu.memory_space<vmem>> -> memref<1x128x128xf32, #tpu.memory_space<vmem>>
    %dma_start3A_960 = tpu.memref_squeeze %dma_start3A_959 : memref<1x128x128xf32, #tpu.memory_space<vmem>> -> memref<128x128xf32, #tpu.memory_space<vmem>>
    %dma_start3A_961 = arith.constant 0 : i32
    %dma_start3A_962 = tpu.memref_slice %arg5[%dma_start3A_955, %dma_start3A_961] : memref<200x128xi32, #tpu.memory_space<vmem>> -> memref<1x128xi32, #tpu.memory_space<vmem>>
    %dma_start3A_963 = tpu.memref_squeeze %dma_start3A_962 : memref<1x128xi32, #tpu.memory_space<vmem>> -> memref<128xi32, #tpu.memory_space<vmem>>
    %dma_start3A_964 = arith.constant 0 : i32
    %dma_start3A_965 = arith.constant 0 : i32
    %dma_start3A_966 = tpu.memref_slice %arg7[%dma_start3A_964, %dma_start3A_965] : memref<4000x128xf32, #tpu.memory_space<vmem_shared>> -> memref<4000x128xf32, #tpu.memory_space<vmem_shared>>
    tpu.enqueue_indirect_dma source(%dma_start3A_966 : memref<4000x128xf32, #tpu.memory_space<vmem_shared>>) target(%dma_start3A_960 : memref<128x128xf32, #tpu.memory_space<vmem>>) offsets(%dma_start3A_963 : memref<128xi32, #tpu.memory_space<vmem>>) semaphore(%arg11 : memref<!tpu.dma_semaphore, #tpu.memory_space<semaphore_mem>>)
    %dma_wait3A_967 = arith.constant 0 : i32
    %dma_wait3A_968 = arith.constant 1 : i32
    %dma_wait3A_969 = arith.constant 0 : i32
    %dma_wait3A_970 = arith.constant 0 : i32
    %dma_wait3A_971 = tpu.memref_slice %arg6[%dma_wait3A_968, %dma_wait3A_969, %dma_wait3A_970] : memref<4x128x128xf32, #tpu.memory_space<vmem>> -> memref<1x128x128xf32, #tpu.memory_space<vmem>>
    %dma_wait3A_972 = tpu.memref_squeeze %dma_wait3A_971 : memref<1x128x128xf32, #tpu.memory_space<vmem>> -> memref<128x128xf32, #tpu.memory_space<vmem>>
    %dma_wait3A_973 = arith.constant 0 : i32
    %dma_wait3A_974 = tpu.memref_slice %arg5[%dma_wait3A_967, %dma_wait3A_973] : memref<200x128xi32, #tpu.memory_space<vmem>> -> memref<1x128xi32, #tpu.memory_space<vmem>>
    %dma_wait3A_975 = tpu.memref_squeeze %dma_wait3A_974 : memref<1x128xi32, #tpu.memory_space<vmem>> -> memref<128xi32, #tpu.memory_space<vmem>>
    %dma_wait3A_976 = arith.constant 0 : i32
    %dma_wait3A_977 = arith.constant 0 : i32
    %dma_wait3A_978 = tpu.memref_slice %arg7[%dma_wait3A_976, %dma_wait3A_977] : memref<4000x128xf32, #tpu.memory_space<vmem_shared>> -> memref<4000x128xf32, #tpu.memory_space<vmem_shared>>
    tpu.wait_indirect_dma semaphore(%arg9 : memref<!tpu.dma_semaphore, #tpu.memory_space<semaphore_mem>>) src(%dma_wait3A_978 : memref<4000x128xf32, #tpu.memory_space<vmem_shared>>) dst(%dma_wait3A_972 : memref<128x128xf32, #tpu.memory_space<vmem>>)
    %add3A_979 = arith.constant 128 : i32
    %add3A_980 = arith.addi %mul3A_2, %add3A_979 : i32
    %dma_start3A_981 = arith.constant 1 : i32
    %dma_start3A_982 = arith.constant 0 : i32
    %dma_start3A_983 = arith.constant 0 : i32
    %dma_start3A_984 = tpu.memref_slice %arg6[%dma_start3A_981, %dma_start3A_982, %dma_start3A_983] : memref<4x128x128xf32, #tpu.memory_space<vmem>> -> memref<1x128x128xf32, #tpu.memory_space<vmem>>
    %dma_start3A_985 = tpu.memref_squeeze %dma_start3A_984 : memref<1x128x128xf32, #tpu.memory_space<vmem>> -> memref<128x128xf32, #tpu.memory_space<vmem>>
    %dma_start3A_986 = arith.constant 0 : i32
    %dma_start3A_987 = tpu.memref_slice %arg4[%add3A_980, %dma_start3A_986] : memref<819200x128xf32, #tpu.memory_space<hbm>> -> memref<128x128xf32, #tpu.memory_space<hbm>>
    %dma_start3A_988 = arith.constant 0 : i32
    %dma_start3A_989 = tpu.memref_slice %arg4[%add3A_980, %dma_start3A_988] : memref<819200x128xf32, #tpu.memory_space<hbm>> -> memref<128x128xf32, #tpu.memory_space<hbm>>
    %dma_start3A_990 = arith.constant 0 : i32
    %dma_start3A_991 = arith.constant 0 : i32
    %dma_start3A_992 = tpu.memref_slice %arg6[%dma_start3A_981, %dma_start3A_990, %dma_start3A_991] : memref<4x128x128xf32, #tpu.memory_space<vmem>> -> memref<1x128x128xf32, #tpu.memory_space<vmem>>
    %dma_start3A_993 = tpu.memref_squeeze %dma_start3A_992 : memref<1x128x128xf32, #tpu.memory_space<vmem>> -> memref<128x128xf32, #tpu.memory_space<vmem>>
    tpu.enqueue_dma source(%dma_start3A_993 : memref<128x128xf32, #tpu.memory_space<vmem>>) target(%dma_start3A_989 : memref<128x128xf32, #tpu.memory_space<hbm>>) target_semaphore(%arg13 : memref<!tpu.dma_semaphore, #tpu.memory_space<semaphore_mem>>)
    %scan3A = arith.constant 0 : i32
    %scan3A_994 = arith.constant 0 : i32
    %scan3A_995 = arith.constant 49 : i32
    %scan3A_996 = arith.addi %scan3A_994, %scan3A_995 : i32
    %scan3A_997 = arith.constant 1 : i32
    scf.for %scan3A_1105 = %scan3A_994 to %scan3A_996 step %scan3A_997  : i32 {
      %mul3A_1106 = arith.constant 4 : i32
      %mul3A_1107 = arith.muli %scan3A_1105, %mul3A_1106 : i32
      %add3A_1108 = arith.constant 2 : i32
      %add3A_1109 = arith.addi %add3A_1108, %mul3A_1107 : i32
      %add3A_1110 = arith.constant 0 : i32
      %add3A_1111 = arith.addi %add3A_1109, %add3A_1110 : i32
      %add3A_1112 = arith.constant 2 : i32
      %add3A_1113 = arith.addi %add3A_1111, %add3A_1112 : i32
      %mul3A_1114 = arith.constant 128 : i32
      %mul3A_1115 = arith.muli %add3A_1113, %mul3A_1114 : i32
      %rem3A_1116 = arith.constant 200 : i32
      %rem3A_1117 = arith.remsi %mul3A_1115, %rem3A_1116 : i32
      %add3A_1118 = arith.constant 0 : i32
      %add3A_1119 = arith.addi %rem3A_1117, %add3A_1118 : i32
      %iota3A_1120 = tpu.iota {dimensions = array<i32: 0>} : vector<16xi32>
      %add3A_1121 = vector.broadcast %add3A_1119 : i32 to vector<16xi32>
      %add3A_1122 = arith.addi %add3A_1121, %iota3A_1120 : vector<16xi32>
      %ge3A_1123 = arith.constant 200 : i32
      %ge3A_1124 = vector.broadcast %ge3A_1123 : i32 to vector<16xi32>
      %ge3A_1125 = arith.cmpi sge, %add3A_1122, %ge3A_1124 : vector<16xi32>
      %sub3A_1126 = arith.constant 200 : i32
      %sub3A_1127 = vector.broadcast %sub3A_1126 : i32 to vector<16xi32>
      %sub3A_1128 = arith.subi %add3A_1122, %sub3A_1127 : vector<16xi32>
      %select_n3A_1129 = arith.select %ge3A_1125, %sub3A_1128, %add3A_1122 : vector<16xi1>, vector<16xi32>
      %get3A_1130 = arith.index_cast %add3A_1113 : i32 to index
      %get3A_1131 = arith.constant 0 : index
      %get3A_1132 = tpu.vector_load %arg5[%get3A_1130, %get3A_1131] {strides = array<i32>} : memref<200x128xi32, #tpu.memory_space<vmem>>, vector<1x16xi32>,
      %get3A_1133 = vector.shape_cast %get3A_1132 : vector<1x16xi32> to vector<16xi32>
      %mul3A_1134 = arith.constant 20 : i32
      %mul3A_1135 = vector.broadcast %mul3A_1134 : i32 to vector<16xi32>
      %mul3A_1136 = arith.muli %select_n3A_1129, %mul3A_1135 : vector<16xi32>
      %add3A_1137 = arith.addi %get3A_1133, %mul3A_1136 : vector<16xi32>
      %swap3A_1138 = arith.index_cast %add3A_1113 : i32 to index
      %swap3A_1139 = arith.constant 0 : index
      %swap3A_1140 = tpu.vector_load %arg5[%swap3A_1138, %swap3A_1139] {strides = array<i32>} : memref<200x128xi32, #tpu.memory_space<vmem>>, vector<1x16xi32>,
      %swap3A_1141 = vector.shape_cast %swap3A_1140 : vector<1x16xi32> to vector<16xi32>
      %swap3A_1142 = vector.shape_cast %add3A_1137 : vector<16xi32> to vector<1x16xi32>
      tpu.vector_store %arg5[%swap3A_1138, %swap3A_1139], %swap3A_1142 {strides = array<i32>} : memref<200x128xi32, #tpu.memory_space<vmem>>, vector<1x16xi32>,
      %add3A_1143 = arith.constant 16 : i32
      %add3A_1144 = arith.addi %rem3A_1117, %add3A_1143 : i32
      %iota3A_1145 = tpu.iota {dimensions = array<i32: 0>} : vector<16xi32>
      %add3A_1146 = vector.broadcast %add3A_1144 : i32 to vector<16xi32>
      %add3A_1147 = arith.addi %add3A_1146, %iota3A_1145 : vector<16xi32>
      %ge3A_1148 = arith.constant 200 : i32
      %ge3A_1149 = vector.broadcast %ge3A_1148 : i32 to vector<16xi32>
      %ge3A_1150 = arith.cmpi sge, %add3A_1147, %ge3A_1149 : vector<16xi32>
      %sub3A_1151 = arith.constant 200 : i32
      %sub3A_1152 = vector.broadcast %sub3A_1151 : i32 to vector<16xi32>
      %sub3A_1153 = arith.subi %add3A_1147, %sub3A_1152 : vector<16xi32>
      %select_n3A_1154 = arith.select %ge3A_1150, %sub3A_1153, %add3A_1147 : vector<16xi1>, vector<16xi32>
      %get3A_1155 = arith.index_cast %add3A_1113 : i32 to index
      %get3A_1156 = arith.constant 16 : index
      %get3A_1157 = tpu.vector_load %arg5[%get3A_1155, %get3A_1156] {strides = array<i32>} : memref<200x128xi32, #tpu.memory_space<vmem>>, vector<1x16xi32>,
      %get3A_1158 = vector.shape_cast %get3A_1157 : vector<1x16xi32> to vector<16xi32>
      %mul3A_1159 = arith.constant 20 : i32
      %mul3A_1160 = vector.broadcast %mul3A_1159 : i32 to vector<16xi32>
      %mul3A_1161 = arith.muli %select_n3A_1154, %mul3A_1160 : vector<16xi32>
      %add3A_1162 = arith.addi %get3A_1158, %mul3A_1161 : vector<16xi32>
      %swap3A_1163 = arith.index_cast %add3A_1113 : i32 to index
      %swap3A_1164 = arith.constant 16 : index
      %swap3A_1165 = tpu.vector_load %arg5[%swap3A_1163, %swap3A_1164] {strides = array<i32>} : memref<200x128xi32, #tpu.memory_space<vmem>>, vector<1x16xi32>,
      %swap3A_1166 = vector.shape_cast %swap3A_1165 : vector<1x16xi32> to vector<16xi32>
      %swap3A_1167 = vector.shape_cast %add3A_1162 : vector<16xi32> to vector<1x16xi32>
      tpu.vector_store %arg5[%swap3A_1163, %swap3A_1164], %swap3A_1167 {strides = array<i32>} : memref<200x128xi32, #tpu.memory_space<vmem>>, vector<1x16xi32>,
      %add3A_1168 = arith.constant 32 : i32
      %add3A_1169 = arith.addi %rem3A_1117, %add3A_1168 : i32
      %iota3A_1170 = tpu.iota {dimensions = array<i32: 0>} : vector<16xi32>
      %add3A_1171 = vector.broadcast %add3A_1169 : i32 to vector<16xi32>
      %add3A_1172 = arith.addi %add3A_1171, %iota3A_1170 : vector<16xi32>
      %ge3A_1173 = arith.constant 200 : i32
      %ge3A_1174 = vector.broadcast %ge3A_1173 : i32 to vector<16xi32>
      %ge3A_1175 = arith.cmpi sge, %add3A_1172, %ge3A_1174 : vector<16xi32>
      %sub3A_1176 = arith.constant 200 : i32
      %sub3A_1177 = vector.broadcast %sub3A_1176 : i32 to vector<16xi32>
      %sub3A_1178 = arith.subi %add3A_1172, %sub3A_1177 : vector<16xi32>
      %select_n3A_1179 = arith.select %ge3A_1175, %sub3A_1178, %add3A_1172 : vector<16xi1>, vector<16xi32>
      %get3A_1180 = arith.index_cast %add3A_1113 : i32 to index
      %get3A_1181 = arith.constant 32 : index
      %get3A_1182 = tpu.vector_load %arg5[%get3A_1180, %get3A_1181] {strides = array<i32>} : memref<200x128xi32, #tpu.memory_space<vmem>>, vector<1x16xi32>,
      %get3A_1183 = vector.shape_cast %get3A_1182 : vector<1x16xi32> to vector<16xi32>
      %mul3A_1184 = arith.constant 20 : i32
      %mul3A_1185 = vector.broadcast %mul3A_1184 : i32 to vector<16xi32>
      %mul3A_1186 = arith.muli %select_n3A_1179, %mul3A_1185 : vector<16xi32>
      %add3A_1187 = arith.addi %get3A_1183, %mul3A_1186 : vector<16xi32>
      %swap3A_1188 = arith.index_cast %add3A_1113 : i32 to index
      %swap3A_1189 = arith.constant 32 : index
      %swap3A_1190 = tpu.vector_load %arg5[%swap3A_1188, %swap3A_1189] {strides = array<i32>} : memref<200x128xi32, #tpu.memory_space<vmem>>, vector<1x16xi32>,
      %swap3A_1191 = vector.shape_cast %swap3A_1190 : vector<1x16xi32> to vector<16xi32>
      %swap3A_1192 = vector.shape_cast %add3A_1187 : vector<16xi32> to vector<1x16xi32>
      tpu.vector_store %arg5[%swap3A_1188, %swap3A_1189], %swap3A_1192 {strides = array<i32>} : memref<200x128xi32, #tpu.memory_space<vmem>>, vector<1x16xi32>,
      %add3A_1193 = arith.constant 48 : i32
      %add3A_1194 = arith.addi %rem3A_1117, %add3A_1193 : i32
      %iota3A_1195 = tpu.iota {dimensions = array<i32: 0>} : vector<16xi32>
      %add3A_1196 = vector.broadcast %add3A_1194 : i32 to vector<16xi32>
      %add3A_1197 = arith.addi %add3A_1196, %iota3A_1195 : vector<16xi32>
      %ge3A_1198 = arith.constant 200 : i32
      %ge3A_1199 = vector.broadcast %ge3A_1198 : i32 to vector<16xi32>
      %ge3A_1200 = arith.cmpi sge, %add3A_1197, %ge3A_1199 : vector<16xi32>
      %sub3A_1201 = arith.constant 200 : i32
      %sub3A_1202 = vector.broadcast %sub3A_1201 : i32 to vector<16xi32>
      %sub3A_1203 = arith.subi %add3A_1197, %sub3A_1202 : vector<16xi32>
      %select_n3A_1204 = arith.select %ge3A_1200, %sub3A_1203, %add3A_1197 : vector<16xi1>, vector<16xi32>
      %get3A_1205 = arith.index_cast %add3A_1113 : i32 to index
      %get3A_1206 = arith.constant 48 : index
      %get3A_1207 = tpu.vector_load %arg5[%get3A_1205, %get3A_1206] {strides = array<i32>} : memref<200x128xi32, #tpu.memory_space<vmem>>, vector<1x16xi32>,
      %get3A_1208 = vector.shape_cast %get3A_1207 : vector<1x16xi32> to vector<16xi32>
      %mul3A_1209 = arith.constant 20 : i32
      %mul3A_1210 = vector.broadcast %mul3A_1209 : i32 to vector<16xi32>
      %mul3A_1211 = arith.muli %select_n3A_1204, %mul3A_1210 : vector<16xi32>
      %add3A_1212 = arith.addi %get3A_1208, %mul3A_1211 : vector<16xi32>
      %swap3A_1213 = arith.index_cast %add3A_1113 : i32 to index
      %swap3A_1214 = arith.constant 48 : index
      %swap3A_1215 = tpu.vector_load %arg5[%swap3A_1213, %swap3A_1214] {strides = array<i32>} : memref<200x128xi32, #tpu.memory_space<vmem>>, vector<1x16xi32>,
      %swap3A_1216 = vector.shape_cast %swap3A_1215 : vector<1x16xi32> to vector<16xi32>
      %swap3A_1217 = vector.shape_cast %add3A_1212 : vector<16xi32> to vector<1x16xi32>
      tpu.vector_store %arg5[%swap3A_1213, %swap3A_1214], %swap3A_1217 {strides = array<i32>} : memref<200x128xi32, #tpu.memory_space<vmem>>, vector<1x16xi32>,
      %add3A_1218 = arith.constant 64 : i32
      %add3A_1219 = arith.addi %rem3A_1117, %add3A_1218 : i32
      %iota3A_1220 = tpu.iota {dimensions = array<i32: 0>} : vector<16xi32>
      %add3A_1221 = vector.broadcast %add3A_1219 : i32 to vector<16xi32>
      %add3A_1222 = arith.addi %add3A_1221, %iota3A_1220 : vector<16xi32>
      %ge3A_1223 = arith.constant 200 : i32
      %ge3A_1224 = vector.broadcast %ge3A_1223 : i32 to vector<16xi32>
      %ge3A_1225 = arith.cmpi sge, %add3A_1222, %ge3A_1224 : vector<16xi32>
      %sub3A_1226 = arith.constant 200 : i32
      %sub3A_1227 = vector.broadcast %sub3A_1226 : i32 to vector<16xi32>
      %sub3A_1228 = arith.subi %add3A_1222, %sub3A_1227 : vector<16xi32>
      %select_n3A_1229 = arith.select %ge3A_1225, %sub3A_1228, %add3A_1222 : vector<16xi1>, vector<16xi32>
      %get3A_1230 = arith.index_cast %add3A_1113 : i32 to index
      %get3A_1231 = arith.constant 64 : index
      %get3A_1232 = tpu.vector_load %arg5[%get3A_1230, %get3A_1231] {strides = array<i32>} : memref<200x128xi32, #tpu.memory_space<vmem>>, vector<1x16xi32>,
      %get3A_1233 = vector.shape_cast %get3A_1232 : vector<1x16xi32> to vector<16xi32>
      %mul3A_1234 = arith.constant 20 : i32
      %mul3A_1235 = vector.broadcast %mul3A_1234 : i32 to vector<16xi32>
      %mul3A_1236 = arith.muli %select_n3A_1229, %mul3A_1235 : vector<16xi32>
      %add3A_1237 = arith.addi %get3A_1233, %mul3A_1236 : vector<16xi32>
      %swap3A_1238 = arith.index_cast %add3A_1113 : i32 to index
      %swap3A_1239 = arith.constant 64 : index
      %swap3A_1240 = tpu.vector_load %arg5[%swap3A_1238, %swap3A_1239] {strides = array<i32>} : memref<200x128xi32, #tpu.memory_space<vmem>>, vector<1x16xi32>,
      %swap3A_1241 = vector.shape_cast %swap3A_1240 : vector<1x16xi32> to vector<16xi32>
      %swap3A_1242 = vector.shape_cast %add3A_1237 : vector<16xi32> to vector<1x16xi32>
      tpu.vector_store %arg5[%swap3A_1238, %swap3A_1239], %swap3A_1242 {strides = array<i32>} : memref<200x128xi32, #tpu.memory_space<vmem>>, vector<1x16xi32>,
      %add3A_1243 = arith.constant 80 : i32
      %add3A_1244 = arith.addi %rem3A_1117, %add3A_1243 : i32
      %iota3A_1245 = tpu.iota {dimensions = array<i32: 0>} : vector<16xi32>
      %add3A_1246 = vector.broadcast %add3A_1244 : i32 to vector<16xi32>
      %add3A_1247 = arith.addi %add3A_1246, %iota3A_1245 : vector<16xi32>
      %ge3A_1248 = arith.constant 200 : i32
      %ge3A_1249 = vector.broadcast %ge3A_1248 : i32 to vector<16xi32>
      %ge3A_1250 = arith.cmpi sge, %add3A_1247, %ge3A_1249 : vector<16xi32>
      %sub3A_1251 = arith.constant 200 : i32
      %sub3A_1252 = vector.broadcast %sub3A_1251 : i32 to vector<16xi32>
      %sub3A_1253 = arith.subi %add3A_1247, %sub3A_1252 : vector<16xi32>
      %select_n3A_1254 = arith.select %ge3A_1250, %sub3A_1253, %add3A_1247 : vector<16xi1>, vector<16xi32>
      %get3A_1255 = arith.index_cast %add3A_1113 : i32 to index
      %get3A_1256 = arith.constant 80 : index
      %get3A_1257 = tpu.vector_load %arg5[%get3A_1255, %get3A_1256] {strides = array<i32>} : memref<200x128xi32, #tpu.memory_space<vmem>>, vector<1x16xi32>,
      %get3A_1258 = vector.shape_cast %get3A_1257 : vector<1x16xi32> to vector<16xi32>
      %mul3A_1259 = arith.constant 20 : i32
      %mul3A_1260 = vector.broadcast %mul3A_1259 : i32 to vector<16xi32>
      %mul3A_1261 = arith.muli %select_n3A_1254, %mul3A_1260 : vector<16xi32>
      %add3A_1262 = arith.addi %get3A_1258, %mul3A_1261 : vector<16xi32>
      %swap3A_1263 = arith.index_cast %add3A_1113 : i32 to index
      %swap3A_1264 = arith.constant 80 : index
      %swap3A_1265 = tpu.vector_load %arg5[%swap3A_1263, %swap3A_1264] {strides = array<i32>} : memref<200x128xi32, #tpu.memory_space<vmem>>, vector<1x16xi32>,
      %swap3A_1266 = vector.shape_cast %swap3A_1265 : vector<1x16xi32> to vector<16xi32>
      %swap3A_1267 = vector.shape_cast %add3A_1262 : vector<16xi32> to vector<1x16xi32>
      tpu.vector_store %arg5[%swap3A_1263, %swap3A_1264], %swap3A_1267 {strides = array<i32>} : memref<200x128xi32, #tpu.memory_space<vmem>>, vector<1x16xi32>,
      %add3A_1268 = arith.constant 96 : i32
      %add3A_1269 = arith.addi %rem3A_1117, %add3A_1268 : i32
      %iota3A_1270 = tpu.iota {dimensions = array<i32: 0>} : vector<16xi32>
      %add3A_1271 = vector.broadcast %add3A_1269 : i32 to vector<16xi32>
      %add3A_1272 = arith.addi %add3A_1271, %iota3A_1270 : vector<16xi32>
      %ge3A_1273 = arith.constant 200 : i32
      %ge3A_1274 = vector.broadcast %ge3A_1273 : i32 to vector<16xi32>
      %ge3A_1275 = arith.cmpi sge, %add3A_1272, %ge3A_1274 : vector<16xi32>
      %sub3A_1276 = arith.constant 200 : i32
      %sub3A_1277 = vector.broadcast %sub3A_1276 : i32 to vector<16xi32>
      %sub3A_1278 = arith.subi %add3A_1272, %sub3A_1277 : vector<16xi32>
      %select_n3A_1279 = arith.select %ge3A_1275, %sub3A_1278, %add3A_1272 : vector<16xi1>, vector<16xi32>
      %get3A_1280 = arith.index_cast %add3A_1113 : i32 to index
      %get3A_1281 = arith.constant 96 : index
      %get3A_1282 = tpu.vector_load %arg5[%get3A_1280, %get3A_1281] {strides = array<i32>} : memref<200x128xi32, #tpu.memory_space<vmem>>, vector<1x16xi32>,
      %get3A_1283 = vector.shape_cast %get3A_1282 : vector<1x16xi32> to vector<16xi32>
      %mul3A_1284 = arith.constant 20 : i32
      %mul3A_1285 = vector.broadcast %mul3A_1284 : i32 to vector<16xi32>
      %mul3A_1286 = arith.muli %select_n3A_1279, %mul3A_1285 : vector<16xi32>
      %add3A_1287 = arith.addi %get3A_1283, %mul3A_1286 : vector<16xi32>
      %swap3A_1288 = arith.index_cast %add3A_1113 : i32 to index
      %swap3A_1289 = arith.constant 96 : index
      %swap3A_1290 = tpu.vector_load %arg5[%swap3A_1288, %swap3A_1289] {strides = array<i32>} : memref<200x128xi32, #tpu.memory_space<vmem>>, vector<1x16xi32>,
      %swap3A_1291 = vector.shape_cast %swap3A_1290 : vector<1x16xi32> to vector<16xi32>
      %swap3A_1292 = vector.shape_cast %add3A_1287 : vector<16xi32> to vector<1x16xi32>
      tpu.vector_store %arg5[%swap3A_1288, %swap3A_1289], %swap3A_1292 {strides = array<i32>} : memref<200x128xi32, #tpu.memory_space<vmem>>, vector<1x16xi32>,
      %add3A_1293 = arith.constant 112 : i32
      %add3A_1294 = arith.addi %rem3A_1117, %add3A_1293 : i32
      %iota3A_1295 = tpu.iota {dimensions = array<i32: 0>} : vector<16xi32>
      %add3A_1296 = vector.broadcast %add3A_1294 : i32 to vector<16xi32>
      %add3A_1297 = arith.addi %add3A_1296, %iota3A_1295 : vector<16xi32>
      %ge3A_1298 = arith.constant 200 : i32
      %ge3A_1299 = vector.broadcast %ge3A_1298 : i32 to vector<16xi32>
      %ge3A_1300 = arith.cmpi sge, %add3A_1297, %ge3A_1299 : vector<16xi32>
      %sub3A_1301 = arith.constant 200 : i32
      %sub3A_1302 = vector.broadcast %sub3A_1301 : i32 to vector<16xi32>
      %sub3A_1303 = arith.subi %add3A_1297, %sub3A_1302 : vector<16xi32>
      %select_n3A_1304 = arith.select %ge3A_1300, %sub3A_1303, %add3A_1297 : vector<16xi1>, vector<16xi32>
      %get3A_1305 = arith.index_cast %add3A_1113 : i32 to index
      %get3A_1306 = arith.constant 112 : index
      %get3A_1307 = tpu.vector_load %arg5[%get3A_1305, %get3A_1306] {strides = array<i32>} : memref<200x128xi32, #tpu.memory_space<vmem>>, vector<1x16xi32>,
      %get3A_1308 = vector.shape_cast %get3A_1307 : vector<1x16xi32> to vector<16xi32>
      %mul3A_1309 = arith.constant 20 : i32
      %mul3A_1310 = vector.broadcast %mul3A_1309 : i32 to vector<16xi32>
      %mul3A_1311 = arith.muli %select_n3A_1304, %mul3A_1310 : vector<16xi32>
      %add3A_1312 = arith.addi %get3A_1308, %mul3A_1311 : vector<16xi32>
      %swap3A_1313 = arith.index_cast %add3A_1113 : i32 to index
      %swap3A_1314 = arith.constant 112 : index
      %swap3A_1315 = tpu.vector_load %arg5[%swap3A_1313, %swap3A_1314] {strides = array<i32>} : memref<200x128xi32, #tpu.memory_space<vmem>>, vector<1x16xi32>,
      %swap3A_1316 = vector.shape_cast %swap3A_1315 : vector<1x16xi32> to vector<16xi32>
      %swap3A_1317 = vector.shape_cast %add3A_1312 : vector<16xi32> to vector<1x16xi32>
      tpu.vector_store %arg5[%swap3A_1313, %swap3A_1314], %swap3A_1317 {strides = array<i32>} : memref<200x128xi32, #tpu.memory_space<vmem>>, vector<1x16xi32>,
      %dma_wait3A_1318 = arith.constant 0 : i32
      %dma_wait3A_1319 = arith.constant 0 : i32
      %dma_wait3A_1320 = arith.constant 0 : i32
      %dma_wait3A_1321 = tpu.memref_slice %arg6[%dma_wait3A_1318, %dma_wait3A_1319, %dma_wait3A_1320] : memref<4x128x128xf32, #tpu.memory_space<vmem>> -> memref<1x128x128xf32, #tpu.memory_space<vmem>>
      %dma_wait3A_1322 = tpu.memref_squeeze %dma_wait3A_1321 : memref<1x128x128xf32, #tpu.memory_space<vmem>> -> memref<128x128xf32, #tpu.memory_space<vmem>>
      %dma_wait3A_1323 = arith.constant 0 : i32
      %dma_wait3A_1324 = tpu.memref_slice %arg4[%mul3A_2, %dma_wait3A_1323] : memref<819200x128xf32, #tpu.memory_space<hbm>> -> memref<128x128xf32, #tpu.memory_space<hbm>>
      %dma_wait3A_1325 = arith.constant 0 : i32
      %dma_wait3A_1326 = tpu.memref_slice %arg4[%mul3A_2, %dma_wait3A_1325] : memref<819200x128xf32, #tpu.memory_space<hbm>> -> memref<128x128xf32, #tpu.memory_space<hbm>>
      %dma_wait3A_1327 = arith.constant 0 : i32
      %dma_wait3A_1328 = arith.constant 0 : i32
      %dma_wait3A_1329 = tpu.memref_slice %arg6[%dma_wait3A_1318, %dma_wait3A_1327, %dma_wait3A_1328] : memref<4x128x128xf32, #tpu.memory_space<vmem>> -> memref<1x128x128xf32, #tpu.memory_space<vmem>>
      %dma_wait3A_1330 = tpu.memref_squeeze %dma_wait3A_1329 : memref<1x128x128xf32, #tpu.memory_space<vmem>> -> memref<128x128xf32, #tpu.memory_space<vmem>>
      tpu.wait_dma2 semaphore(%arg12 : memref<!tpu.dma_semaphore, #tpu.memory_space<semaphore_mem>>) src(%dma_wait3A_1330 : memref<128x128xf32, #tpu.memory_space<vmem>>) dst(%dma_wait3A_1326 : memref<128x128xf32, #tpu.memory_space<hbm>>)
      %add3A_1331 = arith.constant 2 : i32
      %add3A_1332 = arith.addi %add3A_1111, %add3A_1331 : i32
      %dma_start3A_1333 = arith.constant 0 : i32
      %dma_start3A_1334 = arith.constant 0 : i32
      %dma_start3A_1335 = arith.constant 0 : i32
      %dma_start3A_1336 = tpu.memref_slice %arg6[%dma_start3A_1333, %dma_start3A_1334, %dma_start3A_1335] : memref<4x128x128xf32, #tpu.memory_space<vmem>> -> memref<1x128x128xf32, #tpu.memory_space<vmem>>
      %dma_start3A_1337 = tpu.memref_squeeze %dma_start3A_1336 : memref<1x128x128xf32, #tpu.memory_space<vmem>> -> memref<128x128xf32, #tpu.memory_space<vmem>>
      %dma_start3A_1338 = arith.constant 0 : i32
      %dma_start3A_1339 = tpu.memref_slice %arg5[%add3A_1332, %dma_start3A_1338] : memref<200x128xi32, #tpu.memory_space<vmem>> -> memref<1x128xi32, #tpu.memory_space<vmem>>
      %dma_start3A_1340 = tpu.memref_squeeze %dma_start3A_1339 : memref<1x128xi32, #tpu.memory_space<vmem>> -> memref<128xi32, #tpu.memory_space<vmem>>
      %dma_start3A_1341 = arith.constant 0 : i32
      %dma_start3A_1342 = arith.constant 0 : i32
      %dma_start3A_1343 = tpu.memref_slice %arg7[%dma_start3A_1341, %dma_start3A_1342] : memref<4000x128xf32, #tpu.memory_space<vmem_shared>> -> memref<4000x128xf32, #tpu.memory_space<vmem_shared>>
      tpu.enqueue_indirect_dma source(%dma_start3A_1343 : memref<4000x128xf32, #tpu.memory_space<vmem_shared>>) target(%dma_start3A_1337 : memref<128x128xf32, #tpu.memory_space<vmem>>) offsets(%dma_start3A_1340 : memref<128xi32, #tpu.memory_space<vmem>>) semaphore(%arg8 : memref<!tpu.dma_semaphore, #tpu.memory_space<semaphore_mem>>)
      %dma_wait3A_1344 = arith.constant 0 : i32
      %dma_wait3A_1345 = arith.constant 2 : i32
      %dma_wait3A_1346 = arith.constant 0 : i32
      %dma_wait3A_1347 = arith.constant 0 : i32
      %dma_wait3A_1348 = tpu.memref_slice %arg6[%dma_wait3A_1345, %dma_wait3A_1346, %dma_wait3A_1347] : memref<4x128x128xf32, #tpu.memory_space<vmem>> -> memref<1x128x128xf32, #tpu.memory_space<vmem>>
      %dma_wait3A_1349 = tpu.memref_squeeze %dma_wait3A_1348 : memref<1x128x128xf32, #tpu.memory_space<vmem>> -> memref<128x128xf32, #tpu.memory_space<vmem>>
      %dma_wait3A_1350 = arith.constant 0 : i32
      %dma_wait3A_1351 = tpu.memref_slice %arg5[%dma_wait3A_1344, %dma_wait3A_1350] : memref<200x128xi32, #tpu.memory_space<vmem>> -> memref<1x128xi32, #tpu.memory_space<vmem>>
      %dma_wait3A_1352 = tpu.memref_squeeze %dma_wait3A_1351 : memref<1x128xi32, #tpu.memory_space<vmem>> -> memref<128xi32, #tpu.memory_space<vmem>>
      %dma_wait3A_1353 = arith.constant 0 : i32
      %dma_wait3A_1354 = arith.constant 0 : i32
      %dma_wait3A_1355 = tpu.memref_slice %arg7[%dma_wait3A_1353, %dma_wait3A_1354] : memref<4000x128xf32, #tpu.memory_space<vmem_shared>> -> memref<4000x128xf32, #tpu.memory_space<vmem_shared>>
      tpu.wait_indirect_dma semaphore(%arg10 : memref<!tpu.dma_semaphore, #tpu.memory_space<semaphore_mem>>) src(%dma_wait3A_1355 : memref<4000x128xf32, #tpu.memory_space<vmem_shared>>) dst(%dma_wait3A_1349 : memref<128x128xf32, #tpu.memory_space<vmem>>)
      %mul3A_1356 = arith.constant 128 : i32
      %mul3A_1357 = arith.muli %add3A_1111, %mul3A_1356 : i32
      %add3A_1358 = arith.addi %mul3A_2, %mul3A_1357 : i32
      %dma_start3A_1359 = arith.constant 2 : i32
      %dma_start3A_1360 = arith.constant 0 : i32
      %dma_start3A_1361 = arith.constant 0 : i32
      %dma_start3A_1362 = tpu.memref_slice %arg6[%dma_start3A_1359, %dma_start3A_1360, %dma_start3A_1361] : memref<4x128x128xf32, #tpu.memory_space<vmem>> -> memref<1x128x128xf32, #tpu.memory_space<vmem>>
      %dma_start3A_1363 = tpu.memref_squeeze %dma_start3A_1362 : memref<1x128x128xf32, #tpu.memory_space<vmem>> -> memref<128x128xf32, #tpu.memory_space<vmem>>
      %dma_start3A_1364 = arith.constant 0 : i32
      %dma_start3A_1365 = tpu.memref_slice %arg4[%add3A_1358, %dma_start3A_1364] : memref<819200x128xf32, #tpu.memory_space<hbm>> -> memref<128x128xf32, #tpu.memory_space<hbm>>
      %dma_start3A_1366 = arith.constant 0 : i32
      %dma_start3A_1367 = tpu.memref_slice %arg4[%add3A_1358, %dma_start3A_1366] : memref<819200x128xf32, #tpu.memory_space<hbm>> -> memref<128x128xf32, #tpu.memory_space<hbm>>
      %dma_start3A_1368 = arith.constant 0 : i32
      %dma_start3A_1369 = arith.constant 0 : i32
      %dma_start3A_1370 = tpu.memref_slice %arg6[%dma_start3A_1359, %dma_start3A_1368, %dma_start3A_1369] : memref<4x128x128xf32, #tpu.memory_space<vmem>> -> memref<1x128x128xf32, #tpu.memory_space<vmem>>
      %dma_start3A_1371 = tpu.memref_squeeze %dma_start3A_1370 : memref<1x128x128xf32, #tpu.memory_space<vmem>> -> memref<128x128xf32, #tpu.memory_space<vmem>>
      tpu.enqueue_dma source(%dma_start3A_1371 : memref<128x128xf32, #tpu.memory_space<vmem>>) target(%dma_start3A_1367 : memref<128x128xf32, #tpu.memory_space<hbm>>) target_semaphore(%arg14 : memref<!tpu.dma_semaphore, #tpu.memory_space<semaphore_mem>>)
      %mul3A_1372 = arith.constant 4 : i32
      %mul3A_1373 = arith.muli %scan3A_1105, %mul3A_1372 : i32
      %add3A_1374 = arith.constant 2 : i32
      %add3A_1375 = arith.addi %add3A_1374, %mul3A_1373 : i32
      %add3A_1376 = arith.constant 1 : i32
      %add3A_1377 = arith.addi %add3A_1375, %add3A_1376 : i32
      %add3A_1378 = arith.constant 2 : i32
      %add3A_1379 = arith.addi %add3A_1377, %add3A_1378 : i32
      %mul3A_1380 = arith.constant 128 : i32
      %mul3A_1381 = arith.muli %add3A_1379, %mul3A_1380 : i32
      %rem3A_1382 = arith.constant 200 : i32
      %rem3A_1383 = arith.remsi %mul3A_1381, %rem3A_1382 : i32
      %add3A_1384 = arith.constant 0 : i32
      %add3A_1385 = arith.addi %rem3A_1383, %add3A_1384 : i32
      %iota3A_1386 = tpu.iota {dimensions = array<i32: 0>} : vector<16xi32>
      %add3A_1387 = vector.broadcast %add3A_1385 : i32 to vector<16xi32>
      %add3A_1388 = arith.addi %add3A_1387, %iota3A_1386 : vector<16xi32>
      %ge3A_1389 = arith.constant 200 : i32
      %ge3A_1390 = vector.broadcast %ge3A_1389 : i32 to vector<16xi32>
      %ge3A_1391 = arith.cmpi sge, %add3A_1388, %ge3A_1390 : vector<16xi32>
      %sub3A_1392 = arith.constant 200 : i32
      %sub3A_1393 = vector.broadcast %sub3A_1392 : i32 to vector<16xi32>
      %sub3A_1394 = arith.subi %add3A_1388, %sub3A_1393 : vector<16xi32>
      %select_n3A_1395 = arith.select %ge3A_1391, %sub3A_1394, %add3A_1388 : vector<16xi1>, vector<16xi32>
      %get3A_1396 = arith.index_cast %add3A_1379 : i32 to index
      %get3A_1397 = arith.constant 0 : index
      %get3A_1398 = tpu.vector_load %arg5[%get3A_1396, %get3A_1397] {strides = array<i32>} : memref<200x128xi32, #tpu.memory_space<vmem>>, vector<1x16xi32>,
      %get3A_1399 = vector.shape_cast %get3A_1398 : vector<1x16xi32> to vector<16xi32>
      %mul3A_1400 = arith.constant 20 : i32
      %mul3A_1401 = vector.broadcast %mul3A_1400 : i32 to vector<16xi32>
      %mul3A_1402 = arith.muli %select_n3A_1395, %mul3A_1401 : vector<16xi32>
      %add3A_1403 = arith.addi %get3A_1399, %mul3A_1402 : vector<16xi32>
      %swap3A_1404 = arith.index_cast %add3A_1379 : i32 to index
      %swap3A_1405 = arith.constant 0 : index
      %swap3A_1406 = tpu.vector_load %arg5[%swap3A_1404, %swap3A_1405] {strides = array<i32>} : memref<200x128xi32, #tpu.memory_space<vmem>>, vector<1x16xi32>,
      %swap3A_1407 = vector.shape_cast %swap3A_1406 : vector<1x16xi32> to vector<16xi32>
      %swap3A_1408 = vector.shape_cast %add3A_1403 : vector<16xi32> to vector<1x16xi32>
      tpu.vector_store %arg5[%swap3A_1404, %swap3A_1405], %swap3A_1408 {strides = array<i32>} : memref<200x128xi32, #tpu.memory_space<vmem>>, vector<1x16xi32>,
      %add3A_1409 = arith.constant 16 : i32
      %add3A_1410 = arith.addi %rem3A_1383, %add3A_1409 : i32
      %iota3A_1411 = tpu.iota {dimensions = array<i32: 0>} : vector<16xi32>
      %add3A_1412 = vector.broadcast %add3A_1410 : i32 to vector<16xi32>
      %add3A_1413 = arith.addi %add3A_1412, %iota3A_1411 : vector<16xi32>
      %ge3A_1414 = arith.constant 200 : i32
      %ge3A_1415 = vector.broadcast %ge3A_1414 : i32 to vector<16xi32>
      %ge3A_1416 = arith.cmpi sge, %add3A_1413, %ge3A_1415 : vector<16xi32>
      %sub3A_1417 = arith.constant 200 : i32
      %sub3A_1418 = vector.broadcast %sub3A_1417 : i32 to vector<16xi32>
      %sub3A_1419 = arith.subi %add3A_1413, %sub3A_1418 : vector<16xi32>
      %select_n3A_1420 = arith.select %ge3A_1416, %sub3A_1419, %add3A_1413 : vector<16xi1>, vector<16xi32>
      %get3A_1421 = arith.index_cast %add3A_1379 : i32 to index
      %get3A_1422 = arith.constant 16 : index
      %get3A_1423 = tpu.vector_load %arg5[%get3A_1421, %get3A_1422] {strides = array<i32>} : memref<200x128xi32, #tpu.memory_space<vmem>>, vector<1x16xi32>,
      %get3A_1424 = vector.shape_cast %get3A_1423 : vector<1x16xi32> to vector<16xi32>
      %mul3A_1425 = arith.constant 20 : i32
      %mul3A_1426 = vector.broadcast %mul3A_1425 : i32 to vector<16xi32>
      %mul3A_1427 = arith.muli %select_n3A_1420, %mul3A_1426 : vector<16xi32>
      %add3A_1428 = arith.addi %get3A_1424, %mul3A_1427 : vector<16xi32>
      %swap3A_1429 = arith.index_cast %add3A_1379 : i32 to index
      %swap3A_1430 = arith.constant 16 : index
      %swap3A_1431 = tpu.vector_load %arg5[%swap3A_1429, %swap3A_1430] {strides = array<i32>} : memref<200x128xi32, #tpu.memory_space<vmem>>, vector<1x16xi32>,
      %swap3A_1432 = vector.shape_cast %swap3A_1431 : vector<1x16xi32> to vector<16xi32>
      %swap3A_1433 = vector.shape_cast %add3A_1428 : vector<16xi32> to vector<1x16xi32>
      tpu.vector_store %arg5[%swap3A_1429, %swap3A_1430], %swap3A_1433 {strides = array<i32>} : memref<200x128xi32, #tpu.memory_space<vmem>>, vector<1x16xi32>,
      %add3A_1434 = arith.constant 32 : i32
      %add3A_1435 = arith.addi %rem3A_1383, %add3A_1434 : i32
      %iota3A_1436 = tpu.iota {dimensions = array<i32: 0>} : vector<16xi32>
      %add3A_1437 = vector.broadcast %add3A_1435 : i32 to vector<16xi32>
      %add3A_1438 = arith.addi %add3A_1437, %iota3A_1436 : vector<16xi32>
      %ge3A_1439 = arith.constant 200 : i32
      %ge3A_1440 = vector.broadcast %ge3A_1439 : i32 to vector<16xi32>
      %ge3A_1441 = arith.cmpi sge, %add3A_1438, %ge3A_1440 : vector<16xi32>
      %sub3A_1442 = arith.constant 200 : i32
      %sub3A_1443 = vector.broadcast %sub3A_1442 : i32 to vector<16xi32>
      %sub3A_1444 = arith.subi %add3A_1438, %sub3A_1443 : vector<16xi32>
      %select_n3A_1445 = arith.select %ge3A_1441, %sub3A_1444, %add3A_1438 : vector<16xi1>, vector<16xi32>
      %get3A_1446 = arith.index_cast %add3A_1379 : i32 to index
      %get3A_1447 = arith.constant 32 : index
      %get3A_1448 = tpu.vector_load %arg5[%get3A_1446, %get3A_1447] {strides = array<i32>} : memref<200x128xi32, #tpu.memory_space<vmem>>, vector<1x16xi32>,
      %get3A_1449 = vector.shape_cast %get3A_1448 : vector<1x16xi32> to vector<16xi32>
      %mul3A_1450 = arith.constant 20 : i32
      %mul3A_1451 = vector.broadcast %mul3A_1450 : i32 to vector<16xi32>
      %mul3A_1452 = arith.muli %select_n3A_1445, %mul3A_1451 : vector<16xi32>
      %add3A_1453 = arith.addi %get3A_1449, %mul3A_1452 : vector<16xi32>
      %swap3A_1454 = arith.index_cast %add3A_1379 : i32 to index
      %swap3A_1455 = arith.constant 32 : index
      %swap3A_1456 = tpu.vector_load %arg5[%swap3A_1454, %swap3A_1455] {strides = array<i32>} : memref<200x128xi32, #tpu.memory_space<vmem>>, vector<1x16xi32>,
      %swap3A_1457 = vector.shape_cast %swap3A_1456 : vector<1x16xi32> to vector<16xi32>
      %swap3A_1458 = vector.shape_cast %add3A_1453 : vector<16xi32> to vector<1x16xi32>
      tpu.vector_store %arg5[%swap3A_1454, %swap3A_1455], %swap3A_1458 {strides = array<i32>} : memref<200x128xi32, #tpu.memory_space<vmem>>, vector<1x16xi32>,
      %add3A_1459 = arith.constant 48 : i32
      %add3A_1460 = arith.addi %rem3A_1383, %add3A_1459 : i32
      %iota3A_1461 = tpu.iota {dimensions = array<i32: 0>} : vector<16xi32>
      %add3A_1462 = vector.broadcast %add3A_1460 : i32 to vector<16xi32>
      %add3A_1463 = arith.addi %add3A_1462, %iota3A_1461 : vector<16xi32>
      %ge3A_1464 = arith.constant 200 : i32
      %ge3A_1465 = vector.broadcast %ge3A_1464 : i32 to vector<16xi32>
      %ge3A_1466 = arith.cmpi sge, %add3A_1463, %ge3A_1465 : vector<16xi32>
      %sub3A_1467 = arith.constant 200 : i32
      %sub3A_1468 = vector.broadcast %sub3A_1467 : i32 to vector<16xi32>
      %sub3A_1469 = arith.subi %add3A_1463, %sub3A_1468 : vector<16xi32>
      %select_n3A_1470 = arith.select %ge3A_1466, %sub3A_1469, %add3A_1463 : vector<16xi1>, vector<16xi32>
      %get3A_1471 = arith.index_cast %add3A_1379 : i32 to index
      %get3A_1472 = arith.constant 48 : index
      %get3A_1473 = tpu.vector_load %arg5[%get3A_1471, %get3A_1472] {strides = array<i32>} : memref<200x128xi32, #tpu.memory_space<vmem>>, vector<1x16xi32>,
      %get3A_1474 = vector.shape_cast %get3A_1473 : vector<1x16xi32> to vector<16xi32>
      %mul3A_1475 = arith.constant 20 : i32
      %mul3A_1476 = vector.broadcast %mul3A_1475 : i32 to vector<16xi32>
      %mul3A_1477 = arith.muli %select_n3A_1470, %mul3A_1476 : vector<16xi32>
      %add3A_1478 = arith.addi %get3A_1474, %mul3A_1477 : vector<16xi32>
      %swap3A_1479 = arith.index_cast %add3A_1379 : i32 to index
      %swap3A_1480 = arith.constant 48 : index
      %swap3A_1481 = tpu.vector_load %arg5[%swap3A_1479, %swap3A_1480] {strides = array<i32>} : memref<200x128xi32, #tpu.memory_space<vmem>>, vector<1x16xi32>,
      %swap3A_1482 = vector.shape_cast %swap3A_1481 : vector<1x16xi32> to vector<16xi32>
      %swap3A_1483 = vector.shape_cast %add3A_1478 : vector<16xi32> to vector<1x16xi32>
      tpu.vector_store %arg5[%swap3A_1479, %swap3A_1480], %swap3A_1483 {strides = array<i32>} : memref<200x128xi32, #tpu.memory_space<vmem>>, vector<1x16xi32>,
      %add3A_1484 = arith.constant 64 : i32
      %add3A_1485 = arith.addi %rem3A_1383, %add3A_1484 : i32
      %iota3A_1486 = tpu.iota {dimensions = array<i32: 0>} : vector<16xi32>
      %add3A_1487 = vector.broadcast %add3A_1485 : i32 to vector<16xi32>
      %add3A_1488 = arith.addi %add3A_1487, %iota3A_1486 : vector<16xi32>
      %ge3A_1489 = arith.constant 200 : i32
      %ge3A_1490 = vector.broadcast %ge3A_1489 : i32 to vector<16xi32>
      %ge3A_1491 = arith.cmpi sge, %add3A_1488, %ge3A_1490 : vector<16xi32>
      %sub3A_1492 = arith.constant 200 : i32
      %sub3A_1493 = vector.broadcast %sub3A_1492 : i32 to vector<16xi32>
      %sub3A_1494 = arith.subi %add3A_1488, %sub3A_1493 : vector<16xi32>
      %select_n3A_1495 = arith.select %ge3A_1491, %sub3A_1494, %add3A_1488 : vector<16xi1>, vector<16xi32>
      %get3A_1496 = arith.index_cast %add3A_1379 : i32 to index
      %get3A_1497 = arith.constant 64 : index
      %get3A_1498 = tpu.vector_load %arg5[%get3A_1496, %get3A_1497] {strides = array<i32>} : memref<200x128xi32, #tpu.memory_space<vmem>>, vector<1x16xi32>,
      %get3A_1499 = vector.shape_cast %get3A_1498 : vector<1x16xi32> to vector<16xi32>
      %mul3A_1500 = arith.constant 20 : i32
      %mul3A_1501 = vector.broadcast %mul3A_1500 : i32 to vector<16xi32>
      %mul3A_1502 = arith.muli %select_n3A_1495, %mul3A_1501 : vector<16xi32>
      %add3A_1503 = arith.addi %get3A_1499, %mul3A_1502 : vector<16xi32>
      %swap3A_1504 = arith.index_cast %add3A_1379 : i32 to index
      %swap3A_1505 = arith.constant 64 : index
      %swap3A_1506 = tpu.vector_load %arg5[%swap3A_1504, %swap3A_1505] {strides = array<i32>} : memref<200x128xi32, #tpu.memory_space<vmem>>, vector<1x16xi32>,
      %swap3A_1507 = vector.shape_cast %swap3A_1506 : vector<1x16xi32> to vector<16xi32>
      %swap3A_1508 = vector.shape_cast %add3A_1503 : vector<16xi32> to vector<1x16xi32>
      tpu.vector_store %arg5[%swap3A_1504, %swap3A_1505], %swap3A_1508 {strides = array<i32>} : memref<200x128xi32, #tpu.memory_space<vmem>>, vector<1x16xi32>,
      %add3A_1509 = arith.constant 80 : i32
      %add3A_1510 = arith.addi %rem3A_1383, %add3A_1509 : i32
      %iota3A_1511 = tpu.iota {dimensions = array<i32: 0>} : vector<16xi32>
      %add3A_1512 = vector.broadcast %add3A_1510 : i32 to vector<16xi32>
      %add3A_1513 = arith.addi %add3A_1512, %iota3A_1511 : vector<16xi32>
      %ge3A_1514 = arith.constant 200 : i32
      %ge3A_1515 = vector.broadcast %ge3A_1514 : i32 to vector<16xi32>
      %ge3A_1516 = arith.cmpi sge, %add3A_1513, %ge3A_1515 : vector<16xi32>
      %sub3A_1517 = arith.constant 200 : i32
      %sub3A_1518 = vector.broadcast %sub3A_1517 : i32 to vector<16xi32>
      %sub3A_1519 = arith.subi %add3A_1513, %sub3A_1518 : vector<16xi32>
      %select_n3A_1520 = arith.select %ge3A_1516, %sub3A_1519, %add3A_1513 : vector<16xi1>, vector<16xi32>
      %get3A_1521 = arith.index_cast %add3A_1379 : i32 to index
      %get3A_1522 = arith.constant 80 : index
      %get3A_1523 = tpu.vector_load %arg5[%get3A_1521, %get3A_1522] {strides = array<i32>} : memref<200x128xi32, #tpu.memory_space<vmem>>, vector<1x16xi32>,
      %get3A_1524 = vector.shape_cast %get3A_1523 : vector<1x16xi32> to vector<16xi32>
      %mul3A_1525 = arith.constant 20 : i32
      %mul3A_1526 = vector.broadcast %mul3A_1525 : i32 to vector<16xi32>
      %mul3A_1527 = arith.muli %select_n3A_1520, %mul3A_1526 : vector<16xi32>
      %add3A_1528 = arith.addi %get3A_1524, %mul3A_1527 : vector<16xi32>
      %swap3A_1529 = arith.index_cast %add3A_1379 : i32 to index
      %swap3A_1530 = arith.constant 80 : index
      %swap3A_1531 = tpu.vector_load %arg5[%swap3A_1529, %swap3A_1530] {strides = array<i32>} : memref<200x128xi32, #tpu.memory_space<vmem>>, vector<1x16xi32>,
      %swap3A_1532 = vector.shape_cast %swap3A_1531 : vector<1x16xi32> to vector<16xi32>
      %swap3A_1533 = vector.shape_cast %add3A_1528 : vector<16xi32> to vector<1x16xi32>
      tpu.vector_store %arg5[%swap3A_1529, %swap3A_1530], %swap3A_1533 {strides = array<i32>} : memref<200x128xi32, #tpu.memory_space<vmem>>, vector<1x16xi32>,
      %add3A_1534 = arith.constant 96 : i32
      %add3A_1535 = arith.addi %rem3A_1383, %add3A_1534 : i32
      %iota3A_1536 = tpu.iota {dimensions = array<i32: 0>} : vector<16xi32>
      %add3A_1537 = vector.broadcast %add3A_1535 : i32 to vector<16xi32>
      %add3A_1538 = arith.addi %add3A_1537, %iota3A_1536 : vector<16xi32>
      %ge3A_1539 = arith.constant 200 : i32
      %ge3A_1540 = vector.broadcast %ge3A_1539 : i32 to vector<16xi32>
      %ge3A_1541 = arith.cmpi sge, %add3A_1538, %ge3A_1540 : vector<16xi32>
      %sub3A_1542 = arith.constant 200 : i32
      %sub3A_1543 = vector.broadcast %sub3A_1542 : i32 to vector<16xi32>
      %sub3A_1544 = arith.subi %add3A_1538, %sub3A_1543 : vector<16xi32>
      %select_n3A_1545 = arith.select %ge3A_1541, %sub3A_1544, %add3A_1538 : vector<16xi1>, vector<16xi32>
      %get3A_1546 = arith.index_cast %add3A_1379 : i32 to index
      %get3A_1547 = arith.constant 96 : index
      %get3A_1548 = tpu.vector_load %arg5[%get3A_1546, %get3A_1547] {strides = array<i32>} : memref<200x128xi32, #tpu.memory_space<vmem>>, vector<1x16xi32>,
      %get3A_1549 = vector.shape_cast %get3A_1548 : vector<1x16xi32> to vector<16xi32>
      %mul3A_1550 = arith.constant 20 : i32
      %mul3A_1551 = vector.broadcast %mul3A_1550 : i32 to vector<16xi32>
      %mul3A_1552 = arith.muli %select_n3A_1545, %mul3A_1551 : vector<16xi32>
      %add3A_1553 = arith.addi %get3A_1549, %mul3A_1552 : vector<16xi32>
      %swap3A_1554 = arith.index_cast %add3A_1379 : i32 to index
      %swap3A_1555 = arith.constant 96 : index
      %swap3A_1556 = tpu.vector_load %arg5[%swap3A_1554, %swap3A_1555] {strides = array<i32>} : memref<200x128xi32, #tpu.memory_space<vmem>>, vector<1x16xi32>,
      %swap3A_1557 = vector.shape_cast %swap3A_1556 : vector<1x16xi32> to vector<16xi32>
      %swap3A_1558 = vector.shape_cast %add3A_1553 : vector<16xi32> to vector<1x16xi32>
      tpu.vector_store %arg5[%swap3A_1554, %swap3A_1555], %swap3A_1558 {strides = array<i32>} : memref<200x128xi32, #tpu.memory_space<vmem>>, vector<1x16xi32>,
      %add3A_1559 = arith.constant 112 : i32
      %add3A_1560 = arith.addi %rem3A_1383, %add3A_1559 : i32
      %iota3A_1561 = tpu.iota {dimensions = array<i32: 0>} : vector<16xi32>
      %add3A_1562 = vector.broadcast %add3A_1560 : i32 to vector<16xi32>
      %add3A_1563 = arith.addi %add3A_1562, %iota3A_1561 : vector<16xi32>
      %ge3A_1564 = arith.constant 200 : i32
      %ge3A_1565 = vector.broadcast %ge3A_1564 : i32 to vector<16xi32>
      %ge3A_1566 = arith.cmpi sge, %add3A_1563, %ge3A_1565 : vector<16xi32>
      %sub3A_1567 = arith.constant 200 : i32
      %sub3A_1568 = vector.broadcast %sub3A_1567 : i32 to vector<16xi32>
      %sub3A_1569 = arith.subi %add3A_1563, %sub3A_1568 : vector<16xi32>
      %select_n3A_1570 = arith.select %ge3A_1566, %sub3A_1569, %add3A_1563 : vector<16xi1>, vector<16xi32>
      %get3A_1571 = arith.index_cast %add3A_1379 : i32 to index
      %get3A_1572 = arith.constant 112 : index
      %get3A_1573 = tpu.vector_load %arg5[%get3A_1571, %get3A_1572] {strides = array<i32>} : memref<200x128xi32, #tpu.memory_space<vmem>>, vector<1x16xi32>,
      %get3A_1574 = vector.shape_cast %get3A_1573 : vector<1x16xi32> to vector<16xi32>
      %mul3A_1575 = arith.constant 20 : i32
      %mul3A_1576 = vector.broadcast %mul3A_1575 : i32 to vector<16xi32>
      %mul3A_1577 = arith.muli %select_n3A_1570, %mul3A_1576 : vector<16xi32>
      %add3A_1578 = arith.addi %get3A_1574, %mul3A_1577 : vector<16xi32>
      %swap3A_1579 = arith.index_cast %add3A_1379 : i32 to index
      %swap3A_1580 = arith.constant 112 : index
      %swap3A_1581 = tpu.vector_load %arg5[%swap3A_1579, %swap3A_1580] {strides = array<i32>} : memref<200x128xi32, #tpu.memory_space<vmem>>, vector<1x16xi32>,
      %swap3A_1582 = vector.shape_cast %swap3A_1581 : vector<1x16xi32> to vector<16xi32>
      %swap3A_1583 = vector.shape_cast %add3A_1578 : vector<16xi32> to vector<1x16xi32>
      tpu.vector_store %arg5[%swap3A_1579, %swap3A_1580], %swap3A_1583 {strides = array<i32>} : memref<200x128xi32, #tpu.memory_space<vmem>>, vector<1x16xi32>,
      %dma_wait3A_1584 = arith.constant 1 : i32
      %dma_wait3A_1585 = arith.constant 0 : i32
      %dma_wait3A_1586 = arith.constant 0 : i32
      %dma_wait3A_1587 = tpu.memref_slice %arg6[%dma_wait3A_1584, %dma_wait3A_1585, %dma_wait3A_1586] : memref<4x128x128xf32, #tpu.memory_space<vmem>> -> memref<1x128x128xf32, #tpu.memory_space<vmem>>
      %dma_wait3A_1588 = tpu.memref_squeeze %dma_wait3A_1587 : memref<1x128x128xf32, #tpu.memory_space<vmem>> -> memref<128x128xf32, #tpu.memory_space<vmem>>
      %dma_wait3A_1589 = arith.constant 0 : i32
      %dma_wait3A_1590 = tpu.memref_slice %arg4[%mul3A_2, %dma_wait3A_1589] : memref<819200x128xf32, #tpu.memory_space<hbm>> -> memref<128x128xf32, #tpu.memory_space<hbm>>
      %dma_wait3A_1591 = arith.constant 0 : i32
      %dma_wait3A_1592 = tpu.memref_slice %arg4[%mul3A_2, %dma_wait3A_1591] : memref<819200x128xf32, #tpu.memory_space<hbm>> -> memref<128x128xf32, #tpu.memory_space<hbm>>
      %dma_wait3A_1593 = arith.constant 0 : i32
      %dma_wait3A_1594 = arith.constant 0 : i32
      %dma_wait3A_1595 = tpu.memref_slice %arg6[%dma_wait3A_1584, %dma_wait3A_1593, %dma_wait3A_1594] : memref<4x128x128xf32, #tpu.memory_space<vmem>> -> memref<1x128x128xf32, #tpu.memory_space<vmem>>
      %dma_wait3A_1596 = tpu.memref_squeeze %dma_wait3A_1595 : memref<1x128x128xf32, #tpu.memory_space<vmem>> -> memref<128x128xf32, #tpu.memory_space<vmem>>
      tpu.wait_dma2 semaphore(%arg13 : memref<!tpu.dma_semaphore, #tpu.memory_space<semaphore_mem>>) src(%dma_wait3A_1596 : memref<128x128xf32, #tpu.memory_space<vmem>>) dst(%dma_wait3A_1592 : memref<128x128xf32, #tpu.memory_space<hbm>>)
      %add3A_1597 = arith.constant 2 : i32
      %add3A_1598 = arith.addi %add3A_1377, %add3A_1597 : i32
      %dma_start3A_1599 = arith.constant 1 : i32
      %dma_start3A_1600 = arith.constant 0 : i32
      %dma_start3A_1601 = arith.constant 0 : i32
      %dma_start3A_1602 = tpu.memref_slice %arg6[%dma_start3A_1599, %dma_start3A_1600, %dma_start3A_1601] : memref<4x128x128xf32, #tpu.memory_space<vmem>> -> memref<1x128x128xf32, #tpu.memory_space<vmem>>
      %dma_start3A_1603 = tpu.memref_squeeze %dma_start3A_1602 : memref<1x128x128xf32, #tpu.memory_space<vmem>> -> memref<128x128xf32, #tpu.memory_space<vmem>>
      %dma_start3A_1604 = arith.constant 0 : i32
      %dma_start3A_1605 = tpu.memref_slice %arg5[%add3A_1598, %dma_start3A_1604] : memref<200x128xi32, #tpu.memory_space<vmem>> -> memref<1x128xi32, #tpu.memory_space<vmem>>
      %dma_start3A_1606 = tpu.memref_squeeze %dma_start3A_1605 : memref<1x128xi32, #tpu.memory_space<vmem>> -> memref<128xi32, #tpu.memory_space<vmem>>
      %dma_start3A_1607 = arith.constant 0 : i32
      %dma_start3A_1608 = arith.constant 0 : i32
      %dma_start3A_1609 = tpu.memref_slice %arg7[%dma_start3A_1607, %dma_start3A_1608] : memref<4000x128xf32, #tpu.memory_space<vmem_shared>> -> memref<4000x128xf32, #tpu.memory_space<vmem_shared>>
      tpu.enqueue_indirect_dma source(%dma_start3A_1609 : memref<4000x128xf32, #tpu.memory_space<vmem_shared>>) target(%dma_start3A_1603 : memref<128x128xf32, #tpu.memory_space<vmem>>) offsets(%dma_start3A_1606 : memref<128xi32, #tpu.memory_space<vmem>>) semaphore(%arg9 : memref<!tpu.dma_semaphore, #tpu.memory_space<semaphore_mem>>)
      %dma_wait3A_1610 = arith.constant 0 : i32
      %dma_wait3A_1611 = arith.constant 3 : i32
      %dma_wait3A_1612 = arith.constant 0 : i32
      %dma_wait3A_1613 = arith.constant 0 : i32
      %dma_wait3A_1614 = tpu.memref_slice %arg6[%dma_wait3A_1611, %dma_wait3A_1612, %dma_wait3A_1613] : memref<4x128x128xf32, #tpu.memory_space<vmem>> -> memref<1x128x128xf32, #tpu.memory_space<vmem>>
      %dma_wait3A_1615 = tpu.memref_squeeze %dma_wait3A_1614 : memref<1x128x128xf32, #tpu.memory_space<vmem>> -> memref<128x128xf32, #tpu.memory_space<vmem>>
      %dma_wait3A_1616 = arith.constant 0 : i32
      %dma_wait3A_1617 = tpu.memref_slice %arg5[%dma_wait3A_1610, %dma_wait3A_1616] : memref<200x128xi32, #tpu.memory_space<vmem>> -> memref<1x128xi32, #tpu.memory_space<vmem>>
      %dma_wait3A_1618 = tpu.memref_squeeze %dma_wait3A_1617 : memref<1x128xi32, #tpu.memory_space<vmem>> -> memref<128xi32, #tpu.memory_space<vmem>>
      %dma_wait3A_1619 = arith.constant 0 : i32
      %dma_wait3A_1620 = arith.constant 0 : i32
      %dma_wait3A_1621 = tpu.memref_slice %arg7[%dma_wait3A_1619, %dma_wait3A_1620] : memref<4000x128xf32, #tpu.memory_space<vmem_shared>> -> memref<4000x128xf32, #tpu.memory_space<vmem_shared>>
      tpu.wait_indirect_dma semaphore(%arg11 : memref<!tpu.dma_semaphore, #tpu.memory_space<semaphore_mem>>) src(%dma_wait3A_1621 : memref<4000x128xf32, #tpu.memory_space<vmem_shared>>) dst(%dma_wait3A_1615 : memref<128x128xf32, #tpu.memory_space<vmem>>)
      %mul3A_1622 = arith.constant 128 : i32
      %mul3A_1623 = arith.muli %add3A_1377, %mul3A_1622 : i32
      %add3A_1624 = arith.addi %mul3A_2, %mul3A_1623 : i32
      %dma_start3A_1625 = arith.constant 3 : i32
      %dma_start3A_1626 = arith.constant 0 : i32
      %dma_start3A_1627 = arith.constant 0 : i32
      %dma_start3A_1628 = tpu.memref_slice %arg6[%dma_start3A_1625, %dma_start3A_1626, %dma_start3A_1627] : memref<4x128x128xf32, #tpu.memory_space<vmem>> -> memref<1x128x128xf32, #tpu.memory_space<vmem>>
      %dma_start3A_1629 = tpu.memref_squeeze %dma_start3A_1628 : memref<1x128x128xf32, #tpu.memory_space<vmem>> -> memref<128x128xf32, #tpu.memory_space<vmem>>
      %dma_start3A_1630 = arith.constant 0 : i32
      %dma_start3A_1631 = tpu.memref_slice %arg4[%add3A_1624, %dma_start3A_1630] : memref<819200x128xf32, #tpu.memory_space<hbm>> -> memref<128x128xf32, #tpu.memory_space<hbm>>
      %dma_start3A_1632 = arith.constant 0 : i32
      %dma_start3A_1633 = tpu.memref_slice %arg4[%add3A_1624, %dma_start3A_1632] : memref<819200x128xf32, #tpu.memory_space<hbm>> -> memref<128x128xf32, #tpu.memory_space<hbm>>
      %dma_start3A_1634 = arith.constant 0 : i32
      %dma_start3A_1635 = arith.constant 0 : i32
      %dma_start3A_1636 = tpu.memref_slice %arg6[%dma_start3A_1625, %dma_start3A_1634, %dma_start3A_1635] : memref<4x128x128xf32, #tpu.memory_space<vmem>> -> memref<1x128x128xf32, #tpu.memory_space<vmem>>
      %dma_start3A_1637 = tpu.memref_squeeze %dma_start3A_1636 : memref<1x128x128xf32, #tpu.memory_space<vmem>> -> memref<128x128xf32, #tpu.memory_space<vmem>>
      tpu.enqueue_dma source(%dma_start3A_1637 : memref<128x128xf32, #tpu.memory_space<vmem>>) target(%dma_start3A_1633 : memref<128x128xf32, #tpu.memory_space<hbm>>) target_semaphore(%arg15 : memref<!tpu.dma_semaphore, #tpu.memory_space<semaphore_mem>>)
      %mul3A_1638 = arith.constant 4 : i32
      %mul3A_1639 = arith.muli %scan3A_1105, %mul3A_1638 : i32
      %add3A_1640 = arith.constant 2 : i32
      %add3A_1641 = arith.addi %add3A_1640, %mul3A_1639 : i32
      %add3A_1642 = arith.constant 2 : i32
      %add3A_1643 = arith.addi %add3A_1641, %add3A_1642 : i32
      %add3A_1644 = arith.constant 2 : i32
      %add3A_1645 = arith.addi %add3A_1643, %add3A_1644 : i32
      %mul3A_1646 = arith.constant 128 : i32
      %mul3A_1647 = arith.muli %add3A_1645, %mul3A_1646 : i32
      %rem3A_1648 = arith.constant 200 : i32
      %rem3A_1649 = arith.remsi %mul3A_1647, %rem3A_1648 : i32
      %add3A_1650 = arith.constant 0 : i32
      %add3A_1651 = arith.addi %rem3A_1649, %add3A_1650 : i32
      %iota3A_1652 = tpu.iota {dimensions = array<i32: 0>} : vector<16xi32>
      %add3A_1653 = vector.broadcast %add3A_1651 : i32 to vector<16xi32>
      %add3A_1654 = arith.addi %add3A_1653, %iota3A_1652 : vector<16xi32>
      %ge3A_1655 = arith.constant 200 : i32
      %ge3A_1656 = vector.broadcast %ge3A_1655 : i32 to vector<16xi32>
      %ge3A_1657 = arith.cmpi sge, %add3A_1654, %ge3A_1656 : vector<16xi32>
      %sub3A_1658 = arith.constant 200 : i32
      %sub3A_1659 = vector.broadcast %sub3A_1658 : i32 to vector<16xi32>
      %sub3A_1660 = arith.subi %add3A_1654, %sub3A_1659 : vector<16xi32>
      %select_n3A_1661 = arith.select %ge3A_1657, %sub3A_1660, %add3A_1654 : vector<16xi1>, vector<16xi32>
      %get3A_1662 = arith.index_cast %add3A_1645 : i32 to index
      %get3A_1663 = arith.constant 0 : index
      %get3A_1664 = tpu.vector_load %arg5[%get3A_1662, %get3A_1663] {strides = array<i32>} : memref<200x128xi32, #tpu.memory_space<vmem>>, vector<1x16xi32>,
      %get3A_1665 = vector.shape_cast %get3A_1664 : vector<1x16xi32> to vector<16xi32>
      %mul3A_1666 = arith.constant 20 : i32
      %mul3A_1667 = vector.broadcast %mul3A_1666 : i32 to vector<16xi32>
      %mul3A_1668 = arith.muli %select_n3A_1661, %mul3A_1667 : vector<16xi32>
      %add3A_1669 = arith.addi %get3A_1665, %mul3A_1668 : vector<16xi32>
      %swap3A_1670 = arith.index_cast %add3A_1645 : i32 to index
      %swap3A_1671 = arith.constant 0 : index
      %swap3A_1672 = tpu.vector_load %arg5[%swap3A_1670, %swap3A_1671] {strides = array<i32>} : memref<200x128xi32, #tpu.memory_space<vmem>>, vector<1x16xi32>,
      %swap3A_1673 = vector.shape_cast %swap3A_1672 : vector<1x16xi32> to vector<16xi32>
      %swap3A_1674 = vector.shape_cast %add3A_1669 : vector<16xi32> to vector<1x16xi32>
      tpu.vector_store %arg5[%swap3A_1670, %swap3A_1671], %swap3A_1674 {strides = array<i32>} : memref<200x128xi32, #tpu.memory_space<vmem>>, vector<1x16xi32>,
      %add3A_1675 = arith.constant 16 : i32
      %add3A_1676 = arith.addi %rem3A_1649, %add3A_1675 : i32
      %iota3A_1677 = tpu.iota {dimensions = array<i32: 0>} : vector<16xi32>
      %add3A_1678 = vector.broadcast %add3A_1676 : i32 to vector<16xi32>
      %add3A_1679 = arith.addi %add3A_1678, %iota3A_1677 : vector<16xi32>
      %ge3A_1680 = arith.constant 200 : i32
      %ge3A_1681 = vector.broadcast %ge3A_1680 : i32 to vector<16xi32>
      %ge3A_1682 = arith.cmpi sge, %add3A_1679, %ge3A_1681 : vector<16xi32>
      %sub3A_1683 = arith.constant 200 : i32
      %sub3A_1684 = vector.broadcast %sub3A_1683 : i32 to vector<16xi32>
      %sub3A_1685 = arith.subi %add3A_1679, %sub3A_1684 : vector<16xi32>
      %select_n3A_1686 = arith.select %ge3A_1682, %sub3A_1685, %add3A_1679 : vector<16xi1>, vector<16xi32>
      %get3A_1687 = arith.index_cast %add3A_1645 : i32 to index
      %get3A_1688 = arith.constant 16 : index
      %get3A_1689 = tpu.vector_load %arg5[%get3A_1687, %get3A_1688] {strides = array<i32>} : memref<200x128xi32, #tpu.memory_space<vmem>>, vector<1x16xi32>,
      %get3A_1690 = vector.shape_cast %get3A_1689 : vector<1x16xi32> to vector<16xi32>
      %mul3A_1691 = arith.constant 20 : i32
      %mul3A_1692 = vector.broadcast %mul3A_1691 : i32 to vector<16xi32>
      %mul3A_1693 = arith.muli %select_n3A_1686, %mul3A_1692 : vector<16xi32>
      %add3A_1694 = arith.addi %get3A_1690, %mul3A_1693 : vector<16xi32>
      %swap3A_1695 = arith.index_cast %add3A_1645 : i32 to index
      %swap3A_1696 = arith.constant 16 : index
      %swap3A_1697 = tpu.vector_load %arg5[%swap3A_1695, %swap3A_1696] {strides = array<i32>} : memref<200x128xi32, #tpu.memory_space<vmem>>, vector<1x16xi32>,
      %swap3A_1698 = vector.shape_cast %swap3A_1697 : vector<1x16xi32> to vector<16xi32>
      %swap3A_1699 = vector.shape_cast %add3A_1694 : vector<16xi32> to vector<1x16xi32>
      tpu.vector_store %arg5[%swap3A_1695, %swap3A_1696], %swap3A_1699 {strides = array<i32>} : memref<200x128xi32, #tpu.memory_space<vmem>>, vector<1x16xi32>,
      %add3A_1700 = arith.constant 32 : i32
      %add3A_1701 = arith.addi %rem3A_1649, %add3A_1700 : i32
      %iota3A_1702 = tpu.iota {dimensions = array<i32: 0>} : vector<16xi32>
      %add3A_1703 = vector.broadcast %add3A_1701 : i32 to vector<16xi32>
      %add3A_1704 = arith.addi %add3A_1703, %iota3A_1702 : vector<16xi32>
      %ge3A_1705 = arith.constant 200 : i32
      %ge3A_1706 = vector.broadcast %ge3A_1705 : i32 to vector<16xi32>
      %ge3A_1707 = arith.cmpi sge, %add3A_1704, %ge3A_1706 : vector<16xi32>
      %sub3A_1708 = arith.constant 200 : i32
      %sub3A_1709 = vector.broadcast %sub3A_1708 : i32 to vector<16xi32>
      %sub3A_1710 = arith.subi %add3A_1704, %sub3A_1709 : vector<16xi32>
      %select_n3A_1711 = arith.select %ge3A_1707, %sub3A_1710, %add3A_1704 : vector<16xi1>, vector<16xi32>
      %get3A_1712 = arith.index_cast %add3A_1645 : i32 to index
      %get3A_1713 = arith.constant 32 : index
      %get3A_1714 = tpu.vector_load %arg5[%get3A_1712, %get3A_1713] {strides = array<i32>} : memref<200x128xi32, #tpu.memory_space<vmem>>, vector<1x16xi32>,
      %get3A_1715 = vector.shape_cast %get3A_1714 : vector<1x16xi32> to vector<16xi32>
      %mul3A_1716 = arith.constant 20 : i32
      %mul3A_1717 = vector.broadcast %mul3A_1716 : i32 to vector<16xi32>
      %mul3A_1718 = arith.muli %select_n3A_1711, %mul3A_1717 : vector<16xi32>
      %add3A_1719 = arith.addi %get3A_1715, %mul3A_1718 : vector<16xi32>
      %swap3A_1720 = arith.index_cast %add3A_1645 : i32 to index
      %swap3A_1721 = arith.constant 32 : index
      %swap3A_1722 = tpu.vector_load %arg5[%swap3A_1720, %swap3A_1721] {strides = array<i32>} : memref<200x128xi32, #tpu.memory_space<vmem>>, vector<1x16xi32>,
      %swap3A_1723 = vector.shape_cast %swap3A_1722 : vector<1x16xi32> to vector<16xi32>
      %swap3A_1724 = vector.shape_cast %add3A_1719 : vector<16xi32> to vector<1x16xi32>
      tpu.vector_store %arg5[%swap3A_1720, %swap3A_1721], %swap3A_1724 {strides = array<i32>} : memref<200x128xi32, #tpu.memory_space<vmem>>, vector<1x16xi32>,
      %add3A_1725 = arith.constant 48 : i32
      %add3A_1726 = arith.addi %rem3A_1649, %add3A_1725 : i32
      %iota3A_1727 = tpu.iota {dimensions = array<i32: 0>} : vector<16xi32>
      %add3A_1728 = vector.broadcast %add3A_1726 : i32 to vector<16xi32>
      %add3A_1729 = arith.addi %add3A_1728, %iota3A_1727 : vector<16xi32>
      %ge3A_1730 = arith.constant 200 : i32
      %ge3A_1731 = vector.broadcast %ge3A_1730 : i32 to vector<16xi32>
      %ge3A_1732 = arith.cmpi sge, %add3A_1729, %ge3A_1731 : vector<16xi32>
      %sub3A_1733 = arith.constant 200 : i32
      %sub3A_1734 = vector.broadcast %sub3A_1733 : i32 to vector<16xi32>
      %sub3A_1735 = arith.subi %add3A_1729, %sub3A_1734 : vector<16xi32>
      %select_n3A_1736 = arith.select %ge3A_1732, %sub3A_1735, %add3A_1729 : vector<16xi1>, vector<16xi32>
      %get3A_1737 = arith.index_cast %add3A_1645 : i32 to index
      %get3A_1738 = arith.constant 48 : index
      %get3A_1739 = tpu.vector_load %arg5[%get3A_1737, %get3A_1738] {strides = array<i32>} : memref<200x128xi32, #tpu.memory_space<vmem>>, vector<1x16xi32>,
      %get3A_1740 = vector.shape_cast %get3A_1739 : vector<1x16xi32> to vector<16xi32>
      %mul3A_1741 = arith.constant 20 : i32
      %mul3A_1742 = vector.broadcast %mul3A_1741 : i32 to vector<16xi32>
      %mul3A_1743 = arith.muli %select_n3A_1736, %mul3A_1742 : vector<16xi32>
      %add3A_1744 = arith.addi %get3A_1740, %mul3A_1743 : vector<16xi32>
      %swap3A_1745 = arith.index_cast %add3A_1645 : i32 to index
      %swap3A_1746 = arith.constant 48 : index
      %swap3A_1747 = tpu.vector_load %arg5[%swap3A_1745, %swap3A_1746] {strides = array<i32>} : memref<200x128xi32, #tpu.memory_space<vmem>>, vector<1x16xi32>,
      %swap3A_1748 = vector.shape_cast %swap3A_1747 : vector<1x16xi32> to vector<16xi32>
      %swap3A_1749 = vector.shape_cast %add3A_1744 : vector<16xi32> to vector<1x16xi32>
      tpu.vector_store %arg5[%swap3A_1745, %swap3A_1746], %swap3A_1749 {strides = array<i32>} : memref<200x128xi32, #tpu.memory_space<vmem>>, vector<1x16xi32>,
      %add3A_1750 = arith.constant 64 : i32
      %add3A_1751 = arith.addi %rem3A_1649, %add3A_1750 : i32
      %iota3A_1752 = tpu.iota {dimensions = array<i32: 0>} : vector<16xi32>
      %add3A_1753 = vector.broadcast %add3A_1751 : i32 to vector<16xi32>
      %add3A_1754 = arith.addi %add3A_1753, %iota3A_1752 : vector<16xi32>
      %ge3A_1755 = arith.constant 200 : i32
      %ge3A_1756 = vector.broadcast %ge3A_1755 : i32 to vector<16xi32>
      %ge3A_1757 = arith.cmpi sge, %add3A_1754, %ge3A_1756 : vector<16xi32>
      %sub3A_1758 = arith.constant 200 : i32
      %sub3A_1759 = vector.broadcast %sub3A_1758 : i32 to vector<16xi32>
      %sub3A_1760 = arith.subi %add3A_1754, %sub3A_1759 : vector<16xi32>
      %select_n3A_1761 = arith.select %ge3A_1757, %sub3A_1760, %add3A_1754 : vector<16xi1>, vector<16xi32>
      %get3A_1762 = arith.index_cast %add3A_1645 : i32 to index
      %get3A_1763 = arith.constant 64 : index
      %get3A_1764 = tpu.vector_load %arg5[%get3A_1762, %get3A_1763] {strides = array<i32>} : memref<200x128xi32, #tpu.memory_space<vmem>>, vector<1x16xi32>,
      %get3A_1765 = vector.shape_cast %get3A_1764 : vector<1x16xi32> to vector<16xi32>
      %mul3A_1766 = arith.constant 20 : i32
      %mul3A_1767 = vector.broadcast %mul3A_1766 : i32 to vector<16xi32>
      %mul3A_1768 = arith.muli %select_n3A_1761, %mul3A_1767 : vector<16xi32>
      %add3A_1769 = arith.addi %get3A_1765, %mul3A_1768 : vector<16xi32>
      %swap3A_1770 = arith.index_cast %add3A_1645 : i32 to index
      %swap3A_1771 = arith.constant 64 : index
      %swap3A_1772 = tpu.vector_load %arg5[%swap3A_1770, %swap3A_1771] {strides = array<i32>} : memref<200x128xi32, #tpu.memory_space<vmem>>, vector<1x16xi32>,
      %swap3A_1773 = vector.shape_cast %swap3A_1772 : vector<1x16xi32> to vector<16xi32>
      %swap3A_1774 = vector.shape_cast %add3A_1769 : vector<16xi32> to vector<1x16xi32>
      tpu.vector_store %arg5[%swap3A_1770, %swap3A_1771], %swap3A_1774 {strides = array<i32>} : memref<200x128xi32, #tpu.memory_space<vmem>>, vector<1x16xi32>,
      %add3A_1775 = arith.constant 80 : i32
      %add3A_1776 = arith.addi %rem3A_1649, %add3A_1775 : i32
      %iota3A_1777 = tpu.iota {dimensions = array<i32: 0>} : vector<16xi32>
      %add3A_1778 = vector.broadcast %add3A_1776 : i32 to vector<16xi32>
      %add3A_1779 = arith.addi %add3A_1778, %iota3A_1777 : vector<16xi32>
      %ge3A_1780 = arith.constant 200 : i32
      %ge3A_1781 = vector.broadcast %ge3A_1780 : i32 to vector<16xi32>
      %ge3A_1782 = arith.cmpi sge, %add3A_1779, %ge3A_1781 : vector<16xi32>
      %sub3A_1783 = arith.constant 200 : i32
      %sub3A_1784 = vector.broadcast %sub3A_1783 : i32 to vector<16xi32>
      %sub3A_1785 = arith.subi %add3A_1779, %sub3A_1784 : vector<16xi32>
      %select_n3A_1786 = arith.select %ge3A_1782, %sub3A_1785, %add3A_1779 : vector<16xi1>, vector<16xi32>
      %get3A_1787 = arith.index_cast %add3A_1645 : i32 to index
      %get3A_1788 = arith.constant 80 : index
      %get3A_1789 = tpu.vector_load %arg5[%get3A_1787, %get3A_1788] {strides = array<i32>} : memref<200x128xi32, #tpu.memory_space<vmem>>, vector<1x16xi32>,
      %get3A_1790 = vector.shape_cast %get3A_1789 : vector<1x16xi32> to vector<16xi32>
      %mul3A_1791 = arith.constant 20 : i32
      %mul3A_1792 = vector.broadcast %mul3A_1791 : i32 to vector<16xi32>
      %mul3A_1793 = arith.muli %select_n3A_1786, %mul3A_1792 : vector<16xi32>
      %add3A_1794 = arith.addi %get3A_1790, %mul3A_1793 : vector<16xi32>
      %swap3A_1795 = arith.index_cast %add3A_1645 : i32 to index
      %swap3A_1796 = arith.constant 80 : index
      %swap3A_1797 = tpu.vector_load %arg5[%swap3A_1795, %swap3A_1796] {strides = array<i32>} : memref<200x128xi32, #tpu.memory_space<vmem>>, vector<1x16xi32>,
      %swap3A_1798 = vector.shape_cast %swap3A_1797 : vector<1x16xi32> to vector<16xi32>
      %swap3A_1799 = vector.shape_cast %add3A_1794 : vector<16xi32> to vector<1x16xi32>
      tpu.vector_store %arg5[%swap3A_1795, %swap3A_1796], %swap3A_1799 {strides = array<i32>} : memref<200x128xi32, #tpu.memory_space<vmem>>, vector<1x16xi32>,
      %add3A_1800 = arith.constant 96 : i32
      %add3A_1801 = arith.addi %rem3A_1649, %add3A_1800 : i32
      %iota3A_1802 = tpu.iota {dimensions = array<i32: 0>} : vector<16xi32>
      %add3A_1803 = vector.broadcast %add3A_1801 : i32 to vector<16xi32>
      %add3A_1804 = arith.addi %add3A_1803, %iota3A_1802 : vector<16xi32>
      %ge3A_1805 = arith.constant 200 : i32
      %ge3A_1806 = vector.broadcast %ge3A_1805 : i32 to vector<16xi32>
      %ge3A_1807 = arith.cmpi sge, %add3A_1804, %ge3A_1806 : vector<16xi32>
      %sub3A_1808 = arith.constant 200 : i32
      %sub3A_1809 = vector.broadcast %sub3A_1808 : i32 to vector<16xi32>
      %sub3A_1810 = arith.subi %add3A_1804, %sub3A_1809 : vector<16xi32>
      %select_n3A_1811 = arith.select %ge3A_1807, %sub3A_1810, %add3A_1804 : vector<16xi1>, vector<16xi32>
      %get3A_1812 = arith.index_cast %add3A_1645 : i32 to index
      %get3A_1813 = arith.constant 96 : index
      %get3A_1814 = tpu.vector_load %arg5[%get3A_1812, %get3A_1813] {strides = array<i32>} : memref<200x128xi32, #tpu.memory_space<vmem>>, vector<1x16xi32>,
      %get3A_1815 = vector.shape_cast %get3A_1814 : vector<1x16xi32> to vector<16xi32>
      %mul3A_1816 = arith.constant 20 : i32
      %mul3A_1817 = vector.broadcast %mul3A_1816 : i32 to vector<16xi32>
      %mul3A_1818 = arith.muli %select_n3A_1811, %mul3A_1817 : vector<16xi32>
      %add3A_1819 = arith.addi %get3A_1815, %mul3A_1818 : vector<16xi32>
      %swap3A_1820 = arith.index_cast %add3A_1645 : i32 to index
      %swap3A_1821 = arith.constant 96 : index
      %swap3A_1822 = tpu.vector_load %arg5[%swap3A_1820, %swap3A_1821] {strides = array<i32>} : memref<200x128xi32, #tpu.memory_space<vmem>>, vector<1x16xi32>,
      %swap3A_1823 = vector.shape_cast %swap3A_1822 : vector<1x16xi32> to vector<16xi32>
      %swap3A_1824 = vector.shape_cast %add3A_1819 : vector<16xi32> to vector<1x16xi32>
      tpu.vector_store %arg5[%swap3A_1820, %swap3A_1821], %swap3A_1824 {strides = array<i32>} : memref<200x128xi32, #tpu.memory_space<vmem>>, vector<1x16xi32>,
      %add3A_1825 = arith.constant 112 : i32
      %add3A_1826 = arith.addi %rem3A_1649, %add3A_1825 : i32
      %iota3A_1827 = tpu.iota {dimensions = array<i32: 0>} : vector<16xi32>
      %add3A_1828 = vector.broadcast %add3A_1826 : i32 to vector<16xi32>
      %add3A_1829 = arith.addi %add3A_1828, %iota3A_1827 : vector<16xi32>
      %ge3A_1830 = arith.constant 200 : i32
      %ge3A_1831 = vector.broadcast %ge3A_1830 : i32 to vector<16xi32>
      %ge3A_1832 = arith.cmpi sge, %add3A_1829, %ge3A_1831 : vector<16xi32>
      %sub3A_1833 = arith.constant 200 : i32
      %sub3A_1834 = vector.broadcast %sub3A_1833 : i32 to vector<16xi32>
      %sub3A_1835 = arith.subi %add3A_1829, %sub3A_1834 : vector<16xi32>
      %select_n3A_1836 = arith.select %ge3A_1832, %sub3A_1835, %add3A_1829 : vector<16xi1>, vector<16xi32>
      %get3A_1837 = arith.index_cast %add3A_1645 : i32 to index
      %get3A_1838 = arith.constant 112 : index
      %get3A_1839 = tpu.vector_load %arg5[%get3A_1837, %get3A_1838] {strides = array<i32>} : memref<200x128xi32, #tpu.memory_space<vmem>>, vector<1x16xi32>,
      %get3A_1840 = vector.shape_cast %get3A_1839 : vector<1x16xi32> to vector<16xi32>
      %mul3A_1841 = arith.constant 20 : i32
      %mul3A_1842 = vector.broadcast %mul3A_1841 : i32 to vector<16xi32>
      %mul3A_1843 = arith.muli %select_n3A_1836, %mul3A_1842 : vector<16xi32>
      %add3A_1844 = arith.addi %get3A_1840, %mul3A_1843 : vector<16xi32>
      %swap3A_1845 = arith.index_cast %add3A_1645 : i32 to index
      %swap3A_1846 = arith.constant 112 : index
      %swap3A_1847 = tpu.vector_load %arg5[%swap3A_1845, %swap3A_1846] {strides = array<i32>} : memref<200x128xi32, #tpu.memory_space<vmem>>, vector<1x16xi32>,
      %swap3A_1848 = vector.shape_cast %swap3A_1847 : vector<1x16xi32> to vector<16xi32>
      %swap3A_1849 = vector.shape_cast %add3A_1844 : vector<16xi32> to vector<1x16xi32>
      tpu.vector_store %arg5[%swap3A_1845, %swap3A_1846], %swap3A_1849 {strides = array<i32>} : memref<200x128xi32, #tpu.memory_space<vmem>>, vector<1x16xi32>,
      %dma_wait3A_1850 = arith.constant 2 : i32
      %dma_wait3A_1851 = arith.constant 0 : i32
      %dma_wait3A_1852 = arith.constant 0 : i32
      %dma_wait3A_1853 = tpu.memref_slice %arg6[%dma_wait3A_1850, %dma_wait3A_1851, %dma_wait3A_1852] : memref<4x128x128xf32, #tpu.memory_space<vmem>> -> memref<1x128x128xf32, #tpu.memory_space<vmem>>
      %dma_wait3A_1854 = tpu.memref_squeeze %dma_wait3A_1853 : memref<1x128x128xf32, #tpu.memory_space<vmem>> -> memref<128x128xf32, #tpu.memory_space<vmem>>
      %dma_wait3A_1855 = arith.constant 0 : i32
      %dma_wait3A_1856 = tpu.memref_slice %arg4[%mul3A_2, %dma_wait3A_1855] : memref<819200x128xf32, #tpu.memory_space<hbm>> -> memref<128x128xf32, #tpu.memory_space<hbm>>
      %dma_wait3A_1857 = arith.constant 0 : i32
      %dma_wait3A_1858 = tpu.memref_slice %arg4[%mul3A_2, %dma_wait3A_1857] : memref<819200x128xf32, #tpu.memory_space<hbm>> -> memref<128x128xf32, #tpu.memory_space<hbm>>
      %dma_wait3A_1859 = arith.constant 0 : i32
      %dma_wait3A_1860 = arith.constant 0 : i32
      %dma_wait3A_1861 = tpu.memref_slice %arg6[%dma_wait3A_1850, %dma_wait3A_1859, %dma_wait3A_1860] : memref<4x128x128xf32, #tpu.memory_space<vmem>> -> memref<1x128x128xf32, #tpu.memory_space<vmem>>
      %dma_wait3A_1862 = tpu.memref_squeeze %dma_wait3A_1861 : memref<1x128x128xf32, #tpu.memory_space<vmem>> -> memref<128x128xf32, #tpu.memory_space<vmem>>
      tpu.wait_dma2 semaphore(%arg14 : memref<!tpu.dma_semaphore, #tpu.memory_space<semaphore_mem>>) src(%dma_wait3A_1862 : memref<128x128xf32, #tpu.memory_space<vmem>>) dst(%dma_wait3A_1858 : memref<128x128xf32, #tpu.memory_space<hbm>>)
      %add3A_1863 = arith.constant 2 : i32
      %add3A_1864 = arith.addi %add3A_1643, %add3A_1863 : i32
      %dma_start3A_1865 = arith.constant 2 : i32
      %dma_start3A_1866 = arith.constant 0 : i32
      %dma_start3A_1867 = arith.constant 0 : i32
      %dma_start3A_1868 = tpu.memref_slice %arg6[%dma_start3A_1865, %dma_start3A_1866, %dma_start3A_1867] : memref<4x128x128xf32, #tpu.memory_space<vmem>> -> memref<1x128x128xf32, #tpu.memory_space<vmem>>
      %dma_start3A_1869 = tpu.memref_squeeze %dma_start3A_1868 : memref<1x128x128xf32, #tpu.memory_space<vmem>> -> memref<128x128xf32, #tpu.memory_space<vmem>>
      %dma_start3A_1870 = arith.constant 0 : i32
      %dma_start3A_1871 = tpu.memref_slice %arg5[%add3A_1864, %dma_start3A_1870] : memref<200x128xi32, #tpu.memory_space<vmem>> -> memref<1x128xi32, #tpu.memory_space<vmem>>
      %dma_start3A_1872 = tpu.memref_squeeze %dma_start3A_1871 : memref<1x128xi32, #tpu.memory_space<vmem>> -> memref<128xi32, #tpu.memory_space<vmem>>
      %dma_start3A_1873 = arith.constant 0 : i32
      %dma_start3A_1874 = arith.constant 0 : i32
      %dma_start3A_1875 = tpu.memref_slice %arg7[%dma_start3A_1873, %dma_start3A_1874] : memref<4000x128xf32, #tpu.memory_space<vmem_shared>> -> memref<4000x128xf32, #tpu.memory_space<vmem_shared>>
      tpu.enqueue_indirect_dma source(%dma_start3A_1875 : memref<4000x128xf32, #tpu.memory_space<vmem_shared>>) target(%dma_start3A_1869 : memref<128x128xf32, #tpu.memory_space<vmem>>) offsets(%dma_start3A_1872 : memref<128xi32, #tpu.memory_space<vmem>>) semaphore(%arg10 : memref<!tpu.dma_semaphore, #tpu.memory_space<semaphore_mem>>)
      %dma_wait3A_1876 = arith.constant 0 : i32
      %dma_wait3A_1877 = arith.constant 0 : i32
      %dma_wait3A_1878 = arith.constant 0 : i32
      %dma_wait3A_1879 = arith.constant 0 : i32
      %dma_wait3A_1880 = tpu.memref_slice %arg6[%dma_wait3A_1877, %dma_wait3A_1878, %dma_wait3A_1879] : memref<4x128x128xf32, #tpu.memory_space<vmem>> -> memref<1x128x128xf32, #tpu.memory_space<vmem>>
      %dma_wait3A_1881 = tpu.memref_squeeze %dma_wait3A_1880 : memref<1x128x128xf32, #tpu.memory_space<vmem>> -> memref<128x128xf32, #tpu.memory_space<vmem>>
      %dma_wait3A_1882 = arith.constant 0 : i32
      %dma_wait3A_1883 = tpu.memref_slice %arg5[%dma_wait3A_1876, %dma_wait3A_1882] : memref<200x128xi32, #tpu.memory_space<vmem>> -> memref<1x128xi32, #tpu.memory_space<vmem>>
      %dma_wait3A_1884 = tpu.memref_squeeze %dma_wait3A_1883 : memref<1x128xi32, #tpu.memory_space<vmem>> -> memref<128xi32, #tpu.memory_space<vmem>>
      %dma_wait3A_1885 = arith.constant 0 : i32
      %dma_wait3A_1886 = arith.constant 0 : i32
      %dma_wait3A_1887 = tpu.memref_slice %arg7[%dma_wait3A_1885, %dma_wait3A_1886] : memref<4000x128xf32, #tpu.memory_space<vmem_shared>> -> memref<4000x128xf32, #tpu.memory_space<vmem_shared>>
      tpu.wait_indirect_dma semaphore(%arg8 : memref<!tpu.dma_semaphore, #tpu.memory_space<semaphore_mem>>) src(%dma_wait3A_1887 : memref<4000x128xf32, #tpu.memory_space<vmem_shared>>) dst(%dma_wait3A_1881 : memref<128x128xf32, #tpu.memory_space<vmem>>)
      %mul3A_1888 = arith.constant 128 : i32
      %mul3A_1889 = arith.muli %add3A_1643, %mul3A_1888 : i32
      %add3A_1890 = arith.addi %mul3A_2, %mul3A_1889 : i32
      %dma_start3A_1891 = arith.constant 0 : i32
      %dma_start3A_1892 = arith.constant 0 : i32
      %dma_start3A_1893 = arith.constant 0 : i32
      %dma_start3A_1894 = tpu.memref_slice %arg6[%dma_start3A_1891, %dma_start3A_1892, %dma_start3A_1893] : memref<4x128x128xf32, #tpu.memory_space<vmem>> -> memref<1x128x128xf32, #tpu.memory_space<vmem>>
      %dma_start3A_1895 = tpu.memref_squeeze %dma_start3A_1894 : memref<1x128x128xf32, #tpu.memory_space<vmem>> -> memref<128x128xf32, #tpu.memory_space<vmem>>
      %dma_start3A_1896 = arith.constant 0 : i32
      %dma_start3A_1897 = tpu.memref_slice %arg4[%add3A_1890, %dma_start3A_1896] : memref<819200x128xf32, #tpu.memory_space<hbm>> -> memref<128x128xf32, #tpu.memory_space<hbm>>
      %dma_start3A_1898 = arith.constant 0 : i32
      %dma_start3A_1899 = tpu.memref_slice %arg4[%add3A_1890, %dma_start3A_1898] : memref<819200x128xf32, #tpu.memory_space<hbm>> -> memref<128x128xf32, #tpu.memory_space<hbm>>
      %dma_start3A_1900 = arith.constant 0 : i32
      %dma_start3A_1901 = arith.constant 0 : i32
      %dma_start3A_1902 = tpu.memref_slice %arg6[%dma_start3A_1891, %dma_start3A_1900, %dma_start3A_1901] : memref<4x128x128xf32, #tpu.memory_space<vmem>> -> memref<1x128x128xf32, #tpu.memory_space<vmem>>
      %dma_start3A_1903 = tpu.memref_squeeze %dma_start3A_1902 : memref<1x128x128xf32, #tpu.memory_space<vmem>> -> memref<128x128xf32, #tpu.memory_space<vmem>>
      tpu.enqueue_dma source(%dma_start3A_1903 : memref<128x128xf32, #tpu.memory_space<vmem>>) target(%dma_start3A_1899 : memref<128x128xf32, #tpu.memory_space<hbm>>) target_semaphore(%arg12 : memref<!tpu.dma_semaphore, #tpu.memory_space<semaphore_mem>>)
      %mul3A_1904 = arith.constant 4 : i32
      %mul3A_1905 = arith.muli %scan3A_1105, %mul3A_1904 : i32
      %add3A_1906 = arith.constant 2 : i32
      %add3A_1907 = arith.addi %add3A_1906, %mul3A_1905 : i32
      %add3A_1908 = arith.constant 3 : i32
      %add3A_1909 = arith.addi %add3A_1907, %add3A_1908 : i32
      %add3A_1910 = arith.constant 2 : i32
      %add3A_1911 = arith.addi %add3A_1909, %add3A_1910 : i32
      %mul3A_1912 = arith.constant 128 : i32
      %mul3A_1913 = arith.muli %add3A_1911, %mul3A_1912 : i32
      %rem3A_1914 = arith.constant 200 : i32
      %rem3A_1915 = arith.remsi %mul3A_1913, %rem3A_1914 : i32
      %add3A_1916 = arith.constant 0 : i32
      %add3A_1917 = arith.addi %rem3A_1915, %add3A_1916 : i32
      %iota3A_1918 = tpu.iota {dimensions = array<i32: 0>} : vector<16xi32>
      %add3A_1919 = vector.broadcast %add3A_1917 : i32 to vector<16xi32>
      %add3A_1920 = arith.addi %add3A_1919, %iota3A_1918 : vector<16xi32>
      %ge3A_1921 = arith.constant 200 : i32
      %ge3A_1922 = vector.broadcast %ge3A_1921 : i32 to vector<16xi32>
      %ge3A_1923 = arith.cmpi sge, %add3A_1920, %ge3A_1922 : vector<16xi32>
      %sub3A_1924 = arith.constant 200 : i32
      %sub3A_1925 = vector.broadcast %sub3A_1924 : i32 to vector<16xi32>
      %sub3A_1926 = arith.subi %add3A_1920, %sub3A_1925 : vector<16xi32>
      %select_n3A_1927 = arith.select %ge3A_1923, %sub3A_1926, %add3A_1920 : vector<16xi1>, vector<16xi32>
      %get3A_1928 = arith.index_cast %add3A_1911 : i32 to index
      %get3A_1929 = arith.constant 0 : index
      %get3A_1930 = tpu.vector_load %arg5[%get3A_1928, %get3A_1929] {strides = array<i32>} : memref<200x128xi32, #tpu.memory_space<vmem>>, vector<1x16xi32>,
      %get3A_1931 = vector.shape_cast %get3A_1930 : vector<1x16xi32> to vector<16xi32>
      %mul3A_1932 = arith.constant 20 : i32
      %mul3A_1933 = vector.broadcast %mul3A_1932 : i32 to vector<16xi32>
      %mul3A_1934 = arith.muli %select_n3A_1927, %mul3A_1933 : vector<16xi32>
      %add3A_1935 = arith.addi %get3A_1931, %mul3A_1934 : vector<16xi32>
      %swap3A_1936 = arith.index_cast %add3A_1911 : i32 to index
      %swap3A_1937 = arith.constant 0 : index
      %swap3A_1938 = tpu.vector_load %arg5[%swap3A_1936, %swap3A_1937] {strides = array<i32>} : memref<200x128xi32, #tpu.memory_space<vmem>>, vector<1x16xi32>,
      %swap3A_1939 = vector.shape_cast %swap3A_1938 : vector<1x16xi32> to vector<16xi32>
      %swap3A_1940 = vector.shape_cast %add3A_1935 : vector<16xi32> to vector<1x16xi32>
      tpu.vector_store %arg5[%swap3A_1936, %swap3A_1937], %swap3A_1940 {strides = array<i32>} : memref<200x128xi32, #tpu.memory_space<vmem>>, vector<1x16xi32>,
      %add3A_1941 = arith.constant 16 : i32
      %add3A_1942 = arith.addi %rem3A_1915, %add3A_1941 : i32
      %iota3A_1943 = tpu.iota {dimensions = array<i32: 0>} : vector<16xi32>
      %add3A_1944 = vector.broadcast %add3A_1942 : i32 to vector<16xi32>
      %add3A_1945 = arith.addi %add3A_1944, %iota3A_1943 : vector<16xi32>
      %ge3A_1946 = arith.constant 200 : i32
      %ge3A_1947 = vector.broadcast %ge3A_1946 : i32 to vector<16xi32>
      %ge3A_1948 = arith.cmpi sge, %add3A_1945, %ge3A_1947 : vector<16xi32>
      %sub3A_1949 = arith.constant 200 : i32
      %sub3A_1950 = vector.broadcast %sub3A_1949 : i32 to vector<16xi32>
      %sub3A_1951 = arith.subi %add3A_1945, %sub3A_1950 : vector<16xi32>
      %select_n3A_1952 = arith.select %ge3A_1948, %sub3A_1951, %add3A_1945 : vector<16xi1>, vector<16xi32>
      %get3A_1953 = arith.index_cast %add3A_1911 : i32 to index
      %get3A_1954 = arith.constant 16 : index
      %get3A_1955 = tpu.vector_load %arg5[%get3A_1953, %get3A_1954] {strides = array<i32>} : memref<200x128xi32, #tpu.memory_space<vmem>>, vector<1x16xi32>,
      %get3A_1956 = vector.shape_cast %get3A_1955 : vector<1x16xi32> to vector<16xi32>
      %mul3A_1957 = arith.constant 20 : i32
      %mul3A_1958 = vector.broadcast %mul3A_1957 : i32 to vector<16xi32>
      %mul3A_1959 = arith.muli %select_n3A_1952, %mul3A_1958 : vector<16xi32>
      %add3A_1960 = arith.addi %get3A_1956, %mul3A_1959 : vector<16xi32>
      %swap3A_1961 = arith.index_cast %add3A_1911 : i32 to index
      %swap3A_1962 = arith.constant 16 : index
      %swap3A_1963 = tpu.vector_load %arg5[%swap3A_1961, %swap3A_1962] {strides = array<i32>} : memref<200x128xi32, #tpu.memory_space<vmem>>, vector<1x16xi32>,
      %swap3A_1964 = vector.shape_cast %swap3A_1963 : vector<1x16xi32> to vector<16xi32>
      %swap3A_1965 = vector.shape_cast %add3A_1960 : vector<16xi32> to vector<1x16xi32>
      tpu.vector_store %arg5[%swap3A_1961, %swap3A_1962], %swap3A_1965 {strides = array<i32>} : memref<200x128xi32, #tpu.memory_space<vmem>>, vector<1x16xi32>,
      %add3A_1966 = arith.constant 32 : i32
      %add3A_1967 = arith.addi %rem3A_1915, %add3A_1966 : i32
      %iota3A_1968 = tpu.iota {dimensions = array<i32: 0>} : vector<16xi32>
      %add3A_1969 = vector.broadcast %add3A_1967 : i32 to vector<16xi32>
      %add3A_1970 = arith.addi %add3A_1969, %iota3A_1968 : vector<16xi32>
      %ge3A_1971 = arith.constant 200 : i32
      %ge3A_1972 = vector.broadcast %ge3A_1971 : i32 to vector<16xi32>
      %ge3A_1973 = arith.cmpi sge, %add3A_1970, %ge3A_1972 : vector<16xi32>
      %sub3A_1974 = arith.constant 200 : i32
      %sub3A_1975 = vector.broadcast %sub3A_1974 : i32 to vector<16xi32>
      %sub3A_1976 = arith.subi %add3A_1970, %sub3A_1975 : vector<16xi32>
      %select_n3A_1977 = arith.select %ge3A_1973, %sub3A_1976, %add3A_1970 : vector<16xi1>, vector<16xi32>
      %get3A_1978 = arith.index_cast %add3A_1911 : i32 to index
      %get3A_1979 = arith.constant 32 : index
      %get3A_1980 = tpu.vector_load %arg5[%get3A_1978, %get3A_1979] {strides = array<i32>} : memref<200x128xi32, #tpu.memory_space<vmem>>, vector<1x16xi32>,
      %get3A_1981 = vector.shape_cast %get3A_1980 : vector<1x16xi32> to vector<16xi32>
      %mul3A_1982 = arith.constant 20 : i32
      %mul3A_1983 = vector.broadcast %mul3A_1982 : i32 to vector<16xi32>
      %mul3A_1984 = arith.muli %select_n3A_1977, %mul3A_1983 : vector<16xi32>
      %add3A_1985 = arith.addi %get3A_1981, %mul3A_1984 : vector<16xi32>
      %swap3A_1986 = arith.index_cast %add3A_1911 : i32 to index
      %swap3A_1987 = arith.constant 32 : index
      %swap3A_1988 = tpu.vector_load %arg5[%swap3A_1986, %swap3A_1987] {strides = array<i32>} : memref<200x128xi32, #tpu.memory_space<vmem>>, vector<1x16xi32>,
      %swap3A_1989 = vector.shape_cast %swap3A_1988 : vector<1x16xi32> to vector<16xi32>
      %swap3A_1990 = vector.shape_cast %add3A_1985 : vector<16xi32> to vector<1x16xi32>
      tpu.vector_store %arg5[%swap3A_1986, %swap3A_1987], %swap3A_1990 {strides = array<i32>} : memref<200x128xi32, #tpu.memory_space<vmem>>, vector<1x16xi32>,
      %add3A_1991 = arith.constant 48 : i32
      %add3A_1992 = arith.addi %rem3A_1915, %add3A_1991 : i32
      %iota3A_1993 = tpu.iota {dimensions = array<i32: 0>} : vector<16xi32>
      %add3A_1994 = vector.broadcast %add3A_1992 : i32 to vector<16xi32>
      %add3A_1995 = arith.addi %add3A_1994, %iota3A_1993 : vector<16xi32>
      %ge3A_1996 = arith.constant 200 : i32
      %ge3A_1997 = vector.broadcast %ge3A_1996 : i32 to vector<16xi32>
      %ge3A_1998 = arith.cmpi sge, %add3A_1995, %ge3A_1997 : vector<16xi32>
      %sub3A_1999 = arith.constant 200 : i32
      %sub3A_2000 = vector.broadcast %sub3A_1999 : i32 to vector<16xi32>
      %sub3A_2001 = arith.subi %add3A_1995, %sub3A_2000 : vector<16xi32>
      %select_n3A_2002 = arith.select %ge3A_1998, %sub3A_2001, %add3A_1995 : vector<16xi1>, vector<16xi32>
      %get3A_2003 = arith.index_cast %add3A_1911 : i32 to index
      %get3A_2004 = arith.constant 48 : index
      %get3A_2005 = tpu.vector_load %arg5[%get3A_2003, %get3A_2004] {strides = array<i32>} : memref<200x128xi32, #tpu.memory_space<vmem>>, vector<1x16xi32>,
      %get3A_2006 = vector.shape_cast %get3A_2005 : vector<1x16xi32> to vector<16xi32>
      %mul3A_2007 = arith.constant 20 : i32
      %mul3A_2008 = vector.broadcast %mul3A_2007 : i32 to vector<16xi32>
      %mul3A_2009 = arith.muli %select_n3A_2002, %mul3A_2008 : vector<16xi32>
      %add3A_2010 = arith.addi %get3A_2006, %mul3A_2009 : vector<16xi32>
      %swap3A_2011 = arith.index_cast %add3A_1911 : i32 to index
      %swap3A_2012 = arith.constant 48 : index
      %swap3A_2013 = tpu.vector_load %arg5[%swap3A_2011, %swap3A_2012] {strides = array<i32>} : memref<200x128xi32, #tpu.memory_space<vmem>>, vector<1x16xi32>,
      %swap3A_2014 = vector.shape_cast %swap3A_2013 : vector<1x16xi32> to vector<16xi32>
      %swap3A_2015 = vector.shape_cast %add3A_2010 : vector<16xi32> to vector<1x16xi32>
      tpu.vector_store %arg5[%swap3A_2011, %swap3A_2012], %swap3A_2015 {strides = array<i32>} : memref<200x128xi32, #tpu.memory_space<vmem>>, vector<1x16xi32>,
      %add3A_2016 = arith.constant 64 : i32
      %add3A_2017 = arith.addi %rem3A_1915, %add3A_2016 : i32
      %iota3A_2018 = tpu.iota {dimensions = array<i32: 0>} : vector<16xi32>
      %add3A_2019 = vector.broadcast %add3A_2017 : i32 to vector<16xi32>
      %add3A_2020 = arith.addi %add3A_2019, %iota3A_2018 : vector<16xi32>
      %ge3A_2021 = arith.constant 200 : i32
      %ge3A_2022 = vector.broadcast %ge3A_2021 : i32 to vector<16xi32>
      %ge3A_2023 = arith.cmpi sge, %add3A_2020, %ge3A_2022 : vector<16xi32>
      %sub3A_2024 = arith.constant 200 : i32
      %sub3A_2025 = vector.broadcast %sub3A_2024 : i32 to vector<16xi32>
      %sub3A_2026 = arith.subi %add3A_2020, %sub3A_2025 : vector<16xi32>
      %select_n3A_2027 = arith.select %ge3A_2023, %sub3A_2026, %add3A_2020 : vector<16xi1>, vector<16xi32>
      %get3A_2028 = arith.index_cast %add3A_1911 : i32 to index
      %get3A_2029 = arith.constant 64 : index
      %get3A_2030 = tpu.vector_load %arg5[%get3A_2028, %get3A_2029] {strides = array<i32>} : memref<200x128xi32, #tpu.memory_space<vmem>>, vector<1x16xi32>,
      %get3A_2031 = vector.shape_cast %get3A_2030 : vector<1x16xi32> to vector<16xi32>
      %mul3A_2032 = arith.constant 20 : i32
      %mul3A_2033 = vector.broadcast %mul3A_2032 : i32 to vector<16xi32>
      %mul3A_2034 = arith.muli %select_n3A_2027, %mul3A_2033 : vector<16xi32>
      %add3A_2035 = arith.addi %get3A_2031, %mul3A_2034 : vector<16xi32>
      %swap3A_2036 = arith.index_cast %add3A_1911 : i32 to index
      %swap3A_2037 = arith.constant 64 : index
      %swap3A_2038 = tpu.vector_load %arg5[%swap3A_2036, %swap3A_2037] {strides = array<i32>} : memref<200x128xi32, #tpu.memory_space<vmem>>, vector<1x16xi32>,
      %swap3A_2039 = vector.shape_cast %swap3A_2038 : vector<1x16xi32> to vector<16xi32>
      %swap3A_2040 = vector.shape_cast %add3A_2035 : vector<16xi32> to vector<1x16xi32>
      tpu.vector_store %arg5[%swap3A_2036, %swap3A_2037], %swap3A_2040 {strides = array<i32>} : memref<200x128xi32, #tpu.memory_space<vmem>>, vector<1x16xi32>,
      %add3A_2041 = arith.constant 80 : i32
      %add3A_2042 = arith.addi %rem3A_1915, %add3A_2041 : i32
      %iota3A_2043 = tpu.iota {dimensions = array<i32: 0>} : vector<16xi32>
      %add3A_2044 = vector.broadcast %add3A_2042 : i32 to vector<16xi32>
      %add3A_2045 = arith.addi %add3A_2044, %iota3A_2043 : vector<16xi32>
      %ge3A_2046 = arith.constant 200 : i32
      %ge3A_2047 = vector.broadcast %ge3A_2046 : i32 to vector<16xi32>
      %ge3A_2048 = arith.cmpi sge, %add3A_2045, %ge3A_2047 : vector<16xi32>
      %sub3A_2049 = arith.constant 200 : i32
      %sub3A_2050 = vector.broadcast %sub3A_2049 : i32 to vector<16xi32>
      %sub3A_2051 = arith.subi %add3A_2045, %sub3A_2050 : vector<16xi32>
      %select_n3A_2052 = arith.select %ge3A_2048, %sub3A_2051, %add3A_2045 : vector<16xi1>, vector<16xi32>
      %get3A_2053 = arith.index_cast %add3A_1911 : i32 to index
      %get3A_2054 = arith.constant 80 : index
      %get3A_2055 = tpu.vector_load %arg5[%get3A_2053, %get3A_2054] {strides = array<i32>} : memref<200x128xi32, #tpu.memory_space<vmem>>, vector<1x16xi32>,
      %get3A_2056 = vector.shape_cast %get3A_2055 : vector<1x16xi32> to vector<16xi32>
      %mul3A_2057 = arith.constant 20 : i32
      %mul3A_2058 = vector.broadcast %mul3A_2057 : i32 to vector<16xi32>
      %mul3A_2059 = arith.muli %select_n3A_2052, %mul3A_2058 : vector<16xi32>
      %add3A_2060 = arith.addi %get3A_2056, %mul3A_2059 : vector<16xi32>
      %swap3A_2061 = arith.index_cast %add3A_1911 : i32 to index
      %swap3A_2062 = arith.constant 80 : index
      %swap3A_2063 = tpu.vector_load %arg5[%swap3A_2061, %swap3A_2062] {strides = array<i32>} : memref<200x128xi32, #tpu.memory_space<vmem>>, vector<1x16xi32>,
      %swap3A_2064 = vector.shape_cast %swap3A_2063 : vector<1x16xi32> to vector<16xi32>
      %swap3A_2065 = vector.shape_cast %add3A_2060 : vector<16xi32> to vector<1x16xi32>
      tpu.vector_store %arg5[%swap3A_2061, %swap3A_2062], %swap3A_2065 {strides = array<i32>} : memref<200x128xi32, #tpu.memory_space<vmem>>, vector<1x16xi32>,
      %add3A_2066 = arith.constant 96 : i32
      %add3A_2067 = arith.addi %rem3A_1915, %add3A_2066 : i32
      %iota3A_2068 = tpu.iota {dimensions = array<i32: 0>} : vector<16xi32>
      %add3A_2069 = vector.broadcast %add3A_2067 : i32 to vector<16xi32>
      %add3A_2070 = arith.addi %add3A_2069, %iota3A_2068 : vector<16xi32>
      %ge3A_2071 = arith.constant 200 : i32
      %ge3A_2072 = vector.broadcast %ge3A_2071 : i32 to vector<16xi32>
      %ge3A_2073 = arith.cmpi sge, %add3A_2070, %ge3A_2072 : vector<16xi32>
      %sub3A_2074 = arith.constant 200 : i32
      %sub3A_2075 = vector.broadcast %sub3A_2074 : i32 to vector<16xi32>
      %sub3A_2076 = arith.subi %add3A_2070, %sub3A_2075 : vector<16xi32>
      %select_n3A_2077 = arith.select %ge3A_2073, %sub3A_2076, %add3A_2070 : vector<16xi1>, vector<16xi32>
      %get3A_2078 = arith.index_cast %add3A_1911 : i32 to index
      %get3A_2079 = arith.constant 96 : index
      %get3A_2080 = tpu.vector_load %arg5[%get3A_2078, %get3A_2079] {strides = array<i32>} : memref<200x128xi32, #tpu.memory_space<vmem>>, vector<1x16xi32>,
      %get3A_2081 = vector.shape_cast %get3A_2080 : vector<1x16xi32> to vector<16xi32>
      %mul3A_2082 = arith.constant 20 : i32
      %mul3A_2083 = vector.broadcast %mul3A_2082 : i32 to vector<16xi32>
      %mul3A_2084 = arith.muli %select_n3A_2077, %mul3A_2083 : vector<16xi32>
      %add3A_2085 = arith.addi %get3A_2081, %mul3A_2084 : vector<16xi32>
      %swap3A_2086 = arith.index_cast %add3A_1911 : i32 to index
      %swap3A_2087 = arith.constant 96 : index
      %swap3A_2088 = tpu.vector_load %arg5[%swap3A_2086, %swap3A_2087] {strides = array<i32>} : memref<200x128xi32, #tpu.memory_space<vmem>>, vector<1x16xi32>,
      %swap3A_2089 = vector.shape_cast %swap3A_2088 : vector<1x16xi32> to vector<16xi32>
      %swap3A_2090 = vector.shape_cast %add3A_2085 : vector<16xi32> to vector<1x16xi32>
      tpu.vector_store %arg5[%swap3A_2086, %swap3A_2087], %swap3A_2090 {strides = array<i32>} : memref<200x128xi32, #tpu.memory_space<vmem>>, vector<1x16xi32>,
      %add3A_2091 = arith.constant 112 : i32
      %add3A_2092 = arith.addi %rem3A_1915, %add3A_2091 : i32
      %iota3A_2093 = tpu.iota {dimensions = array<i32: 0>} : vector<16xi32>
      %add3A_2094 = vector.broadcast %add3A_2092 : i32 to vector<16xi32>
      %add3A_2095 = arith.addi %add3A_2094, %iota3A_2093 : vector<16xi32>
      %ge3A_2096 = arith.constant 200 : i32
      %ge3A_2097 = vector.broadcast %ge3A_2096 : i32 to vector<16xi32>
      %ge3A_2098 = arith.cmpi sge, %add3A_2095, %ge3A_2097 : vector<16xi32>
      %sub3A_2099 = arith.constant 200 : i32
      %sub3A_2100 = vector.broadcast %sub3A_2099 : i32 to vector<16xi32>
      %sub3A_2101 = arith.subi %add3A_2095, %sub3A_2100 : vector<16xi32>
      %select_n3A_2102 = arith.select %ge3A_2098, %sub3A_2101, %add3A_2095 : vector<16xi1>, vector<16xi32>
      %get3A_2103 = arith.index_cast %add3A_1911 : i32 to index
      %get3A_2104 = arith.constant 112 : index
      %get3A_2105 = tpu.vector_load %arg5[%get3A_2103, %get3A_2104] {strides = array<i32>} : memref<200x128xi32, #tpu.memory_space<vmem>>, vector<1x16xi32>,
      %get3A_2106 = vector.shape_cast %get3A_2105 : vector<1x16xi32> to vector<16xi32>
      %mul3A_2107 = arith.constant 20 : i32
      %mul3A_2108 = vector.broadcast %mul3A_2107 : i32 to vector<16xi32>
      %mul3A_2109 = arith.muli %select_n3A_2102, %mul3A_2108 : vector<16xi32>
      %add3A_2110 = arith.addi %get3A_2106, %mul3A_2109 : vector<16xi32>
      %swap3A_2111 = arith.index_cast %add3A_1911 : i32 to index
      %swap3A_2112 = arith.constant 112 : index
      %swap3A_2113 = tpu.vector_load %arg5[%swap3A_2111, %swap3A_2112] {strides = array<i32>} : memref<200x128xi32, #tpu.memory_space<vmem>>, vector<1x16xi32>,
      %swap3A_2114 = vector.shape_cast %swap3A_2113 : vector<1x16xi32> to vector<16xi32>
      %swap3A_2115 = vector.shape_cast %add3A_2110 : vector<16xi32> to vector<1x16xi32>
      tpu.vector_store %arg5[%swap3A_2111, %swap3A_2112], %swap3A_2115 {strides = array<i32>} : memref<200x128xi32, #tpu.memory_space<vmem>>, vector<1x16xi32>,
      %dma_wait3A_2116 = arith.constant 3 : i32
      %dma_wait3A_2117 = arith.constant 0 : i32
      %dma_wait3A_2118 = arith.constant 0 : i32
      %dma_wait3A_2119 = tpu.memref_slice %arg6[%dma_wait3A_2116, %dma_wait3A_2117, %dma_wait3A_2118] : memref<4x128x128xf32, #tpu.memory_space<vmem>> -> memref<1x128x128xf32, #tpu.memory_space<vmem>>
      %dma_wait3A_2120 = tpu.memref_squeeze %dma_wait3A_2119 : memref<1x128x128xf32, #tpu.memory_space<vmem>> -> memref<128x128xf32, #tpu.memory_space<vmem>>
      %dma_wait3A_2121 = arith.constant 0 : i32
      %dma_wait3A_2122 = tpu.memref_slice %arg4[%mul3A_2, %dma_wait3A_2121] : memref<819200x128xf32, #tpu.memory_space<hbm>> -> memref<128x128xf32, #tpu.memory_space<hbm>>
      %dma_wait3A_2123 = arith.constant 0 : i32
      %dma_wait3A_2124 = tpu.memref_slice %arg4[%mul3A_2, %dma_wait3A_2123] : memref<819200x128xf32, #tpu.memory_space<hbm>> -> memref<128x128xf32, #tpu.memory_space<hbm>>
      %dma_wait3A_2125 = arith.constant 0 : i32
      %dma_wait3A_2126 = arith.constant 0 : i32
      %dma_wait3A_2127 = tpu.memref_slice %arg6[%dma_wait3A_2116, %dma_wait3A_2125, %dma_wait3A_2126] : memref<4x128x128xf32, #tpu.memory_space<vmem>> -> memref<1x128x128xf32, #tpu.memory_space<vmem>>
      %dma_wait3A_2128 = tpu.memref_squeeze %dma_wait3A_2127 : memref<1x128x128xf32, #tpu.memory_space<vmem>> -> memref<128x128xf32, #tpu.memory_space<vmem>>
      tpu.wait_dma2 semaphore(%arg15 : memref<!tpu.dma_semaphore, #tpu.memory_space<semaphore_mem>>) src(%dma_wait3A_2128 : memref<128x128xf32, #tpu.memory_space<vmem>>) dst(%dma_wait3A_2124 : memref<128x128xf32, #tpu.memory_space<hbm>>)
      %add3A_2129 = arith.constant 2 : i32
      %add3A_2130 = arith.addi %add3A_1909, %add3A_2129 : i32
      %dma_start3A_2131 = arith.constant 3 : i32
      %dma_start3A_2132 = arith.constant 0 : i32
      %dma_start3A_2133 = arith.constant 0 : i32
      %dma_start3A_2134 = tpu.memref_slice %arg6[%dma_start3A_2131, %dma_start3A_2132, %dma_start3A_2133] : memref<4x128x128xf32, #tpu.memory_space<vmem>> -> memref<1x128x128xf32, #tpu.memory_space<vmem>>
      %dma_start3A_2135 = tpu.memref_squeeze %dma_start3A_2134 : memref<1x128x128xf32, #tpu.memory_space<vmem>> -> memref<128x128xf32, #tpu.memory_space<vmem>>
      %dma_start3A_2136 = arith.constant 0 : i32
      %dma_start3A_2137 = tpu.memref_slice %arg5[%add3A_2130, %dma_start3A_2136] : memref<200x128xi32, #tpu.memory_space<vmem>> -> memref<1x128xi32, #tpu.memory_space<vmem>>
      %dma_start3A_2138 = tpu.memref_squeeze %dma_start3A_2137 : memref<1x128xi32, #tpu.memory_space<vmem>> -> memref<128xi32, #tpu.memory_space<vmem>>
      %dma_start3A_2139 = arith.constant 0 : i32
      %dma_start3A_2140 = arith.constant 0 : i32
      %dma_start3A_2141 = tpu.memref_slice %arg7[%dma_start3A_2139, %dma_start3A_2140] : memref<4000x128xf32, #tpu.memory_space<vmem_shared>> -> memref<4000x128xf32, #tpu.memory_space<vmem_shared>>
      tpu.enqueue_indirect_dma source(%dma_start3A_2141 : memref<4000x128xf32, #tpu.memory_space<vmem_shared>>) target(%dma_start3A_2135 : memref<128x128xf32, #tpu.memory_space<vmem>>) offsets(%dma_start3A_2138 : memref<128xi32, #tpu.memory_space<vmem>>) semaphore(%arg11 : memref<!tpu.dma_semaphore, #tpu.memory_space<semaphore_mem>>)
      %dma_wait3A_2142 = arith.constant 0 : i32
      %dma_wait3A_2143 = arith.constant 1 : i32
      %dma_wait3A_2144 = arith.constant 0 : i32
      %dma_wait3A_2145 = arith.constant 0 : i32
      %dma_wait3A_2146 = tpu.memref_slice %arg6[%dma_wait3A_2143, %dma_wait3A_2144, %dma_wait3A_2145] : memref<4x128x128xf32, #tpu.memory_space<vmem>> -> memref<1x128x128xf32, #tpu.memory_space<vmem>>
      %dma_wait3A_2147 = tpu.memref_squeeze %dma_wait3A_2146 : memref<1x128x128xf32, #tpu.memory_space<vmem>> -> memref<128x128xf32, #tpu.memory_space<vmem>>
      %dma_wait3A_2148 = arith.constant 0 : i32
      %dma_wait3A_2149 = tpu.memref_slice %arg5[%dma_wait3A_2142, %dma_wait3A_2148] : memref<200x128xi32, #tpu.memory_space<vmem>> -> memref<1x128xi32, #tpu.memory_space<vmem>>
      %dma_wait3A_2150 = tpu.memref_squeeze %dma_wait3A_2149 : memref<1x128xi32, #tpu.memory_space<vmem>> -> memref<128xi32, #tpu.memory_space<vmem>>
      %dma_wait3A_2151 = arith.constant 0 : i32
      %dma_wait3A_2152 = arith.constant 0 : i32
      %dma_wait3A_2153 = tpu.memref_slice %arg7[%dma_wait3A_2151, %dma_wait3A_2152] : memref<4000x128xf32, #tpu.memory_space<vmem_shared>> -> memref<4000x128xf32, #tpu.memory_space<vmem_shared>>
      tpu.wait_indirect_dma semaphore(%arg9 : memref<!tpu.dma_semaphore, #tpu.memory_space<semaphore_mem>>) src(%dma_wait3A_2153 : memref<4000x128xf32, #tpu.memory_space<vmem_shared>>) dst(%dma_wait3A_2147 : memref<128x128xf32, #tpu.memory_space<vmem>>)
      %mul3A_2154 = arith.constant 128 : i32
      %mul3A_2155 = arith.muli %add3A_1909, %mul3A_2154 : i32
      %add3A_2156 = arith.addi %mul3A_2, %mul3A_2155 : i32
      %dma_start3A_2157 = arith.constant 1 : i32
      %dma_start3A_2158 = arith.constant 0 : i32
      %dma_start3A_2159 = arith.constant 0 : i32
      %dma_start3A_2160 = tpu.memref_slice %arg6[%dma_start3A_2157, %dma_start3A_2158, %dma_start3A_2159] : memref<4x128x128xf32, #tpu.memory_space<vmem>> -> memref<1x128x128xf32, #tpu.memory_space<vmem>>
      %dma_start3A_2161 = tpu.memref_squeeze %dma_start3A_2160 : memref<1x128x128xf32, #tpu.memory_space<vmem>> -> memref<128x128xf32, #tpu.memory_space<vmem>>
      %dma_start3A_2162 = arith.constant 0 : i32
      %dma_start3A_2163 = tpu.memref_slice %arg4[%add3A_2156, %dma_start3A_2162] : memref<819200x128xf32, #tpu.memory_space<hbm>> -> memref<128x128xf32, #tpu.memory_space<hbm>>
      %dma_start3A_2164 = arith.constant 0 : i32
      %dma_start3A_2165 = tpu.memref_slice %arg4[%add3A_2156, %dma_start3A_2164] : memref<819200x128xf32, #tpu.memory_space<hbm>> -> memref<128x128xf32, #tpu.memory_space<hbm>>
      %dma_start3A_2166 = arith.constant 0 : i32
      %dma_start3A_2167 = arith.constant 0 : i32
      %dma_start3A_2168 = tpu.memref_slice %arg6[%dma_start3A_2157, %dma_start3A_2166, %dma_start3A_2167] : memref<4x128x128xf32, #tpu.memory_space<vmem>> -> memref<1x128x128xf32, #tpu.memory_space<vmem>>
      %dma_start3A_2169 = tpu.memref_squeeze %dma_start3A_2168 : memref<1x128x128xf32, #tpu.memory_space<vmem>> -> memref<128x128xf32, #tpu.memory_space<vmem>>
      tpu.enqueue_dma source(%dma_start3A_2169 : memref<128x128xf32, #tpu.memory_space<vmem>>) target(%dma_start3A_2165 : memref<128x128xf32, #tpu.memory_space<hbm>>) target_semaphore(%arg13 : memref<!tpu.dma_semaphore, #tpu.memory_space<semaphore_mem>>)
    }
    %scan3A_998 = arith.constant 49 : i32
    %dma_wait3A_999 = arith.constant 0 : i32
    %dma_wait3A_1000 = arith.constant 2 : i32
    %dma_wait3A_1001 = arith.constant 0 : i32
    %dma_wait3A_1002 = arith.constant 0 : i32
    %dma_wait3A_1003 = tpu.memref_slice %arg6[%dma_wait3A_1000, %dma_wait3A_1001, %dma_wait3A_1002] : memref<4x128x128xf32, #tpu.memory_space<vmem>> -> memref<1x128x128xf32, #tpu.memory_space<vmem>>
    %dma_wait3A_1004 = tpu.memref_squeeze %dma_wait3A_1003 : memref<1x128x128xf32, #tpu.memory_space<vmem>> -> memref<128x128xf32, #tpu.memory_space<vmem>>
    %dma_wait3A_1005 = arith.constant 0 : i32
    %dma_wait3A_1006 = tpu.memref_slice %arg5[%dma_wait3A_999, %dma_wait3A_1005] : memref<200x128xi32, #tpu.memory_space<vmem>> -> memref<1x128xi32, #tpu.memory_space<vmem>>
    %dma_wait3A_1007 = tpu.memref_squeeze %dma_wait3A_1006 : memref<1x128xi32, #tpu.memory_space<vmem>> -> memref<128xi32, #tpu.memory_space<vmem>>
    %dma_wait3A_1008 = arith.constant 0 : i32
    %dma_wait3A_1009 = arith.constant 0 : i32
    %dma_wait3A_1010 = tpu.memref_slice %arg7[%dma_wait3A_1008, %dma_wait3A_1009] : memref<4000x128xf32, #tpu.memory_space<vmem_shared>> -> memref<4000x128xf32, #tpu.memory_space<vmem_shared>>
    tpu.wait_indirect_dma semaphore(%arg10 : memref<!tpu.dma_semaphore, #tpu.memory_space<semaphore_mem>>) src(%dma_wait3A_1010 : memref<4000x128xf32, #tpu.memory_space<vmem_shared>>) dst(%dma_wait3A_1004 : memref<128x128xf32, #tpu.memory_space<vmem>>)
    %add3A_1011 = arith.constant 25344 : i32
    %add3A_1012 = arith.addi %mul3A_2, %add3A_1011 : i32
    %dma_start3A_1013 = arith.constant 2 : i32
    %dma_start3A_1014 = arith.constant 0 : i32
    %dma_start3A_1015 = arith.constant 0 : i32
    %dma_start3A_1016 = tpu.memref_slice %arg6[%dma_start3A_1013, %dma_start3A_1014, %dma_start3A_1015] : memref<4x128x128xf32, #tpu.memory_space<vmem>> -> memref<1x128x128xf32, #tpu.memory_space<vmem>>
    %dma_start3A_1017 = tpu.memref_squeeze %dma_start3A_1016 : memref<1x128x128xf32, #tpu.memory_space<vmem>> -> memref<128x128xf32, #tpu.memory_space<vmem>>
    %dma_start3A_1018 = arith.constant 0 : i32
    %dma_start3A_1019 = tpu.memref_slice %arg4[%add3A_1012, %dma_start3A_1018] : memref<819200x128xf32, #tpu.memory_space<hbm>> -> memref<128x128xf32, #tpu.memory_space<hbm>>
    %dma_start3A_1020 = arith.constant 0 : i32
    %dma_start3A_1021 = tpu.memref_slice %arg4[%add3A_1012, %dma_start3A_1020] : memref<819200x128xf32, #tpu.memory_space<hbm>> -> memref<128x128xf32, #tpu.memory_space<hbm>>
    %dma_start3A_1022 = arith.constant 0 : i32
    %dma_start3A_1023 = arith.constant 0 : i32
    %dma_start3A_1024 = tpu.memref_slice %arg6[%dma_start3A_1013, %dma_start3A_1022, %dma_start3A_1023] : memref<4x128x128xf32, #tpu.memory_space<vmem>> -> memref<1x128x128xf32, #tpu.memory_space<vmem>>
    %dma_start3A_1025 = tpu.memref_squeeze %dma_start3A_1024 : memref<1x128x128xf32, #tpu.memory_space<vmem>> -> memref<128x128xf32, #tpu.memory_space<vmem>>
    tpu.enqueue_dma source(%dma_start3A_1025 : memref<128x128xf32, #tpu.memory_space<vmem>>) target(%dma_start3A_1021 : memref<128x128xf32, #tpu.memory_space<hbm>>) target_semaphore(%arg14 : memref<!tpu.dma_semaphore, #tpu.memory_space<semaphore_mem>>)
    %dma_wait3A_1026 = arith.constant 0 : i32
    %dma_wait3A_1027 = arith.constant 0 : i32
    %dma_wait3A_1028 = arith.constant 0 : i32
    %dma_wait3A_1029 = tpu.memref_slice %arg6[%dma_wait3A_1026, %dma_wait3A_1027, %dma_wait3A_1028] : memref<4x128x128xf32, #tpu.memory_space<vmem>> -> memref<1x128x128xf32, #tpu.memory_space<vmem>>
    %dma_wait3A_1030 = tpu.memref_squeeze %dma_wait3A_1029 : memref<1x128x128xf32, #tpu.memory_space<vmem>> -> memref<128x128xf32, #tpu.memory_space<vmem>>
    %dma_wait3A_1031 = arith.constant 0 : i32
    %dma_wait3A_1032 = tpu.memref_slice %arg4[%mul3A_2, %dma_wait3A_1031] : memref<819200x128xf32, #tpu.memory_space<hbm>> -> memref<128x128xf32, #tpu.memory_space<hbm>>
    %dma_wait3A_1033 = arith.constant 0 : i32
    %dma_wait3A_1034 = tpu.memref_slice %arg4[%mul3A_2, %dma_wait3A_1033] : memref<819200x128xf32, #tpu.memory_space<hbm>> -> memref<128x128xf32, #tpu.memory_space<hbm>>
    %dma_wait3A_1035 = arith.constant 0 : i32
    %dma_wait3A_1036 = arith.constant 0 : i32
    %dma_wait3A_1037 = tpu.memref_slice %arg6[%dma_wait3A_1026, %dma_wait3A_1035, %dma_wait3A_1036] : memref<4x128x128xf32, #tpu.memory_space<vmem>> -> memref<1x128x128xf32, #tpu.memory_space<vmem>>
    %dma_wait3A_1038 = tpu.memref_squeeze %dma_wait3A_1037 : memref<1x128x128xf32, #tpu.memory_space<vmem>> -> memref<128x128xf32, #tpu.memory_space<vmem>>
    tpu.wait_dma2 semaphore(%arg12 : memref<!tpu.dma_semaphore, #tpu.memory_space<semaphore_mem>>) src(%dma_wait3A_1038 : memref<128x128xf32, #tpu.memory_space<vmem>>) dst(%dma_wait3A_1034 : memref<128x128xf32, #tpu.memory_space<hbm>>)
    %dma_wait3A_1039 = arith.constant 0 : i32
    %dma_wait3A_1040 = arith.constant 3 : i32
    %dma_wait3A_1041 = arith.constant 0 : i32
    %dma_wait3A_1042 = arith.constant 0 : i32
    %dma_wait3A_1043 = tpu.memref_slice %arg6[%dma_wait3A_1040, %dma_wait3A_1041, %dma_wait3A_1042] : memref<4x128x128xf32, #tpu.memory_space<vmem>> -> memref<1x128x128xf32, #tpu.memory_space<vmem>>
    %dma_wait3A_1044 = tpu.memref_squeeze %dma_wait3A_1043 : memref<1x128x128xf32, #tpu.memory_space<vmem>> -> memref<128x128xf32, #tpu.memory_space<vmem>>
    %dma_wait3A_1045 = arith.constant 0 : i32
    %dma_wait3A_1046 = tpu.memref_slice %arg5[%dma_wait3A_1039, %dma_wait3A_1045] : memref<200x128xi32, #tpu.memory_space<vmem>> -> memref<1x128xi32, #tpu.memory_space<vmem>>
    %dma_wait3A_1047 = tpu.memref_squeeze %dma_wait3A_1046 : memref<1x128xi32, #tpu.memory_space<vmem>> -> memref<128xi32, #tpu.memory_space<vmem>>
    %dma_wait3A_1048 = arith.constant 0 : i32
    %dma_wait3A_1049 = arith.constant 0 : i32
    %dma_wait3A_1050 = tpu.memref_slice %arg7[%dma_wait3A_1048, %dma_wait3A_1049] : memref<4000x128xf32, #tpu.memory_space<vmem_shared>> -> memref<4000x128xf32, #tpu.memory_space<vmem_shared>>
    tpu.wait_indirect_dma semaphore(%arg11 : memref<!tpu.dma_semaphore, #tpu.memory_space<semaphore_mem>>) src(%dma_wait3A_1050 : memref<4000x128xf32, #tpu.memory_space<vmem_shared>>) dst(%dma_wait3A_1044 : memref<128x128xf32, #tpu.memory_space<vmem>>)
    %add3A_1051 = arith.constant 25472 : i32
    %add3A_1052 = arith.addi %mul3A_2, %add3A_1051 : i32
    %dma_start3A_1053 = arith.constant 3 : i32
    %dma_start3A_1054 = arith.constant 0 : i32
    %dma_start3A_1055 = arith.constant 0 : i32
    %dma_start3A_1056 = tpu.memref_slice %arg6[%dma_start3A_1053, %dma_start3A_1054, %dma_start3A_1055] : memref<4x128x128xf32, #tpu.memory_space<vmem>> -> memref<1x128x128xf32, #tpu.memory_space<vmem>>
    %dma_start3A_1057 = tpu.memref_squeeze %dma_start3A_1056 : memref<1x128x128xf32, #tpu.memory_space<vmem>> -> memref<128x128xf32, #tpu.memory_space<vmem>>
    %dma_start3A_1058 = arith.constant 0 : i32
    %dma_start3A_1059 = tpu.memref_slice %arg4[%add3A_1052, %dma_start3A_1058] : memref<819200x128xf32, #tpu.memory_space<hbm>> -> memref<128x128xf32, #tpu.memory_space<hbm>>
    %dma_start3A_1060 = arith.constant 0 : i32
    %dma_start3A_1061 = tpu.memref_slice %arg4[%add3A_1052, %dma_start3A_1060] : memref<819200x128xf32, #tpu.memory_space<hbm>> -> memref<128x128xf32, #tpu.memory_space<hbm>>
    %dma_start3A_1062 = arith.constant 0 : i32
    %dma_start3A_1063 = arith.constant 0 : i32
    %dma_start3A_1064 = tpu.memref_slice %arg6[%dma_start3A_1053, %dma_start3A_1062, %dma_start3A_1063] : memref<4x128x128xf32, #tpu.memory_space<vmem>> -> memref<1x128x128xf32, #tpu.memory_space<vmem>>
    %dma_start3A_1065 = tpu.memref_squeeze %dma_start3A_1064 : memref<1x128x128xf32, #tpu.memory_space<vmem>> -> memref<128x128xf32, #tpu.memory_space<vmem>>
    tpu.enqueue_dma source(%dma_start3A_1065 : memref<128x128xf32, #tpu.memory_space<vmem>>) target(%dma_start3A_1061 : memref<128x128xf32, #tpu.memory_space<hbm>>) target_semaphore(%arg15 : memref<!tpu.dma_semaphore, #tpu.memory_space<semaphore_mem>>)
    %dma_wait3A_1066 = arith.constant 1 : i32
    %dma_wait3A_1067 = arith.constant 0 : i32
    %dma_wait3A_1068 = arith.constant 0 : i32
    %dma_wait3A_1069 = tpu.memref_slice %arg6[%dma_wait3A_1066, %dma_wait3A_1067, %dma_wait3A_1068] : memref<4x128x128xf32, #tpu.memory_space<vmem>> -> memref<1x128x128xf32, #tpu.memory_space<vmem>>
    %dma_wait3A_1070 = tpu.memref_squeeze %dma_wait3A_1069 : memref<1x128x128xf32, #tpu.memory_space<vmem>> -> memref<128x128xf32, #tpu.memory_space<vmem>>
    %dma_wait3A_1071 = arith.constant 0 : i32
    %dma_wait3A_1072 = tpu.memref_slice %arg4[%mul3A_2, %dma_wait3A_1071] : memref<819200x128xf32, #tpu.memory_space<hbm>> -> memref<128x128xf32, #tpu.memory_space<hbm>>
    %dma_wait3A_1073 = arith.constant 0 : i32
    %dma_wait3A_1074 = tpu.memref_slice %arg4[%mul3A_2, %dma_wait3A_1073] : memref<819200x128xf32, #tpu.memory_space<hbm>> -> memref<128x128xf32, #tpu.memory_space<hbm>>
    %dma_wait3A_1075 = arith.constant 0 : i32
    %dma_wait3A_1076 = arith.constant 0 : i32
    %dma_wait3A_1077 = tpu.memref_slice %arg6[%dma_wait3A_1066, %dma_wait3A_1075, %dma_wait3A_1076] : memref<4x128x128xf32, #tpu.memory_space<vmem>> -> memref<1x128x128xf32, #tpu.memory_space<vmem>>
    %dma_wait3A_1078 = tpu.memref_squeeze %dma_wait3A_1077 : memref<1x128x128xf32, #tpu.memory_space<vmem>> -> memref<128x128xf32, #tpu.memory_space<vmem>>
    tpu.wait_dma2 semaphore(%arg13 : memref<!tpu.dma_semaphore, #tpu.memory_space<semaphore_mem>>) src(%dma_wait3A_1078 : memref<128x128xf32, #tpu.memory_space<vmem>>) dst(%dma_wait3A_1074 : memref<128x128xf32, #tpu.memory_space<hbm>>)
    %dma_wait3A_1079 = arith.constant 2 : i32
    %dma_wait3A_1080 = arith.constant 0 : i32
    %dma_wait3A_1081 = arith.constant 0 : i32
    %dma_wait3A_1082 = tpu.memref_slice %arg6[%dma_wait3A_1079, %dma_wait3A_1080, %dma_wait3A_1081] : memref<4x128x128xf32, #tpu.memory_space<vmem>> -> memref<1x128x128xf32, #tpu.memory_space<vmem>>
    %dma_wait3A_1083 = tpu.memref_squeeze %dma_wait3A_1082 : memref<1x128x128xf32, #tpu.memory_space<vmem>> -> memref<128x128xf32, #tpu.memory_space<vmem>>
    %dma_wait3A_1084 = arith.constant 0 : i32
    %dma_wait3A_1085 = tpu.memref_slice %arg4[%mul3A_2, %dma_wait3A_1084] : memref<819200x128xf32, #tpu.memory_space<hbm>> -> memref<128x128xf32, #tpu.memory_space<hbm>>
    %dma_wait3A_1086 = arith.constant 0 : i32
    %dma_wait3A_1087 = tpu.memref_slice %arg4[%mul3A_2, %dma_wait3A_1086] : memref<819200x128xf32, #tpu.memory_space<hbm>> -> memref<128x128xf32, #tpu.memory_space<hbm>>
    %dma_wait3A_1088 = arith.constant 0 : i32
    %dma_wait3A_1089 = arith.constant 0 : i32
    %dma_wait3A_1090 = tpu.memref_slice %arg6[%dma_wait3A_1079, %dma_wait3A_1088, %dma_wait3A_1089] : memref<4x128x128xf32, #tpu.memory_space<vmem>> -> memref<1x128x128xf32, #tpu.memory_space<vmem>>
    %dma_wait3A_1091 = tpu.memref_squeeze %dma_wait3A_1090 : memref<1x128x128xf32, #tpu.memory_space<vmem>> -> memref<128x128xf32, #tpu.memory_space<vmem>>
    tpu.wait_dma2 semaphore(%arg14 : memref<!tpu.dma_semaphore, #tpu.memory_space<semaphore_mem>>) src(%dma_wait3A_1091 : memref<128x128xf32, #tpu.memory_space<vmem>>) dst(%dma_wait3A_1087 : memref<128x128xf32, #tpu.memory_space<hbm>>)
    %dma_wait3A_1092 = arith.constant 3 : i32
    %dma_wait3A_1093 = arith.constant 0 : i32
    %dma_wait3A_1094 = arith.constant 0 : i32
    %dma_wait3A_1095 = tpu.memref_slice %arg6[%dma_wait3A_1092, %dma_wait3A_1093, %dma_wait3A_1094] : memref<4x128x128xf32, #tpu.memory_space<vmem>> -> memref<1x128x128xf32, #tpu.memory_space<vmem>>
    %dma_wait3A_1096 = tpu.memref_squeeze %dma_wait3A_1095 : memref<1x128x128xf32, #tpu.memory_space<vmem>> -> memref<128x128xf32, #tpu.memory_space<vmem>>
    %dma_wait3A_1097 = arith.constant 0 : i32
    %dma_wait3A_1098 = tpu.memref_slice %arg4[%mul3A_2, %dma_wait3A_1097] : memref<819200x128xf32, #tpu.memory_space<hbm>> -> memref<128x128xf32, #tpu.memory_space<hbm>>
    %dma_wait3A_1099 = arith.constant 0 : i32
    %dma_wait3A_1100 = tpu.memref_slice %arg4[%mul3A_2, %dma_wait3A_1099] : memref<819200x128xf32, #tpu.memory_space<hbm>> -> memref<128x128xf32, #tpu.memory_space<hbm>>
    %dma_wait3A_1101 = arith.constant 0 : i32
    %dma_wait3A_1102 = arith.constant 0 : i32
    %dma_wait3A_1103 = tpu.memref_slice %arg6[%dma_wait3A_1092, %dma_wait3A_1101, %dma_wait3A_1102] : memref<4x128x128xf32, #tpu.memory_space<vmem>> -> memref<1x128x128xf32, #tpu.memory_space<vmem>>
    %dma_wait3A_1104 = tpu.memref_squeeze %dma_wait3A_1103 : memref<1x128x128xf32, #tpu.memory_space<vmem>> -> memref<128x128xf32, #tpu.memory_space<vmem>>
    tpu.wait_dma2 semaphore(%arg15 : memref<!tpu.dma_semaphore, #tpu.memory_space<semaphore_mem>>) src(%dma_wait3A_1104 : memref<128x128xf32, #tpu.memory_space<vmem>>) dst(%dma_wait3A_1100 : memref<128x128xf32, #tpu.memory_space<hbm>>)
    return
  }
}

module attributes {stable_mosaic.version = 14 : i64} {
  func.func @_prep_body(%arg0: memref<20x128xf32, #tpu.memory_space<vmem>>, %arg1: memref<200x128xf32, #tpu.memory_space<vmem>>, %arg2: memref<4096xi32, #tpu.memory_space<vmem>>, %arg3: memref<200x20x128xf32, #tpu.memory_space<vmem>>, %arg4: memref<4096x200xi8, #tpu.memory_space<vmem>>) attributes {dimension_semantics = [], scalar_prefetch = 0 : i64, scratch_operands = 0 : i64, tpu.core_type = #tpu.core_type<tc>} {
    %get3A = arith.constant 0 : index
    %get3A_0 = arith.constant 0 : index
    %get3A_1 = vector.load %arg1[%get3A, %get3A_0] : memref<200x128xf32, #tpu.memory_space<vmem>>, vector<200x128xf32>
    %broadcast_in_dim3A = vector.shape_cast %get3A_1 : vector<200x128xf32> to vector<200x1x128xf32>
    %get3A_2 = arith.constant 0 : index
    %get3A_3 = arith.constant 0 : index
    %get3A_4 = vector.load %arg0[%get3A_2, %get3A_3] : memref<20x128xf32, #tpu.memory_space<vmem>>, vector<20x128xf32>
    %broadcast_in_dim3A_5 = vector.shape_cast %get3A_4 : vector<20x128xf32> to vector<1x20x128xf32>
    %add3A = vector.broadcast %broadcast_in_dim3A : vector<200x1x128xf32> to vector<200x20x128xf32>
    %add3A_6 = vector.broadcast %broadcast_in_dim3A_5 : vector<1x20x128xf32> to vector<200x20x128xf32>
    %add3A_7 = arith.addf %add3A, %add3A_6 : vector<200x20x128xf32>
    %swap3A = arith.constant 0 : index
    %swap3A_8 = arith.constant 0 : index
    %swap3A_9 = arith.constant 0 : index
    %swap3A_10 = vector.load %arg3[%swap3A, %swap3A_8, %swap3A_9] : memref<200x20x128xf32, #tpu.memory_space<vmem>>, vector<200x20x128xf32>
    tpu.vector_store %arg3[%swap3A, %swap3A_8, %swap3A_9], %add3A_7 {strides = array<i32>} : memref<200x20x128xf32, #tpu.memory_space<vmem>>, vector<200x20x128xf32>,
    %iota3A = tpu.iota {dimensions = array<i32: 1>} : vector<4096x200xi32>
    %get3A_11 = arith.constant 0 : index
    %get3A_12 = vector.load %arg2[%get3A_11] : memref<4096xi32, #tpu.memory_space<vmem>>, vector<4096xi32>
    %broadcast_in_dim3A_13 = vector.shape_cast %get3A_12 : vector<4096xi32> to vector<4096x1xi32>
    %ge3A = vector.broadcast %broadcast_in_dim3A_13 : vector<4096x1xi32> to vector<4096x200xi32>
    %ge3A_14 = arith.cmpi sge, %iota3A, %ge3A : vector<4096x200xi32>
    %convert_element_type3A = arith.extui %ge3A_14 : vector<4096x200xi1> to vector<4096x200xi8>
    %swap3A_15 = arith.constant 0 : index
    %swap3A_16 = arith.constant 0 : index
    %swap3A_17 = vector.load %arg4[%swap3A_15, %swap3A_16] : memref<4096x200xi8, #tpu.memory_space<vmem>>, vector<4096x200xi8>
    tpu.vector_store %arg4[%swap3A_15, %swap3A_16], %convert_element_type3A {strides = array<i32>} : memref<4096x200xi8, #tpu.memory_space<vmem>>, vector<4096x200xi8>,
    return
  }
}

</mosaic_0001>

<sc_bundles>
// kernel: kernel.4.cloned.1.call-start
scs
__scs_entry_jumppad:
0x0: {  	(pc) =	sbr.rel $0x88, $3  }
0x1: {  	(tag) =	ssettag $0x0;
	lr =	simm.s32 $0x1  }
0x2: {  	[smem:$0x3F9D] =	sst lr;
	_ =	strace $0xD0000000  }
0x3: {  	_ = 	snop  }
0x4: {  	_ = 	snop  }
0x5: {  	_ = 	snop  }
0x6: {  	_ = 	snop  }
0x7: {  	_ = 	snop  }
__scs_overlays_trampoline_lowered:
0x8: {  	[smem:$0x3FAC] =	sst s0  }
0x9: {  	[smem:$0x3FAD] =	sst s1  }
0xa: {  	[smem:$0x3FAE] =	sst s2  }
0xb: {  	[smem:$0x3FAF] =	sst s3  }
0xc: {  	[smem:$0x3FB0] =	sst s4  }
0xd: {  	[smem:$0x3FB1] =	sst s5  }
0xe: {  	[smem:$0x3FB2] =	sst s6  }
0xf: {  	[smem:$0x3FB3] =	sst s7  }
0x10: {  	[smem:$0x3FB4] =	sst s8  }
0x11: {  	[smem:$0x3FB5] =	sst s9;
	s0 =	simm.s32 @!p0 $0x0  }
0x12: {  	s1 =	sld [smem:$0x3F9B];
	s0 =	simm.s32 @p0 $0x1  }
0x13: {  	[smem:$0x3FB6] =	sst s0;
	s0 =	simm.s32 @!p1 $0x0  }
0x14: {  	s2 =	sld [smem:$0x3F9A];
	s0 =	simm.s32 @p1 $0x1  }
0x15: {  	[smem:$0x3FB7] =	sst s0;
	s0 =	simm.s32 @!p2 $0x0  }
0x16: {  	s3 =	sld [smem:$0x3FDB];
	s0 =	simm.s32 @p2 $0x1  }
0x17: {  	s4 =	simm.s32 $0x1BF5;
	[smem:$0x3FB9] =	sst s0  }
0x18: {  	s0 =	sld [smem:$0x3F9C];
	_ =	swait.ge [sflag:s4], $0x0  }
0x19: {  	s7 =	sld [smem:$0x3F9D]  }
0x1a: {  	s8 =	sadd.s32 $0xFFFFE003, lr  }
0x1b: {  	s9 =	sadd.s32 $0xFFFFFEF7, lr;
	s5 =	simm.s32 $0xFFFFFFFF;
	p2 =	slt.u32 s8, $0xFFFFF086  }
0x1c: {  	p1 =	slt.u32 s9, $0xF7A;
	s5 =	simm.s32 @!p2 $0x0  }
0x1d: {  	s5 =	simm.s32 @p1 $0x1;
	p0 =	seq.s32 s7, s2  }
0x1e: {  	s7 =	smul.u32 @!p0 $0xF7A, s2;
	p2 =	seq.s32 @!p0 s5, $0x0  }
0x1f: {  	s9 =	smul.u32 $0xF7A, s1;
	s8 =	simm.s32 @!p0 $0x1BF5;
	p2 =	por !p2, p0  }
0x20: {  	[sflag:s8] =	ssyncset.s32 @!p0 $0xFFFFF086;
	s6 =	sadd.s32 @!p0 s3, s7;
	s7 =	simm.s32 @!p0 $0x108  }
0x21: {  	s3 =	sadd.s32 s3, s9;
	s6 =	sadd.s32 @!p0 $0x88, s6;
	s7 =	simm.s32 @p2 $0x1082  }
0x22: {  	[simem:s7], [sflag:s8] =	dma.local @!p0 [hbm:s6], $0xF7A  }
0x23: {  	s9 =	sor.u32 $0xD0000000, s2;
	s6 =	simm.s32 $0x108;
	_ =	swait.ge @!p0 [sflag:s8], $0x0  }
0x24: {  	s3 =	sadd.s32 $0x88, s3;
	s6 =	simm.s32 @!p1 $0x1082;
	[sflag:s4] =	ssyncset.s32 $0xFFFFF086  }
0x25: {  	[simem:s6], [sflag:s4] =	dma.local [hbm:s3], $0xF7A  }
0x26: {  	[smem:$0x3F9D] =	sst s1;
	(tag) =	ssettag s2;
	_ =	strace s9  }
0x27: {  	s1 =	sld [smem:$0x3FAD]  }
0x28: {  	s2 =	sld [smem:$0x3FAE]  }
0x29: {  	s4 =	sld [smem:$0x3FB0]  }
0x2a: {  	p0 =	seq.s32 s5, $0x0;
	s5 =	sld [smem:$0x3FB1]  }
0x2b: {  	s6 =	sld [smem:$0x3FB2]  }
0x2c: {  	s7 =	sld [smem:$0x3FB3]  }
0x2d: {  	s3 =	simm.s32 $0x108;
	s8 =	sld [smem:$0x3FB4]  }
0x2e: {  	s3 =	simm.s32 @!p0 $0x1082;
	s9 =	sld [smem:$0x3FB5]  }
0x2f: {  	lr =	sadd.s32 s0, s3;
	s0 =	sld [smem:$0x3FAC]  }
0x30: {  	s3 =	sld [smem:$0x3FAF]  }
0x31: {  	[smem:$0x3FB8] =	sst s10  }
0x32: {  	s10 =	sld [smem:$0x3FB6];
	_ =	sdelay $0x3  }
0x33: {  	p0 =	seq.s32 s10, $0x1;
	s10 =	sld [smem:$0x3FB8];
	_ =	sdelay $0x3  }
0x34: {  	[smem:$0x3FB8] =	sst s10  }
0x35: {  	s10 =	sld [smem:$0x3FB7];
	_ =	sdelay $0x3  }
0x36: {  	p1 =	seq.s32 s10, $0x1;
	s10 =	sld [smem:$0x3FB8];
	_ =	sdelay $0x3  }
0x37: {  	[smem:$0x3FB8] =	sst s10  }
0x38: {  	s10 =	sld [smem:$0x3FB9]  }
0x39: {  	_ = 	snop;
	(pc) =	sbr.ind lr, $3  }
0x3a: {  	_ = 	snop  }
0x3b: {  	_ = 	snop  }
0x3c: {  	p2 =	seq.s32 s10, $0x1;
	s10 =	sld [smem:$0x3FB8]  }
0x3d: {  	_ =	shalt  }
0x3e: {  	_ =	shalt  }
0x3f: {  	_ =	shalt  }
0x40: {  	_ =	shalt  }
0x41: {  	_ =	shalt  }
0x42: {  	_ =	shalt  }
0x43: {  	_ =	shalt  }
0x44: {  	_ =	shalt  }
0x45: {  	_ =	shalt  }
0x46: {  	_ =	shalt  }
0x47: {  	_ =	shalt  }
0x48: {  	_ =	shalt  }
0x49: {  	_ =	shalt  }
0x4a: {  	_ =	shalt  }
0x4b: {  	_ =	shalt  }
0x4c: {  	_ =	shalt  }
0x4d: {  	_ =	shalt  }
0x4e: {  	_ =	shalt  }
0x4f: {  	_ =	shalt  }
0x50: {  	_ =	shalt  }
0x51: {  	_ =	shalt  }
0x52: {  	_ =	shalt  }
0x53: {  	_ =	shalt  }
0x54: {  	_ =	shalt  }
0x55: {  	_ =	shalt  }
0x56: {  	_ =	shalt  }
0x57: {  	_ =	shalt  }
0x58: {  	_ =	shalt  }
0x59: {  	_ =	shalt  }
0x5a: {  	_ =	shalt  }
0x5b: {  	_ =	shalt  }
0x5c: {  	_ =	shalt  }
0x5d: {  	_ =	shalt  }
0x5e: {  	_ =	shalt  }
0x5f: {  	_ =	shalt  }
0x60: {  	_ =	shalt  }
0x61: {  	_ =	shalt  }
0x62: {  	_ =	shalt  }
0x63: {  	_ =	shalt  }
0x64: {  	_ =	shalt  }
0x65: {  	_ =	shalt  }
0x66: {  	_ =	shalt  }
0x67: {  	_ =	shalt  }
0x68: {  	_ =	shalt  }
0x69: {  	_ =	shalt  }
0x6a: {  	_ =	shalt  }
0x6b: {  	_ =	shalt  }
0x6c: {  	_ =	shalt  }
0x6d: {  	_ =	shalt  }
0x6e: {  	_ =	shalt  }
0x6f: {  	_ =	shalt  }
0x70: {  	_ =	shalt  }
0x71: {  	_ =	shalt  }
0x72: {  	_ =	shalt  }
0x73: {  	_ =	shalt  }
0x74: {  	_ =	shalt  }
0x75: {  	_ =	shalt  }
0x76: {  	_ =	shalt  }
0x77: {  	_ =	shalt  }
0x78: {  	_ =	shalt  }
0x79: {  	_ =	shalt  }
0x7a: {  	_ =	shalt  }
0x7b: {  	_ =	shalt  }
0x7c: {  	_ =	shalt  }
0x7d: {  	_ =	shalt  }
0x7e: {  	_ =	shalt  }
0x7f: {  	_ =	shalt  }
0x80: {  	_ =	shalt  }
0x81: {  	_ =	shalt  }
0x82: {  	_ =	shalt  }
0x83: {  	_ =	shalt  }
0x84: {  	_ =	shalt  }
0x85: {  	_ =	shalt  }
0x86: {  	_ =	shalt  }
0x87: {  	_ =	shalt  }
.Lfunc_end0:
.L_simem_size_0:
called_computation_lowered:
.L_overlay_start_0:
0x88: {  	s2 =	sld [smem:$0x3FD9]  }
0x89: {  	s3 =	sld [smem:$0x3FFE];
	_ =	sdelay $0x1  }
0x8a: {  	s1 =	srdreg.scid  }
0x8b: {  	s0 =	sand.u32 $0x1, s1  }
0x8c: {  	s14 =	sshll.u32 s0, $0xA;
	s2 =	sadd.s32 s3, s2  }
0x8d: {  	s2 =	sadd.s32 s2, s14  }
0x8e: {  	[smem:$0x3FC4] =	sst s2  }
0x8f: {  	_ = 	snop  }
0x90: {  	s2 =	sld [smem:$0x3FD0];
	_ =	sdelay $0x2  }
0x91: {  	s15 =	simm.s32 $0xA;
	s4 =	simm.s32 $0x10  }
0x92: {  	[smem:s4], [sflag:s15] =	dma.local [hbm:s2], $0x1  }
0x93: {  	_ =	swait.eq [sflag:s15], $0x1  }
0x94: {  	[sflag:s15] =	ssyncset.done $0x0  }
0x95: {  	[sflag:s15] =	ssyncadd.s32 $0xFFFFFFFF  }
0x96: {  	s16 =	sld [smem:$0x10];
	(tm) =	ssettm $0x1  }
0x97: {  	s17 =	sld [smem:$0x3FFB];
	_ =	sdelay $0x3  }
0x98: {  	_ =	strace s17  }
0x99: {  	s3 =	sld [smem:$0x3FFC];
	_ =	sdelay $0x3  }
0x9a: {  	_ =	strace s3  }
0x9b: {  	s3 =	sld [smem:$0x3FFD];
	_ =	sdelay $0x3  }
0x9c: {  	_ =	strace s3  }
0x9d: {  	_ =	strace $0x8FFFFFFF  }
0x9e: {  	s18 =	sld [smem:$0x3FDB];
	_ =	sdelay $0x1  }
0x9f: {  	s19 =	simm.s32 $_scs_section_size  }
0xa0: {  	s5 =	simm.s32 $_size__tile_overlayer_lowered;
	s6 =	simm.s32 $_tile_overlayer_lowered  }
0xa1: {  	s22 =	simm.s32 $0x1BFF;
	s21 =	sshll.u32 s6, $0x1;
	s3 =	sadd.s32 s19, s18  }
0xa2: {  	s7 =	simm.s32 $0x0;
	s20 =	sshll.u32 s5, $0x1;
	s5 =	sadd.s32 s21, s3  }
0xa3: {  	[timem:s7], [sflag:s22] =	dma.local [hbm:s5], s20  }
0xa4: {  	_ =	swait.ge [sflag:s22], s20  }
0xa5: {  	s4 =	ssub.s32 $0x0, s20;
	[sflag:s22] =	ssyncset.done $0x0  }
0xa6: {  	[sflag:s22] =	ssyncadd.s32 s4;
	_ =	sdelay $0x1  }
0xa7: {  	s23 =	simm.s32 $0x1B8B  }
0xa8: {  	_ =	swait.ge [sflag:s23], $0x1  }
0xa9: {  	[sflag:s23] =	ssyncset.done $0x0  }
0xaa: {  	s25 =	simm.s32 $0x1B8E;
	s24 =	sld [smem:$0x3FFE];
	[sflag:s23] =	ssyncadd.s32 $0xFFFFFFFF  }
0xab: {  	s26 =	simm.s32 $execute0_lowered;
	[smem:$0x3FD2] =	sst s25  }
0xac: {  	s5 =	sshll.u32 s26, $0x1;
	_ =	strace $0x80000046;
	[dreg:$0x1] =	wrdreg $0xFFFFFFFF  }
0xad: {  	s28 =	simm.s32 $_size_execute0_lowered;
	s3 =	sadd.s32 s3, s5;
	[dreg:$0x0] =	wrdreg $0x0  }
0xae: {  	s5 =	sshll.u32 s28, $0x1;
	[dreg:$0x2] =	wrdreg s3  }
0xaf: {  	[dreg:$0x3] =	wrdreg s5  }
0xb0: {  	[dreg:$0x4] =	wrdreg $0xC0  }
0xb1: {  	_ =	task [dreg:s7], $0x5FFFF  }
0xb2: {  	[dreg:$0x1] =	wrdreg $0xFFFFFFFF  }
0xb3: {  	[dreg:$0x0] =	wrdreg $0x60  }
0xb4: {  	[dreg:$0x2] =	wrdreg s24  }
0xb5: {  	[dreg:$0x3] =	wrdreg s16  }
0xb6: {  	[dreg:$0x4] =	wrdreg $0x164000  }
0xb7: {  	[dreg:$0x5] =	wrdreg $0x9  }
0xb8: {  	_ =	task.clear_ibuf [dreg:s7], $0x6FFFF;
	_ =	strace $0x90000046  }
0xb9: {  	s29 =	simm.s32 $0x9;
	_ =	strace $0x80000048  }
0xba: {  	_ =	swait.ge [sflag:s29], $0x1  }
0xbb: {  	[sflag:s29] =	ssyncadd.s32 $0xFFFFFFFF  }
0xbc: {  	_ =	strace $0x90000048  }
0xbd: {  	_ =	sfence  }
0xbe: {  	s30 =	sld [smem:$0x0];
	_ =	sdelay $0x2  }
0xbf: {  	s31 =	sshll.u32 s1, $0xD;
	s1 =	sshrl.u32 s1, $0x2  }
0xc0: {  	s3 =	sand.u32 $0x4000, s31;
	s1 =	sadd.s32 s1, s30  }
0xc1: {  	s0 =	sor.u32 s3, s0;
	s1 =	sshll.u32 s1, $0x11  }
0xc2: {  	s0 =	sor.u32 s1, s0  }
0xc3: {  	s0 =	sadd.s32 $0x8F2B, s0  }
0xc4: {  	[sflag:s0] =	ssyncadd.remote.s32 $0x1  }
0xc5: {  	_ =	sfence.sel $0xFFFF  }
0xc6: {  	[dreg:$0x0] =	wrdreg $0xFFFFFFFF;
	(pc) =	sbr.abs _section_cstart, $3  }
0xc7: {  	[dreg:$0x1] =	wrdreg $0xFFFFFFFF  }
0xc8: {  	_ =	task.clear_ibuf [dreg:s7], $0x2FFFF;
	_ =	strace $0x9FFFFFFF  }
0xc9: {  	(tm) =	ssettm $0x7FFFFFFF  }
tec
execute0_lowered:
.L_overlay_start_1:
0x0: {  	(tag) =	ssettag $0x1  }
0x1: {  	s0 =	rddreg [dreg:$0x0]  }
0x2: {  	s1 =	rddreg [dreg:$0x1]  }
0x3: {  	s3 =	srdreg.scid;
	s14 =	stileid.u32  }
0x4: {  	s2 =	rddreg [dreg:$0x2];
	s16 =	simm.s32 $0x9;
	s17 =	simm.s32 $0x80  }
0x5: {  	s18 =	simm.s32 $0x6400;
	s28 =	simm.s32 $0x3;
	s29 =	simm.s32 $0x6  }
0x6: {  	s30 =	simm.s32 $0x4;
	s31 =	simm.s32 $0x7;
	s4 =	sand.u32 $0x1, s3  }
0x7: {  	v2 =	vimm.s32 $0x8C786450;
	v3 =	vimm.s32 $0x3C281400;
	s5 =	sshll.u32 s14, $0x1;
	s3 =	simm.s32 $0x0;
	s8 =	sshll.u32 s14, $0xC  }
0x8: {  	v0 =	vlaneseq.u32;
	vm0 =	vcmask $0x1F10;
	s19 =	sshll.u32 s14, $0xF;
	s13 =	sadd.s32 $0x78000, s2;
	s23 =	smul.u32 $0xC8000, s14  }
0x9: {  	vm9 =	vcmask $0x704;
	vm10 =	vcmask $0xB08;
	vm11 =	vcmask $0xF0C;
	p0 =	seq.s32 s14, $0xF;
	s5 =	sor.u32 s4, s5;
	[smem:$0x7FF] =	sst s3  }
0xa: {  	vm12 =	vcmask $0x1310;
	vm13 =	vcmask $0x1714;
	v1 =	vmul.u32 $0x14, v0;
	s7 =	ssub.s32 $0x2, s4;
	s8 =	sadd.s32 s8, s0;
	s4 =	smul.u32 $0x64000, s4  }
0xb: {  	vm14 =	vcmask $0x1B18;
	vm15 =	vcmask $0x1F1C;
	v4 =	vunpack.c.0.s8.s32 v2;
	s12 =	sadd.s32 s19, s2;
	s13 =	sshrl.u32 @p0 s13, $0x3;
	s6 =	smul.u32 $0x6400, s5  }
0xc: {  	v5 =	vunpack.c.0.s8.s32 v3;
	v26 =	vadd.s32 $0xFFFFFF38, v0;
	s19 =	simm.s32 $0xA400;
	_ =	strace $0x80000047;
	v2 =	vadd.s32 $0x140, v1;
	s20 =	smul.u32 $0x320000, s5  }
0xd: {  	s9 =	sshrl.u32 s7, $0x1;
	v3 =	vadd.s32 $0x280, v1;
	v4 =	vand.u32 $0xFF, v4;
	s21 =	sadd.s32 $0x9200, s8;
	s5 =	smul.u32 $0x64000, s5;
	v11 =	vadd.s32 $0xC80, v1  }
0xe: {  	s26 =	sadd.s32 s23, s1;
	s15 =	sshrl.u32 @!p0 s12, $0x3;
	v15 =	vadd.s32 $0x1E0, v1;
	v16 =	vadd.s32 $0x320, v1;
	v17 =	vadd.s32 $0x460, v1;
	s11 =	ssub.s32 s7, s9  }
0xf: {  	v18 =	vadd.s32 $0x5A0, v1;
	[dreg:$0x5] =	wrdreg s21;
	v13 =	vsel vm0, v4, v5;
	v5 =	vimm.s32 $0xF00;
	s21 =	simm.s32 $0xE400;
	s6 =	sshrl.u32 s6, $0x3  }
0x10: {  	v19 =	vadd.s32 $0x6E0, v1;
	v20 =	vadd.s32 $0x820, v1;
	s22 =	sshrl.u32 s20, $0x3;
	v6 =	vsel vm9, $0xF14, v5;
	s7 =	sadd.s32 s1, s5;
	s11 =	smax.u32 s11, $0x1  }
0x11: {  	v21 =	vadd.s32 $0x960, v1;
	v22 =	vadd.s32 $0xAA0, v1;
	s6 =	sadd.s32 s6, s0;
	s0 =	sadd.s32 $0x18200, s0;
	v7 =	vsel vm10, $0xF28, v6;
	s24 =	sadd.s32 $0x800, s7  }
0x12: {  	v23 =	vadd.s32 $0xBE0, v1;
	v24 =	vadd.s32 $0xD20, v1;
	s6 =	sadd.s32 $0x18C00, s6;
	[dreg:$0x6] =	wrdreg s0;
	s0 =	sadd.s32 s1, s22;
	v8 =	vsel vm11, $0xF3C, v7  }
0x13: {  	v25 =	vadd.s32 $0xE60, v1;
	v4 =	vadd.s32 $0x3C0, v1;
	[dreg:$0x7] =	wrdreg s24;
	s1 =	sshll.u32 @!p0 s14, $0x6;
	s22 =	simm.s32 $0x1;
	v9 =	vsel vm12, $0xF50, v8  }
0x14: {  	v5 =	vadd.s32 $0x500, v1;
	v6 =	vadd.s32 $0x640, v1;
	s24 =	simm.s32 $0x12400;
	[dreg:$0x4] =	wrdreg s6;
	s25 =	sadd.s32 $0x63000, s0;
	v10 =	vsel vm13, $0xF64, v9  }
0x15: {  	v7 =	vadd.s32 $0x780, v1;
	s10 =	sadd.s32 $0x63800, s0;
	s0 =	sadd.s32 s4, s26;
	v8 =	vadd.s32 $0x8C0, v1;
	s14 =	sor.u32 @!p0 $0x1C0A, s1;
	v12 =	vsel vm14, $0xF78, v10  }
0x16: {  	s26 =	simm.s32 $0x5;
	s1 =	simm.s32 $0x8;
	[dreg:$0x8] =	wrdreg s25;
	v9 =	vor.u32 $0xA00, v1;
	v10 =	vadd.s32 $0xB40, v1;
	v14 =	vsel vm15, $0xF8C, v12  }
0x17: {  	s23 =	sadd.s32 $0x1800, s0;
	s25 =	simm.s32 $0x2;
	s0 =	simm.s32 $0x0;
	v12 =	vadd.s32 $0xDC0, v1;
	v13 =	vcombine.low v14, v13;
	v14 =	vadd.s32 $0xA0, v1  }
.LBB2_1:
0x18: {  	s4 =	rddreg [dreg:$0x4]  }
0x19: {  	[tilespmem:s3], [sflag:$0x9] =	stream.linear.gather [hbm4b:s4+s3], $0x6400, $0x38;
	[tilespmem:$0x1E100] =	vst v63  }
0x1a: {  	s5 =	rddreg [dreg:$0x6];
	s4 =	simm.s32 @p0 $0x1FCA  }
0x1b: {  	[spmem:s13], [sflag:s4] =	dma.local @p0 [hbm:s5], $0xA00  }
0x1c: {  	s4 =	simm.s32 @p0 $0xA  }
0x1d: {  	_ =	swait.ge @p0 [sflag:s4], $0xA00  }
0x1e: {  	[sflag:s4] =	ssyncset.done @p0 $0x0  }
0x1f: {  	[sflag:s4] =	ssyncadd.s32 @p0 $0xFFFFF600;
	s4 =	rddreg [dreg:$0x5]  }
0x20: {  	[spmem:s15], [sflag:s14] =	dma.local @!p0 [hbm:s4], $0x1000  }
0x21: {  	s4 =	simm.s32 @!p0 $0xA  }
0x22: {  	_ =	swait.ge @!p0 [sflag:s4], $0x1000  }
0x23: {  	[sflag:s4] =	ssyncset.done @!p0 $0x0  }
0x24: {  	[sflag:s4] =	ssyncadd.s32 @!p0 $0xFFFFF000  }
0x25: {  	[bflag:$0x0] =	sbarrier.arrive $0xFFFF  }
0x26: {  	_ =	swait.ge [sflag:s16], $0x6400  }
0x27: {  	[sflag:s16] =	ssyncset.done $0x0  }
0x28: {  	[sflag:s16] =	ssyncadd.s32 $0xFFFF9C00  }
0x29: {  	v27 =	vld [tilespmem:$0x0]  }
0x2a: {  	v28 =	vld [tilespmem:$0x10]  }
0x2b: {  	v29 =	vld [tilespmem:$0x20]  }
0x2c: {  	v30 =	vld [tilespmem:$0x30]  }
0x2d: {  	v31 =	vld [tilespmem:$0x40]  }
0x2e: {  	v32 =	vld [tilespmem:$0x50];
	v27 =	vadd.s32 v1, v27  }
0x2f: {  	v40 =	vld [tilespmem:$0x60];
	[tilespmem:$0x0] =	vst v27;
	v27 =	vadd.s32 v2, v28  }
0x30: {  	v41 =	vld [tilespmem:$0x70];
	[tilespmem:$0x10] =	vst v27;
	v27 =	vadd.s32 v3, v29  }
0x31: {  	v42 =	vld [tilespmem:$0x80];
	[tilespmem:$0x20] =	vst v27;
	v27 =	vadd.s32 v4, v30  }
0x32: {  	v43 =	vld [tilespmem:$0x90];
	[tilespmem:$0x30] =	vst v27;
	v27 =	vadd.s32 v5, v31  }
0x33: {  	v44 =	vld [tilespmem:$0xA0];
	[tilespmem:$0x40] =	vst v27;
	v27 =	vadd.s32 v6, v32  }
0x34: {  	v45 =	vld [tilespmem:$0xB0];
	[tilespmem:$0x50] =	vst v27;
	v27 =	vadd.s32 v7, v40  }
0x35: {  	v46 =	vld [tilespmem:$0xC0];
	[tilespmem:$0x60] =	vst v27;
	v27 =	vadd.s32 v8, v41  }
0x36: {  	v47 =	vld [tilespmem:$0xD0];
	[tilespmem:$0x70] =	vst v27;
	v27 =	vadd.s32 v9, v42  }
0x37: {  	v48 =	vld [tilespmem:$0xE0];
	[tilespmem:$0x80] =	vst v27;
	v27 =	vadd.s32 v10, v43  }
0x38: {  	v49 =	vld [tilespmem:$0xF0];
	[tilespmem:$0x90] =	vst v27;
	v27 =	vadd.s32 v11, v44  }
0x39: {  	[tilespmem:$0xA0] =	vst v27;
	v27 =	vadd.s32 v12, v45  }
0x3a: {  	[tilespmem:$0xB0] =	vst v27;
	v27 =	vadd.s32 v13, v46  }
0x3b: {  	[tilespmem:$0xC0] =	vst v27;
	v27 =	vadd.s32 v14, v47  }
0x3c: {  	[tilespmem:$0xD0] =	vst v27;
	v27 =	vadd.s32 v15, v48  }
0x3d: {  	[tilespmem:$0xE0] =	vst v27;
	v27 =	vadd.s32 v16, v49  }
0x3e: {  	[tilespmem:$0xF0] =	vst v27  }
0x3f: {  	[tilespmem:s18], [sflag:$0x1] =	stream.indirect.gather [spmem:s2], $0x80, s3, s17, $0xb8;
	[tilespmem:$0x1E100] =	vst v63  }
0x40: {  	_ = 	snop  }
0x41: {  	[tilespmem:s19], [sflag:$0x2] =	stream.indirect.gather [spmem:s2], $0x80, s17, s17, $0xb8;
	[tilespmem:$0x1E100] =	vst v63  }
0x42: {  	v27 =	vld [tilespmem:$0x100]  }
0x43: {  	v50 =	vld [tilespmem:$0x110]  }
0x44: {  	v51 =	vld [tilespmem:$0x120]  }
0x45: {  	v52 =	vld [tilespmem:$0x130]  }
0x46: {  	v53 =	vld [tilespmem:$0x140]  }
0x47: {  	v54 =	vld [tilespmem:$0x150];
	v27 =	vadd.s32 v17, v27  }
0x48: {  	v55 =	vld [tilespmem:$0x160];
	[tilespmem:$0x100] =	vst v27;
	v27 =	vadd.s32 v18, v50  }
0x49: {  	v56 =	vld [tilespmem:$0x170];
	[tilespmem:$0x110] =	vst v27;
	v27 =	vadd.s32 v19, v51  }
0x4a: {  	[tilespmem:$0x120] =	vst v27;
	v27 =	vadd.s32 v20, v52  }
0x4b: {  	[tilespmem:$0x130] =	vst v27;
	v27 =	vadd.s32 v21, v53  }
0x4c: {  	[tilespmem:$0x140] =	vst v27;
	v27 =	vadd.s32 v22, v54  }
0x4d: {  	[tilespmem:$0x150] =	vst v27;
	v27 =	vadd.s32 v23, v55  }
0x4e: {  	[tilespmem:$0x160] =	vst v27;
	v27 =	vadd.s32 v24, v56  }
0x4f: {  	s9 =	simm.s32 $0x100;
	[tilespmem:$0x170] =	vst v27  }
0x50: {  	[tilespmem:s21], [sflag:$0x3] =	stream.indirect.gather [spmem:s2], $0x80, s9, s17, $0xb8;
	[tilespmem:$0x1E100] =	vst v63  }
0x51: {  	_ =	swait.ge [sflag:s22], $0x4000  }
0x52: {  	[sflag:s22] =	ssyncset.done $0x0  }
0x53: {  	[sflag:s22] =	ssyncadd.s32 $0xFFFFC000  }
0x54: {  	[hbm4b:s7+s3] =	stream.linear.scatter [tilespmem:s18], [sflag:$0x5], $0x4000, $0x38;
	[tilespmem:$0x1E100] =	vst v63  }
0x55: {  	v27 =	vld [tilespmem:$0x180]  }
0x56: {  	v57 =	vld [tilespmem:$0x190]  }
0x57: {  	v58 =	vld [tilespmem:$0x1A0]  }
0x58: {  	v59 =	vld [tilespmem:$0x1B0]  }
0x59: {  	v60 =	vld [tilespmem:$0x1C0]  }
0x5a: {  	v61 =	vld [tilespmem:$0x1D0];
	v27 =	vadd.s32 v25, v27  }
0x5b: {  	v62 =	vld [tilespmem:$0x1E0];
	[tilespmem:$0x180] =	vst v27;
	v27 =	vadd.s32 v1, v57  }
0x5c: {  	v63 =	vld [tilespmem:$0x1F0];
	[tilespmem:$0x190] =	vst v27;
	v27 =	vadd.s32 v2, v58  }
0x5d: {  	[tilespmem:$0x1A0] =	vst v27;
	v27 =	vadd.s32 v3, v59  }
0x5e: {  	[tilespmem:$0x1B0] =	vst v27;
	v27 =	vadd.s32 v4, v60  }
0x5f: {  	[tilespmem:$0x1C0] =	vst v27;
	v27 =	vadd.s32 v5, v61  }
0x60: {  	[tilespmem:$0x1D0] =	vst v27;
	v27 =	vadd.s32 v6, v62  }
0x61: {  	[tilespmem:$0x1E0] =	vst v27;
	v27 =	vadd.s32 v7, v63  }
0x62: {  	s12 =	simm.s32 $0x180;
	[tilespmem:$0x1F0] =	vst v27  }
0x63: {  	[tilespmem:s24], [sflag:$0x4] =	stream.indirect.gather [spmem:s2], $0x80, s12, s17, $0xb8;
	[tilespmem:$0x1E100] =	vst v63  }
0x64: {  	_ =	swait.ge [sflag:s25], $0x4000  }
0x65: {  	[sflag:s25] =	ssyncset.done $0x0  }
0x66: {  	s20 =	rddreg [dreg:$0x7];
	[sflag:s25] =	ssyncadd.s32 $0xFFFFC000  }
0x67: {  	[hbm4b:s20+s3] =	stream.linear.scatter [tilespmem:s19], [sflag:$0x6], $0x4000, $0x38;
	[tilespmem:$0x1E100] =	vst v63  }
0x68: {  	s4 =	simm.s32 $0x0;
	s12 =	smov.u32 s23;
	s20 =	simm.s32 $0x380  }
.LBB2_2:
0x69: {  	s5 =	sadd.s32 $0xFFFFFE80, s20  }
0x6a: {  	s6 =	sand.u32 $0xFFF8, s5  }
0x6b: {  	s6 =	sshrl.u32 s6, $0x3  }
0x6c: {  	s6 =	smul.u32 $0x147B, s6;
	_ =	sdelay $0x1  }
0x6d: {  	s6 =	sshrl.u32 s6, $0x11  }
0x6e: {  	s6 =	smul.u32 $0xC8, s6;
	_ =	sdelay $0x1  }
0x6f: {  	s5 =	ssub.s32 s5, s6  }
0x70: {  	s6 =	sand.u32 $0xFFFF, s5  }
0x71: {  	v27 =	vadd.s32 s6, v0;
	v28 =	vadd.s32 s6, v26;
	s8 =	sadd.s32 $0x10, s6  }
0x72: {  	s9 =	sadd.s32 $0x20, s6;
	vm0 =	vgt.u32 v27, $0xC7;
	v29 =	vadd.s32 s8, v0;
	v31 =	vadd.s32 s8, v26  }
0x73: {  	v32 =	vadd.s32 s9, v0;
	v49 =	vadd.s32 s9, v26;
	s9 =	sadd.s32 $0x30, s6;
	v27 =	vsel vm0, v28, v27  }
0x74: {  	s8 =	sadd.s32 $0x40, s6;
	vm10 =	vgt.u32 v29, $0xC7;
	vm11 =	vgt.u32 v32, $0xC7;
	v51 =	vadd.s32 s9, v0  }
0x75: {  	s5 =	sshra.s32 s4, $0x2;
	v53 =	vadd.s32 s9, v26;
	v54 =	vadd.s32 s8, v0;
	v34 =	vadd.s32 s8, v26  }
0x76: {  	v48 =	vld [tilespmem:s5+$0x200];
	s9 =	sadd.s32 $0x50, s6;
	v27 =	vmul.u32 $0x14, v27;
	v29 =	vsel vm10, v31, v29;
	v31 =	vsel vm11, v49, v32  }
0x77: {  	v30 =	vld [tilespmem:s5+$0x210];
	vm12 =	vgt.u32 v51, $0xC7;
	vm13 =	vgt.u32 v54, $0xC7;
	v55 =	vadd.s32 s9, v0  }
0x78: {  	v33 =	vld [tilespmem:s5+$0x220];
	v36 =	vadd.s32 s9, v26;
	s9 =	sadd.s32 $0x60, s6;
	v29 =	vmul.u32 $0x14, v29;
	v50 =	vmul.u32 $0x14, v31  }
0x79: {  	v35 =	vld [tilespmem:s5+$0x240];
	s6 =	sadd.s32 $0x70, s6;
	vm1 =	vgt.u32 v55, $0xC7;
	v31 =	vsel vm13, v34, v54;
	v59 =	vadd.s32 s9, v0  }
0x7a: {  	v52 =	vld [tilespmem:s5+$0x230];
	v61 =	vadd.s32 s9, v26;
	v62 =	vadd.s32 s6, v0;
	v32 =	vadd.s32 s6, v26  }
0x7b: {  	v57 =	vld [tilespmem:s5+$0x250];
	v27 =	vadd.s32 v27, v48;
	v56 =	vsel vm1, v36, v55;
	vm14 =	vgt.u32 v59, $0xC7  }
0x7c: {  	v60 =	vld [tilespmem:s5+$0x260];
	v29 =	vadd.s32 v29, v30;
	v30 =	vsel vm12, v53, v51;
	[tilespmem:s5+$0x200] =	vst v27;
	v27 =	vmul.u32 $0x14, v31  }
0x7d: {  	v37 =	vld [tilespmem:s5+$0x270];
	vm15 =	vgt.u32 v62, $0xC7;
	v28 =	vadd.s32 v50, v33;
	v30 =	vmul.u32 $0x14, v30;
	[tilespmem:s5+$0x210] =	vst v29  }
0x7e: {  	s6 =	sadd.s32 $0xFFFFFF00, s20;
	v58 =	vmul.u32 $0x14, v56;
	v63 =	vsel vm14, v61, v59;
	[tilespmem:s5+$0x220] =	vst v28;
	v27 =	vadd.s32 v27, v35  }
0x7f: {  	s9 =	sand.u32 $0xFFF8, s6;
	v28 =	vmul.u32 $0x14, v63;
	v29 =	vsel vm15, v32, v62;
	v30 =	vadd.s32 v30, v52;
	[tilespmem:s5+$0x240] =	vst v27  }
0x80: {  	s8 =	sshrl.u32 s9, $0x3;
	v29 =	vmul.u32 $0x14, v29;
	v27 =	vadd.s32 v58, v57;
	[tilespmem:s5+$0x230] =	vst v30  }
0x81: {  	s8 =	smul.u32 $0x147B, s8;
	[tilespmem:s5+$0x250] =	vst v27;
	v27 =	vadd.s32 v28, v60  }
0x82: {  	[tilespmem:s5+$0x260] =	vst v27;
	v27 =	vadd.s32 v29, v37  }
0x83: {  	s8 =	sshrl.u32 s8, $0x11;
	[tilespmem:s5+$0x270] =	vst v27  }
0x84: {  	s8 =	smul.u32 $0xC8, s8;
	_ =	swait.ge [sflag:s26], $0x4000  }
0x85: {  	[sflag:s26] =	ssyncset.done $0x0  }
0x86: {  	s9 =	sadd.s32 $0x200, s5;
	s6 =	ssub.s32 s6, s8;
	[sflag:s26] =	ssyncadd.s32 $0xFFFFC000  }
0x87: {  	[tilespmem:s18], [sflag:$0x1] =	stream.indirect.gather [spmem:s2], $0x80, s9, s17, $0xb8;
	[tilespmem:$0x1E100] =	vst v63  }
0x88: {  	s6 =	sand.u32 $0xFFFF, s6;
	_ =	swait.ge [sflag:s28], $0x4000  }
0x89: {  	v27 =	vadd.s32 s6, v0;
	v38 =	vadd.s32 s6, v26;
	s8 =	sadd.s32 $0x10, s6;
	[sflag:s28] =	ssyncset.done $0x0  }
0x8a: {  	vm4 =	vgt.u32 v27, $0xC7;
	v40 =	vadd.s32 s8, v0;
	v42 =	vadd.s32 s8, v26;
	s8 =	sadd.s32 $0x40, s6;
	s9 =	sadd.s32 $0xFFFFF800, s12;
	[sflag:s28] =	ssyncadd.s32 $0xFFFFC000  }
0x8b: {  	v27 =	vsel vm4, v38, v27;
	vm5 =	vgt.u32 v40, $0xC7;
	v50 =	vadd.s32 s8, v0;
	[hbm4b:s9+s3] =	stream.linear.scatter [tilespmem:s21], [sflag:$0x7], $0x4000, $0x38;
	[tilespmem:$0x1E100] =	vst v63  }
0x8c: {  	v52 =	vadd.s32 s8, v26;
	v27 =	vmul.u32 $0x14, v27;
	v29 =	vsel vm5, v42, v40;
	s9 =	sadd.s32 $0x20, s6  }
0x8d: {  	vm8 =	vgt.u32 v50, $0xC7;
	v43 =	vadd.s32 s9, v0;
	v45 =	vadd.s32 s9, v26;
	s9 =	sadd.s32 $0x30, s6  }
0x8e: {  	v29 =	vmul.u32 $0x14, v29;
	v39 =	vld [tilespmem:s5+$0x280];
	vm6 =	vgt.u32 v43, $0xC7;
	v47 =	vadd.s32 s9, v0  }
0x8f: {  	v41 =	vld [tilespmem:s5+$0x290];
	v49 =	vadd.s32 s9, v26;
	s9 =	sadd.s32 $0x50, s6;
	v31 =	vsel vm6, v45, v43;
	vm7 =	vgt.u32 v47, $0xC7  }
0x90: {  	v44 =	vld [tilespmem:s5+$0x2A0];
	v51 =	vadd.s32 s9, v0;
	v54 =	vadd.s32 s9, v26;
	v46 =	vmul.u32 $0x14, v31  }
0x91: {  	v48 =	vld [tilespmem:s5+$0x2B0];
	s9 =	sadd.s32 $0x60, s6;
	s6 =	sadd.s32 $0x70, s6;
	v30 =	vsel vm7, v49, v47;
	vm9 =	vgt.u32 v51, $0xC7;
	v31 =	vsel vm8, v52, v50  }
0x92: {  	v53 =	vld [tilespmem:s5+$0x2C0];
	v58 =	vadd.s32 s9, v0;
	v60 =	vadd.s32 s9, v26;
	v61 =	vadd.s32 s6, v0  }
0x93: {  	v56 =	vld [tilespmem:s5+$0x2D0];
	v32 =	vadd.s32 s6, v26;
	v30 =	vmul.u32 $0x14, v30;
	v27 =	vadd.s32 v27, v39  }
0x94: {  	v59 =	vld [tilespmem:s5+$0x2E0];
	s6 =	sadd.s32 $0xFFFFFF80, s20;
	v55 =	vsel vm9, v54, v51;
	vm10 =	vgt.u32 v58, $0xC7;
	v29 =	vadd.s32 v29, v41;
	[tilespmem:s5+$0x280] =	vst v27  }
0x95: {  	v62 =	vld [tilespmem:s5+$0x2F0];
	vm11 =	vgt.u32 v61, $0xC7;
	s9 =	sand.u32 $0xFFF8, s6;
	v28 =	vadd.s32 v46, v44;
	v27 =	vmul.u32 $0x14, v31;
	[tilespmem:s5+$0x290] =	vst v29  }
0x96: {  	v57 =	vmul.u32 $0x14, v55;
	v63 =	vsel vm10, v60, v58;
	s8 =	sshrl.u32 s9, $0x3;
	v30 =	vadd.s32 v30, v48;
	[tilespmem:s5+$0x2A0] =	vst v28  }
0x97: {  	v28 =	vmul.u32 $0x14, v63;
	v29 =	vsel vm11, v32, v61;
	s8 =	smul.u32 $0x147B, s8;
	[tilespmem:s5+$0x2B0] =	vst v30;
	v27 =	vadd.s32 v27, v53  }
0x98: {  	v29 =	vmul.u32 $0x14, v29;
	[tilespmem:s5+$0x2C0] =	vst v27;
	v27 =	vadd.s32 v57, v56  }
0x99: {  	s8 =	sshrl.u32 s8, $0x11;
	[tilespmem:s5+$0x2D0] =	vst v27;
	v27 =	vadd.s32 v28, v59  }
0x9a: {  	s8 =	smul.u32 $0xC8, s8;
	[tilespmem:s5+$0x2E0] =	vst v27;
	v27 =	vadd.s32 v29, v62  }
0x9b: {  	[tilespmem:s5+$0x2F0] =	vst v27  }
0x9c: {  	s6 =	ssub.s32 s6, s8;
	_ =	swait.ge [sflag:s29], $0x4000  }
0x9d: {  	s6 =	sand.u32 $0xFFFF, s6;
	[sflag:s29] =	ssyncset.done $0x0  }
0x9e: {  	s9 =	sadd.s32 $0x280, s5;
	s8 =	sadd.s32 $0x10, s6;
	[sflag:s29] =	ssyncadd.s32 $0xFFFFC000  }
0x9f: {  	v27 =	vadd.s32 s6, v0;
	v38 =	vadd.s32 s6, v26;
	[tilespmem:s19], [sflag:$0x2] =	stream.indirect.gather [spmem:s2], $0x80, s9, s17, $0xb8;
	[tilespmem:$0x1E100] =	vst v63  }
0xa0: {  	vm12 =	vgt.u32 v27, $0xC7;
	v40 =	vadd.s32 s8, v0;
	v42 =	vadd.s32 s8, v26;
	s8 =	sadd.s32 $0x40, s6;
	_ =	swait.ge [sflag:s30], $0x4000  }
0xa1: {  	v27 =	vsel vm12, v38, v27;
	vm13 =	vgt.u32 v40, $0xC7;
	v50 =	vadd.s32 s8, v0;
	s9 =	sadd.s32 $0x20, s6;
	[sflag:s30] =	ssyncset.done $0x0  }
0xa2: {  	v52 =	vadd.s32 s8, v26;
	v43 =	vadd.s32 s9, v0;
	v45 =	vadd.s32 s9, v26;
	s9 =	sadd.s32 $0x30, s6;
	[sflag:s30] =	ssyncadd.s32 $0xFFFFC000  }
0xa3: {  	v27 =	vmul.u32 $0x14, v27;
	v29 =	vsel vm13, v42, v40;
	vm4 =	vgt.u32 v50, $0xC7;
	[hbm4b:s12+s3] =	stream.linear.scatter [tilespmem:s24], [sflag:$0x8], $0x4000, $0x38;
	[tilespmem:$0x1E100] =	vst v63  }
0xa4: {  	v29 =	vmul.u32 $0x14, v29;
	vm14 =	vgt.u32 v43, $0xC7;
	v47 =	vadd.s32 s9, v0;
	v39 =	vld [tilespmem:s5+$0x300]  }
0xa5: {  	v49 =	vadd.s32 s9, v26;
	s9 =	sadd.s32 $0x50, s6;
	v31 =	vsel vm14, v45, v43;
	vm15 =	vgt.u32 v47, $0xC7;
	v41 =	vld [tilespmem:s5+$0x310]  }
0xa6: {  	v51 =	vadd.s32 s9, v0;
	v54 =	vadd.s32 s9, v26;
	v46 =	vmul.u32 $0x14, v31;
	v44 =	vld [tilespmem:s5+$0x320]  }
0xa7: {  	s9 =	sadd.s32 $0x60, s6;
	s6 =	sadd.s32 $0x70, s6;
	v30 =	vsel vm15, v49, v47;
	vm5 =	vgt.u32 v51, $0xC7;
	v31 =	vsel vm4, v52, v50;
	v48 =	vld [tilespmem:s5+$0x330]  }
0xa8: {  	v58 =	vadd.s32 s9, v0;
	v60 =	vadd.s32 s9, v26;
	v61 =	vadd.s32 s6, v0;
	v53 =	vld [tilespmem:s5+$0x340]  }
0xa9: {  	v32 =	vadd.s32 s6, v26;
	v30 =	vmul.u32 $0x14, v30;
	v56 =	vld [tilespmem:s5+$0x350];
	v27 =	vadd.s32 v27, v39  }
0xaa: {  	v55 =	vsel vm5, v54, v51;
	v59 =	vld [tilespmem:s5+$0x360];
	vm6 =	vgt.u32 v58, $0xC7;
	v29 =	vadd.s32 v29, v41;
	[tilespmem:s5+$0x300] =	vst v27  }
0xab: {  	v62 =	vld [tilespmem:s5+$0x370];
	vm7 =	vgt.u32 v61, $0xC7;
	v28 =	vadd.s32 v46, v44;
	v27 =	vmul.u32 $0x14, v31;
	[tilespmem:s5+$0x310] =	vst v29  }
0xac: {  	s8 =	sand.u32 $0xFFF8, s20;
	v57 =	vmul.u32 $0x14, v55;
	v63 =	vsel vm6, v60, v58;
	v30 =	vadd.s32 v30, v48;
	[tilespmem:s5+$0x320] =	vst v28  }
0xad: {  	s6 =	sshrl.u32 s8, $0x3;
	[tilespmem:s5+$0x330] =	vst v30;
	v28 =	vmul.u32 $0x14, v63;
	v29 =	vsel vm7, v32, v61;
	v27 =	vadd.s32 v27, v53  }
0xae: {  	s6 =	smul.u32 $0x147B, s6;
	v29 =	vmul.u32 $0x14, v29;
	[tilespmem:s5+$0x340] =	vst v27;
	v27 =	vadd.s32 v57, v56  }
0xaf: {  	[tilespmem:s5+$0x350] =	vst v27;
	v27 =	vadd.s32 v28, v59  }
0xb0: {  	s6 =	sshrl.u32 s6, $0x11;
	[tilespmem:s5+$0x360] =	vst v27;
	v27 =	vadd.s32 v29, v62  }
0xb1: {  	s6 =	smul.u32 $0xC8, s6;
	[tilespmem:s5+$0x370] =	vst v27  }
0xb2: {  	_ =	swait.ge [sflag:s31], $0x4000  }
0xb3: {  	s6 =	ssub.s32 s20, s6;
	[sflag:s31] =	ssyncset.done $0x0  }
0xb4: {  	s9 =	sadd.s32 $0x300, s5;
	s6 =	sand.u32 $0xFFFF, s6;
	[sflag:s31] =	ssyncadd.s32 $0xFFFFC000  }
0xb5: {  	[tilespmem:s21], [sflag:$0x3] =	stream.indirect.gather [spmem:s2], $0x80, s9, s17, $0xb8;
	[tilespmem:$0x1E100] =	vst v63  }
0xb6: {  	s8 =	sadd.s32 $0x20, s6;
	_ =	swait.ge [sflag:s22], $0x4000  }
0xb7: {  	v41 =	vadd.s32 s8, v0;
	v42 =	vadd.s32 s8, v26;
	s8 =	sadd.s32 $0x40, s6;
	[sflag:s22] =	ssyncset.done $0x0  }
0xb8: {  	v38 =	vadd.s32 s6, v26;
	vm10 =	vgt.u32 v41, $0xC7;
	v49 =	vadd.s32 s8, v0;
	s9 =	sadd.s32 $0x800, s12;
	[sflag:s22] =	ssyncadd.s32 $0xFFFFC000  }
0xb9: {  	v50 =	vadd.s32 s8, v26;
	v30 =	vsel vm10, v42, v41;
	v27 =	vadd.s32 s6, v0;
	[hbm4b:s9+s3] =	stream.linear.scatter [tilespmem:s18], [sflag:$0x5], $0x4000, $0x38;
	[tilespmem:$0x1E100] =	vst v63  }
0xba: {  	vm12 =	vgt.u32 v49, $0xC7;
	v30 =	vmul.u32 $0x14, v30;
	vm8 =	vgt.u32 v27, $0xC7;
	s9 =	sadd.s32 $0x10, s6  }
0xbb: {  	v31 =	vsel vm12, v50, v49;
	v27 =	vsel vm8, v38, v27;
	v37 =	vadd.s32 s9, v0  }
0xbc: {  	v27 =	vmul.u32 $0x14, v27;
	v36 =	vld [tilespmem:s5+$0x380];
	v39 =	vadd.s32 s9, v26;
	s9 =	sadd.s32 $0x30, s6;
	vm9 =	vgt.u32 v37, $0xC7  }
0xbd: {  	v40 =	vld [tilespmem:s5+$0x390];
	v44 =	vadd.s32 s9, v0;
	v45 =	vadd.s32 s9, v26;
	s9 =	sadd.s32 $0x50, s6;
	v29 =	vsel vm9, v39, v37  }
0xbe: {  	v43 =	vld [tilespmem:s5+$0x3A0];
	vm11 =	vgt.u32 v44, $0xC7;
	v51 =	vadd.s32 s9, v0;
	v53 =	vadd.s32 s9, v26  }
0xbf: {  	v46 =	vld [tilespmem:s5+$0x3B0];
	s9 =	sadd.s32 $0x60, s6;
	s6 =	sadd.s32 $0x70, s6;
	v29 =	vmul.u32 $0x14, v29;
	v48 =	vsel vm11, v45, v44;
	vm13 =	vgt.u32 v51, $0xC7  }
0xc0: {  	v52 =	vld [tilespmem:s5+$0x3C0];
	v57 =	vadd.s32 s9, v0;
	v59 =	vadd.s32 s9, v26;
	v60 =	vadd.s32 s6, v0  }
0xc1: {  	v55 =	vld [tilespmem:s5+$0x3D0];
	v62 =	vadd.s32 s6, v26;
	v54 =	vsel vm13, v53, v51;
	v27 =	vadd.s32 v27, v36  }
0xc2: {  	v58 =	vld [tilespmem:s5+$0x3E0];
	vm14 =	vgt.u32 v57, $0xC7;
	v47 =	vadd.s32 v29, v40;
	v29 =	vmul.u32 $0x14, v48;
	[tilespmem:s5+$0x380] =	vst v27  }
0xc3: {  	v61 =	vld [tilespmem:s5+$0x3F0];
	vm15 =	vgt.u32 v60, $0xC7;
	v30 =	vadd.s32 v30, v43;
	v27 =	vmul.u32 $0x14, v31;
	[tilespmem:s5+$0x390] =	vst v47  }
0xc4: {  	v56 =	vmul.u32 $0x14, v54;
	v28 =	vsel vm14, v59, v57;
	[tilespmem:s5+$0x3A0] =	vst v30;
	v29 =	vadd.s32 v29, v46  }
0xc5: {  	v63 =	vsel vm15, v62, v60;
	v28 =	vmul.u32 $0x14, v28;
	[tilespmem:s5+$0x3B0] =	vst v29;
	v27 =	vadd.s32 v27, v52  }
0xc6: {  	v29 =	vmul.u32 $0x14, v63;
	[tilespmem:s5+$0x3C0] =	vst v27;
	v27 =	vadd.s32 v56, v55  }
0xc7: {  	[tilespmem:s5+$0x3D0] =	vst v27;
	v27 =	vadd.s32 v28, v58  }
0xc8: {  	[tilespmem:s5+$0x3E0] =	vst v27;
	v27 =	vadd.s32 v29, v61  }
0xc9: {  	[tilespmem:s5+$0x3F0] =	vst v27  }
0xca: {  	_ =	swait.ge [sflag:s1], $0x4000  }
0xcb: {  	[sflag:s1] =	ssyncset.done $0x0  }
0xcc: {  	p1 =	sne.s32 s4, $0x18000;
	s5 =	sadd.s32 $0x380, s5;
	[sflag:s1] =	ssyncadd.s32 $0xFFFFC000  }
0xcd: {  	[tilespmem:s24], [sflag:$0x4] =	stream.indirect.gather [spmem:s2], $0x80, s5, s17, $0xb8;
	[tilespmem:$0x1E100] =	vst v63  }
.Ltmp0:
0xce: {  	_ = 	snop;
	(pc) =	sbr.rel @p1 .LBB2_2-.Ltmp0, $4  }
0xcf: {  	_ =	swait.ge [sflag:s25], $0x4000  }
0xd0: {  	s4 =	sadd.s32 $0x800, s4;
	s20 =	sadd.s32 $0x200, s20;
	[sflag:s25] =	ssyncset.done $0x0  }
0xd1: {  	s9 =	sadd.s32 $0x1000, s12;
	s12 =	sadd.s32 $0x2000, s12;
	[sflag:s25] =	ssyncadd.s32 $0xFFFFC000  }
0xd2: {  	[hbm4b:s9+s3] =	stream.linear.scatter [tilespmem:s19], [sflag:$0x6], $0x4000, $0x38;
	[tilespmem:$0x1E100] =	vst v63  }
0xd3: {  	_ =	swait.ge [sflag:s28], $0x4000  }
0xd4: {  	[sflag:s28] =	ssyncset.done $0x0  }
0xd5: {  	s4 =	rddreg [dreg:$0x8];
	[sflag:s28] =	ssyncadd.s32 $0xFFFFC000  }
0xd6: {  	[hbm4b:s4+s3] =	stream.linear.scatter [tilespmem:s21], [sflag:$0x7], $0x4000, $0x38;
	[tilespmem:$0x1E100] =	vst v63  }
0xd7: {  	_ =	swait.ge [sflag:s26], $0x4000  }
0xd8: {  	[sflag:s26] =	ssyncset.done $0x0  }
0xd9: {  	[sflag:s26] =	ssyncadd.s32 $0xFFFFC000  }
0xda: {  	_ =	swait.ge [sflag:s30], $0x4000  }
0xdb: {  	[sflag:s30] =	ssyncset.done $0x0  }
0xdc: {  	[sflag:s30] =	ssyncadd.s32 $0xFFFFC000  }
0xdd: {  	[hbm4b:s10+s3] =	stream.linear.scatter [tilespmem:s24], [sflag:$0x8], $0x4000, $0x38;
	[tilespmem:$0x1E100] =	vst v63  }
0xde: {  	_ =	swait.ge [sflag:s29], $0x4000  }
0xdf: {  	[sflag:s29] =	ssyncset.done $0x0  }
0xe0: {  	s0 =	sadd.s32 $0x1, s0;
	[sflag:s29] =	ssyncadd.s32 $0xFFFFC000  }
0xe1: {  	p1 =	sne.s32 s0, s11;
	_ =	swait.ge [sflag:s31], $0x4000  }
.Ltmp1:
0xe2: {  	[sflag:s31] =	ssyncset.done $0x0;
	(pc) =	sbr.rel @p1 .LBB2_1-.Ltmp1, $4  }
0xe3: {  	[sflag:s31] =	ssyncadd.s32 $0xFFFFC000  }
0xe4: {  	_ =	swait.ge [sflag:s1], $0x4000  }
0xe5: {  	[sflag:s1] =	ssyncset.done $0x0  }
0xe6: {  	[sflag:s1] =	ssyncadd.s32 $0xFFFFC000  }
0xe7: {  	_ =	sfence.sel $0x180000  }
0xe8: {  	[bflag:$0x0] =	sbarrier.arrive $0xFFFF  }
0xe9: {  	_ =	strace $0x90000047  }
0xea: {  	s0 =	stileid.u32;
	[bflag:$0x2] =	sbarrier.arrive $0xFFFF  }
0xeb: {  	p0 =	sne.s32 s0, $0x0;
	s0 =	rddreg [dreg:$0x3]  }
0xec: {  	s0 =	sadd.s32 @!p0 $0x100000, s0  }
0xed: {  	[sflag:s0] =	ssyncadd.tile.s32 @!p0 $0x1;
	_ =	shalt  }
.Lfunc_end2:
_tile_overlayer_lowered:
.L_overlay_start_2:
0xee: {  	(tag) =	ssettag $0x2  }
0xef: {  	s0 =	rddreg [dreg:$0x0];
	s2 =	stileid.u32  }
0xf0: {  	s1 =	rddreg [dreg:$0x1];
	p0 =	sne.s32 s2, $0x0  }
0xf1: {  	s3 =	rddreg [dreg:$0x2];
	[bflag:$0x3] =	sbarrier.arrive $0xFFFF;
	s2 =	simm.s32 @!p0 $0x1C0A  }
0xf2: {  	[timem:s3], [sflag:s2] =	dma.local @!p0 [hbm:s0], s1  }
0xf3: {  	s0 =	simm.s32 @!p0 $0xA  }
0xf4: {  	_ =	swait.ge @!p0 [sflag:s0], s1  }
0xf5: {  	s1 =	ssub.s32 @!p0 $0x0, s1;
	[sflag:s0] =	ssyncset.done @!p0 $0x0  }
0xf6: {  	[sflag:s0] =	ssyncadd.s32 @!p0 s1  }
0xf7: {  	[bflag:$0x3] =	sbarrier.arrive $0xFFFF  }
0xf8: {  	_ =	shalt  }

</sc_bundles>
